<compile_context>
chip_gen: v7x
topology: tpu7x:2x2x1
jax: 0.10.2.dev20260603
libtpu: 0.0.44.dev20260713+nightly
codegen_flags: <defaults>
</compile_context>

<pallas_src>
import jax
import jax.numpy as jnp
from jax import lax
from jax.experimental import pallas as pl
from jax.experimental.pallas import tpu as pltpu
from jax.experimental.pallas import tpu_sc as plsc

_B = 128
_T = 196
_C = 768
_P = 1024
_K = 8
_L = 8
_KL = _K * _L
_BB = 16
_GRID = _B // _BB
_NC = 2
_NS = 16
_NW = _NC * _NS
_KPW = _KL // _NW


def _main_body(x_ref, pk_ref, simo_ref, idx_ref, i64_ref, xn_ref,
               pet_ref, pn_ref, wsem):
    step = pl.program_id(0)
    tail_cp = pltpu.make_async_copy(
        x_ref, pet_ref.at[pl.ds(_KL, _T), pl.ds(step * _BB, _BB), :], wsem)
    tail_cp.start()

    @pl.when(step == 0)
    def _():
        pk = pk_ref[...]
        ssq0 = jnp.sum(pk * pk, axis=1, keepdims=True)
        pn_ref[...] = pk * lax.rsqrt(jnp.maximum(ssq0, 1e-12))

    x = x_ref[...]
    xm = jnp.mean(x, axis=0)
    ssq = jnp.sum(xm * xm, axis=1, keepdims=True)
    xn = xm * lax.rsqrt(jnp.maximum(ssq, 1e-12))
    pn = pn_ref[...]
    s = lax.dot_general(xn, pn, (((1,), (1,)), ((), ())),
                        preferred_element_type=jnp.float32)
    simo_ref[...] = s
    iota = lax.broadcasted_iota(jnp.int32, (_BB, _P), 1)
    work = s
    cols = []
    for _ in range(_K):
        m = jnp.max(work, axis=1, keepdims=True)
        cand = jnp.where(work == m, iota, jnp.int32(2**30))
        a = jnp.min(cand, axis=1)
        cols.append(a[:, None])
        work = jnp.where(iota == a[:, None], -jnp.inf, work)
    idx = jnp.concatenate(cols, axis=1)
    idx_ref[...] = idx
    r64 = []
    for k in range(_K):
        av = cols[k][:, 0] * _L
        for j in range(_L):
            r64.append((av + j)[None, :])
    i64_ref[0] = jnp.concatenate(r64, axis=0)
    xn_ref[...] = xn
    tail_cp.wait()


def _sim_body(pk_ref, xn_ref, idx_ref, sim_ref, rsum_ref):
    pk = pk_ref[...]
    ssq0 = jnp.sum(pk * pk, axis=1, keepdims=True)
    pn = pk * lax.rsqrt(jnp.maximum(ssq0, 1e-12))
    xn = xn_ref[...]
    idx = idx_ref[...]
    iota3 = lax.broadcasted_iota(jnp.int32, (_B, _K, _P), 2)
    oh = (iota3 == idx[:, :, None]).astype(jnp.float32)
    bkn = jnp.dot(oh.reshape(_B * _K, _P), pn,
                  preferred_element_type=jnp.float32).reshape(_B, _K, _C)
    simv = bkn * xn[:, None, :]
    sim_ref[...] = simv
    rsum_ref[0, 0] = jnp.sum(simv) * (1.0 / _B)


def _gather_body(ptab_ref, idx64t_ref, pet_ref, bp_ref, idxv, rows0, rows1,
                 sem, wsem):
    wid = lax.axis_index("s") * _NC + lax.axis_index("c")
    hb = _B // 2
    bufs = (rows0, rows1)
    stage = []
    for t in range(_KPW):
        for g in range(_GRID):
            stage.append(pltpu.async_copy(
                idx64t_ref.at[g, wid * _KPW + t],
                idxv.at[t, pl.ds(g * _BB, _BB)], sem))
    for h_ in stage:
        h_.wait()

    def _gather(c, buf):
        sel = idxv.at[c // 2, pl.ds((c % 2) * hb, hb)]
        return pltpu.async_copy(ptab_ref.at[sel], buf, sem)

    nchunk = 2 * _KPW
    pending = _gather(0, bufs[0])
    writes = [None, None]
    for c in range(nchunk):
        pending.wait()
        if c + 1 < nchunk:
            if writes[(c + 1) % 2] is not None:
                for w in writes[(c + 1) % 2]:
                    w.wait()
            pending = _gather(c + 1, bufs[(c + 1) % 2])
        kk = wid * _KPW + c // 2
        h = (c % 2) * hb
        writes[c % 2] = (
            pltpu.async_copy(bufs[c % 2], pet_ref.at[kk, pl.ds(h, hb)], wsem),
            pltpu.async_copy(bufs[c % 2], bp_ref.at[pl.ds(h, hb), kk], wsem),
        )
    for ws in writes:
        if ws is not None:
            for w in ws:
                w.wait()


def kernel(x_embed, prompt, prompt_key):
    f32 = jnp.float32
    x_t = jnp.transpose(x_embed, (1, 0, 2))
    similarity, idx, idx64t3, xn, pet_partial = pl.pallas_call(
        _main_body,
        grid=(_GRID,),
        in_specs=[
            pl.BlockSpec((_T, _BB, _C), lambda i: (0, i, 0)),
            pl.BlockSpec((_P, _C), lambda i: (0, 0)),
        ],
        out_specs=[
            pl.BlockSpec((_BB, _P), lambda i: (i, 0)),
            pl.BlockSpec((_BB, _K), lambda i: (i, 0)),
            pl.BlockSpec((1, _KL, _BB), lambda i: (i, 0, 0)),
            pl.BlockSpec((_BB, _C), lambda i: (i, 0)),
            pl.BlockSpec(memory_space=pl.ANY),
        ],
        out_shape=[
            jax.ShapeDtypeStruct((_B, _P), f32),
            jax.ShapeDtypeStruct((_B, _K), jnp.int32),
            jax.ShapeDtypeStruct((_GRID, _KL, _BB), jnp.int32),
            jax.ShapeDtypeStruct((_B, _C), f32),
            jax.ShapeDtypeStruct((_KL + _T, _B, _C), f32),
        ],
        scratch_shapes=[pltpu.VMEM((_P, _C), f32), pltpu.SemaphoreType.DMA],
    )(x_t, prompt_key)

    sim, rsum = pl.pallas_call(
        _sim_body,
        out_shape=[
            jax.ShapeDtypeStruct((_B, _K, _C), f32),
            jax.ShapeDtypeStruct((1, 1), f32),
        ],
        out_specs=[
            pl.BlockSpec((_B, _K, _C), lambda: (0, 0, 0)),
            pl.BlockSpec((1, 1), lambda: (0, 0), memory_space=pltpu.SMEM),
        ],
    )(prompt_key, xn, idx)

    ptab = prompt.reshape(_P * _L, _C)

    pet_ref = jax.new_ref(pet_partial)
    mesh = plsc.VectorSubcoreMesh(core_axis_name="c", subcore_axis_name="s",
                                  num_cores=_NC, num_subcores=_NS)
    bp = pl.kernel(
        _gather_body,
        out_type=jax.ShapeDtypeStruct((_B, _KL, _C), f32),
        mesh=mesh,
        scratch_types=[
            pltpu.VMEM((_KPW, _B), jnp.int32),
            pltpu.VMEM((_B // 2, _C), f32),
            pltpu.VMEM((_B // 2, _C), f32),
            pltpu.SemaphoreType.DMA,
            pltpu.SemaphoreType.DMA,
        ],
    )(ptab, idx64t3, pet_ref)
    pe = jnp.transpose(pet_ref[...], (1, 0, 2))

    return (pe, similarity, rsum.reshape(()), idx, bp, sim)

# --- scband reference (transcript-rebuilt; emitter-appended) ---
"""Pipeline reference for scband-prompt-90134183673906 (READ-ONLY COPY).

The authoritative reference and input builder live on the scoring server;
editing this copy changes nothing except your own understanding.
"""

import jax, jax.numpy as jnp
import numpy as np


def l2_normalize(x, axis=None, eps=1e-12):
    square_sum = jnp.sum(x ** 2, axis=axis, keepdims=True)
    x_inv_norm = jax.lax.rsqrt(jnp.maximum(square_sum, eps))
    return x * x_inv_norm


def setup_inputs(seed: int = 0):
    key = jax.random.key(seed)
    k1, k2, k3 = jax.random.split(key, 3)
    x_embed = jax.random.normal(k1, (128, 196, 768), dtype=jnp.float32)
    prompt = jax.random.uniform(k2, (1024, 8, 768), minval=-1.0, maxval=1.0, dtype=jnp.float32)
    prompt_key = jax.random.uniform(k3, (1024, 768), minval=-1.0, maxval=1.0, dtype=jnp.float32)
    return {"x_embed": x_embed, "prompt": prompt, "prompt_key": prompt_key}


def reference(x_embed, prompt, prompt_key):
    top_k = 8
    # embedding_key == 'mean'
    x_embed_mean = jnp.mean(x_embed, axis=1)
    prompt_norm = l2_normalize(prompt_key, axis=1)
    x_embed_norm = l2_normalize(x_embed_mean, axis=1)
    similarity = jnp.matmul(x_embed_norm, prompt_norm.T)
    _, idx = jax.lax.top_k(similarity, top_k)
    batched_prompt_raw = prompt[idx]  # [B, top_k, length, C]
    B, tk, L, C = batched_prompt_raw.shape
    batched_prompt = batched_prompt_raw.reshape(B, tk * L, C)
    batched_key_norm = prompt_norm[idx]  # [B, top_k, C]
    x_embed_norm_e = x_embed_norm[:, None, :]
    sim = batched_key_norm * x_embed_norm_e
    reduce_sim = jnp.sum(sim) / x_embed.shape[0]
    prompted_embedding = jnp.concatenate([batched_prompt, x_embed], axis=1)
    return (prompted_embedding, similarity, reduce_sim, idx, batched_prompt, sim)

if __name__ == "__main__":
    import jax
    _d = setup_inputs()
    print(jax.jit(kernel)(*tuple(_d.values())))

</pallas_src>

<mosaic_0001>
#map = affine_map<(d0, d1) -> (0, 0)>
#map1 = affine_map<(d0, d1) -> (0, 0, 0)>
module attributes {stable_mosaic.version = 14 : i64} {
  func.func @new_body(%arg0: i32, %arg1: i32, %arg2: memref<8192x768xf32, #tpu.memory_space<hbm>>, %arg3: memref<8x64x16xi32, #tpu.memory_space<hbm>>, %arg4: memref<260x128x768xf32, #tpu.memory_space<hbm>>, %arg5: memref<128x64x768xf32, #tpu.memory_space<hbm>>, %arg6: memref<260x128x768xf32, #tpu.memory_space<hbm>>, %arg7: memref<2x128xi32, #tpu.memory_space<vmem>>, %arg8: memref<64x768xf32, #tpu.memory_space<vmem>>, %arg9: memref<64x768xf32, #tpu.memory_space<vmem>>, %arg10: memref<!tpu.dma_semaphore, #tpu.memory_space<semaphore_mem>>, %arg11: memref<!tpu.dma_semaphore, #tpu.memory_space<semaphore_mem>>) attributes {dimension_semantics = [#tpu.dimension_semantics<core_parallel>, #tpu.dimension_semantics<subcore_parallel>], iteration_bounds = array<i64: 2, 16>, scalar_prefetch = 0 : i64, scratch_operands = 5 : i64, tpu.core_type = #tpu.core_type<sc_vector_subcore>, window_params = [{transform_indices = #map}, {transform_indices = #map1}, {transform_indices = #map1}, {transform_indices = #map1}, {transform_indices = #map1}]} {
    %mul3A = arith.constant 2 : i32
    %mul3A_0 = arith.muli %arg1, %mul3A : i32
    %add3A = arith.addi %mul3A_0, %arg0 : i32
    %mul3A_1 = arith.constant 2 : i32
    %mul3A_2 = arith.muli %add3A, %mul3A_1 : i32
    %add3A_3 = arith.constant 0 : i32
    %add3A_4 = arith.addi %mul3A_2, %add3A_3 : i32
    %dma_start3A = arith.constant 0 : i32
    %dma_start3A_5 = arith.constant 0 : i32
    %dma_start3A_6 = arith.constant 0 : i32
    %dma_start3A_7 = tpu.memref_slice %arg7[%dma_start3A_5, %dma_start3A_6] : memref<2x128xi32, #tpu.memory_space<vmem>> -> memref<1x16xi32, #tpu.memory_space<vmem>>
    %dma_start3A_8 = tpu.memref_squeeze %dma_start3A_7 : memref<1x16xi32, #tpu.memory_space<vmem>> -> memref<16xi32, #tpu.memory_space<vmem>>
    %dma_start3A_9 = arith.constant 0 : i32
    %dma_start3A_10 = tpu.memref_slice %arg3[%dma_start3A, %add3A_4, %dma_start3A_9] : memref<8x64x16xi32, #tpu.memory_space<hbm>> -> memref<1x1x16xi32, #tpu.memory_space<hbm>>
    %dma_start3A_11 = tpu.memref_squeeze %dma_start3A_10 : memref<1x1x16xi32, #tpu.memory_space<hbm>> -> memref<16xi32, #tpu.memory_space<hbm>>
    %dma_start3A_12 = arith.constant 0 : i32
    %dma_start3A_13 = tpu.memref_slice %arg7[%dma_start3A_5, %dma_start3A_12] : memref<2x128xi32, #tpu.memory_space<vmem>> -> memref<1x16xi32, #tpu.memory_space<vmem>>
    %dma_start3A_14 = tpu.memref_squeeze %dma_start3A_13 : memref<1x16xi32, #tpu.memory_space<vmem>> -> memref<16xi32, #tpu.memory_space<vmem>>
    %dma_start3A_15 = arith.constant 0 : i32
    %dma_start3A_16 = tpu.memref_slice %arg3[%dma_start3A, %add3A_4, %dma_start3A_15] : memref<8x64x16xi32, #tpu.memory_space<hbm>> -> memref<1x1x16xi32, #tpu.memory_space<hbm>>
    %dma_start3A_17 = tpu.memref_squeeze %dma_start3A_16 : memref<1x1x16xi32, #tpu.memory_space<hbm>> -> memref<16xi32, #tpu.memory_space<hbm>>
    tpu.enqueue_dma source(%dma_start3A_17 : memref<16xi32, #tpu.memory_space<hbm>>) target(%dma_start3A_14 : memref<16xi32, #tpu.memory_space<vmem>>) target_semaphore(%arg10 : memref<!tpu.dma_semaphore, #tpu.memory_space<semaphore_mem>>)
    %mul3A_18 = arith.constant 2 : i32
    %mul3A_19 = arith.muli %add3A, %mul3A_18 : i32
    %add3A_20 = arith.constant 0 : i32
    %add3A_21 = arith.addi %mul3A_19, %add3A_20 : i32
    %dma_start3A_22 = arith.constant 1 : i32
    %dma_start3A_23 = arith.constant 0 : i32
    %dma_start3A_24 = arith.constant 16 : i32
    %dma_start3A_25 = tpu.memref_slice %arg7[%dma_start3A_23, %dma_start3A_24] : memref<2x128xi32, #tpu.memory_space<vmem>> -> memref<1x16xi32, #tpu.memory_space<vmem>>
    %dma_start3A_26 = tpu.memref_squeeze %dma_start3A_25 : memref<1x16xi32, #tpu.memory_space<vmem>> -> memref<16xi32, #tpu.memory_space<vmem>>
    %dma_start3A_27 = arith.constant 0 : i32
    %dma_start3A_28 = tpu.memref_slice %arg3[%dma_start3A_22, %add3A_21, %dma_start3A_27] : memref<8x64x16xi32, #tpu.memory_space<hbm>> -> memref<1x1x16xi32, #tpu.memory_space<hbm>>
    %dma_start3A_29 = tpu.memref_squeeze %dma_start3A_28 : memref<1x1x16xi32, #tpu.memory_space<hbm>> -> memref<16xi32, #tpu.memory_space<hbm>>
    %dma_start3A_30 = arith.constant 16 : i32
    %dma_start3A_31 = tpu.memref_slice %arg7[%dma_start3A_23, %dma_start3A_30] : memref<2x128xi32, #tpu.memory_space<vmem>> -> memref<1x16xi32, #tpu.memory_space<vmem>>
    %dma_start3A_32 = tpu.memref_squeeze %dma_start3A_31 : memref<1x16xi32, #tpu.memory_space<vmem>> -> memref<16xi32, #tpu.memory_space<vmem>>
    %dma_start3A_33 = arith.constant 0 : i32
    %dma_start3A_34 = tpu.memref_slice %arg3[%dma_start3A_22, %add3A_21, %dma_start3A_33] : memref<8x64x16xi32, #tpu.memory_space<hbm>> -> memref<1x1x16xi32, #tpu.memory_space<hbm>>
    %dma_start3A_35 = tpu.memref_squeeze %dma_start3A_34 : memref<1x1x16xi32, #tpu.memory_space<hbm>> -> memref<16xi32, #tpu.memory_space<hbm>>
    tpu.enqueue_dma source(%dma_start3A_35 : memref<16xi32, #tpu.memory_space<hbm>>) target(%dma_start3A_32 : memref<16xi32, #tpu.memory_space<vmem>>) target_semaphore(%arg10 : memref<!tpu.dma_semaphore, #tpu.memory_space<semaphore_mem>>)
    %mul3A_36 = arith.constant 2 : i32
    %mul3A_37 = arith.muli %add3A, %mul3A_36 : i32
    %add3A_38 = arith.constant 0 : i32
    %add3A_39 = arith.addi %mul3A_37, %add3A_38 : i32
    %dma_start3A_40 = arith.constant 2 : i32
    %dma_start3A_41 = arith.constant 0 : i32
    %dma_start3A_42 = arith.constant 32 : i32
    %dma_start3A_43 = tpu.memref_slice %arg7[%dma_start3A_41, %dma_start3A_42] : memref<2x128xi32, #tpu.memory_space<vmem>> -> memref<1x16xi32, #tpu.memory_space<vmem>>
    %dma_start3A_44 = tpu.memref_squeeze %dma_start3A_43 : memref<1x16xi32, #tpu.memory_space<vmem>> -> memref<16xi32, #tpu.memory_space<vmem>>
    %dma_start3A_45 = arith.constant 0 : i32
    %dma_start3A_46 = tpu.memref_slice %arg3[%dma_start3A_40, %add3A_39, %dma_start3A_45] : memref<8x64x16xi32, #tpu.memory_space<hbm>> -> memref<1x1x16xi32, #tpu.memory_space<hbm>>
    %dma_start3A_47 = tpu.memref_squeeze %dma_start3A_46 : memref<1x1x16xi32, #tpu.memory_space<hbm>> -> memref<16xi32, #tpu.memory_space<hbm>>
    %dma_start3A_48 = arith.constant 32 : i32
    %dma_start3A_49 = tpu.memref_slice %arg7[%dma_start3A_41, %dma_start3A_48] : memref<2x128xi32, #tpu.memory_space<vmem>> -> memref<1x16xi32, #tpu.memory_space<vmem>>
    %dma_start3A_50 = tpu.memref_squeeze %dma_start3A_49 : memref<1x16xi32, #tpu.memory_space<vmem>> -> memref<16xi32, #tpu.memory_space<vmem>>
    %dma_start3A_51 = arith.constant 0 : i32
    %dma_start3A_52 = tpu.memref_slice %arg3[%dma_start3A_40, %add3A_39, %dma_start3A_51] : memref<8x64x16xi32, #tpu.memory_space<hbm>> -> memref<1x1x16xi32, #tpu.memory_space<hbm>>
    %dma_start3A_53 = tpu.memref_squeeze %dma_start3A_52 : memref<1x1x16xi32, #tpu.memory_space<hbm>> -> memref<16xi32, #tpu.memory_space<hbm>>
    tpu.enqueue_dma source(%dma_start3A_53 : memref<16xi32, #tpu.memory_space<hbm>>) target(%dma_start3A_50 : memref<16xi32, #tpu.memory_space<vmem>>) target_semaphore(%arg10 : memref<!tpu.dma_semaphore, #tpu.memory_space<semaphore_mem>>)
    %mul3A_54 = arith.constant 2 : i32
    %mul3A_55 = arith.muli %add3A, %mul3A_54 : i32
    %add3A_56 = arith.constant 0 : i32
    %add3A_57 = arith.addi %mul3A_55, %add3A_56 : i32
    %dma_start3A_58 = arith.constant 3 : i32
    %dma_start3A_59 = arith.constant 0 : i32
    %dma_start3A_60 = arith.constant 48 : i32
    %dma_start3A_61 = tpu.memref_slice %arg7[%dma_start3A_59, %dma_start3A_60] : memref<2x128xi32, #tpu.memory_space<vmem>> -> memref<1x16xi32, #tpu.memory_space<vmem>>
    %dma_start3A_62 = tpu.memref_squeeze %dma_start3A_61 : memref<1x16xi32, #tpu.memory_space<vmem>> -> memref<16xi32, #tpu.memory_space<vmem>>
    %dma_start3A_63 = arith.constant 0 : i32
    %dma_start3A_64 = tpu.memref_slice %arg3[%dma_start3A_58, %add3A_57, %dma_start3A_63] : memref<8x64x16xi32, #tpu.memory_space<hbm>> -> memref<1x1x16xi32, #tpu.memory_space<hbm>>
    %dma_start3A_65 = tpu.memref_squeeze %dma_start3A_64 : memref<1x1x16xi32, #tpu.memory_space<hbm>> -> memref<16xi32, #tpu.memory_space<hbm>>
    %dma_start3A_66 = arith.constant 48 : i32
    %dma_start3A_67 = tpu.memref_slice %arg7[%dma_start3A_59, %dma_start3A_66] : memref<2x128xi32, #tpu.memory_space<vmem>> -> memref<1x16xi32, #tpu.memory_space<vmem>>
    %dma_start3A_68 = tpu.memref_squeeze %dma_start3A_67 : memref<1x16xi32, #tpu.memory_space<vmem>> -> memref<16xi32, #tpu.memory_space<vmem>>
    %dma_start3A_69 = arith.constant 0 : i32
    %dma_start3A_70 = tpu.memref_slice %arg3[%dma_start3A_58, %add3A_57, %dma_start3A_69] : memref<8x64x16xi32, #tpu.memory_space<hbm>> -> memref<1x1x16xi32, #tpu.memory_space<hbm>>
    %dma_start3A_71 = tpu.memref_squeeze %dma_start3A_70 : memref<1x1x16xi32, #tpu.memory_space<hbm>> -> memref<16xi32, #tpu.memory_space<hbm>>
    tpu.enqueue_dma source(%dma_start3A_71 : memref<16xi32, #tpu.memory_space<hbm>>) target(%dma_start3A_68 : memref<16xi32, #tpu.memory_space<vmem>>) target_semaphore(%arg10 : memref<!tpu.dma_semaphore, #tpu.memory_space<semaphore_mem>>)
    %mul3A_72 = arith.constant 2 : i32
    %mul3A_73 = arith.muli %add3A, %mul3A_72 : i32
    %add3A_74 = arith.constant 0 : i32
    %add3A_75 = arith.addi %mul3A_73, %add3A_74 : i32
    %dma_start3A_76 = arith.constant 4 : i32
    %dma_start3A_77 = arith.constant 0 : i32
    %dma_start3A_78 = arith.constant 64 : i32
    %dma_start3A_79 = tpu.memref_slice %arg7[%dma_start3A_77, %dma_start3A_78] : memref<2x128xi32, #tpu.memory_space<vmem>> -> memref<1x16xi32, #tpu.memory_space<vmem>>
    %dma_start3A_80 = tpu.memref_squeeze %dma_start3A_79 : memref<1x16xi32, #tpu.memory_space<vmem>> -> memref<16xi32, #tpu.memory_space<vmem>>
    %dma_start3A_81 = arith.constant 0 : i32
    %dma_start3A_82 = tpu.memref_slice %arg3[%dma_start3A_76, %add3A_75, %dma_start3A_81] : memref<8x64x16xi32, #tpu.memory_space<hbm>> -> memref<1x1x16xi32, #tpu.memory_space<hbm>>
    %dma_start3A_83 = tpu.memref_squeeze %dma_start3A_82 : memref<1x1x16xi32, #tpu.memory_space<hbm>> -> memref<16xi32, #tpu.memory_space<hbm>>
    %dma_start3A_84 = arith.constant 64 : i32
    %dma_start3A_85 = tpu.memref_slice %arg7[%dma_start3A_77, %dma_start3A_84] : memref<2x128xi32, #tpu.memory_space<vmem>> -> memref<1x16xi32, #tpu.memory_space<vmem>>
    %dma_start3A_86 = tpu.memref_squeeze %dma_start3A_85 : memref<1x16xi32, #tpu.memory_space<vmem>> -> memref<16xi32, #tpu.memory_space<vmem>>
    %dma_start3A_87 = arith.constant 0 : i32
    %dma_start3A_88 = tpu.memref_slice %arg3[%dma_start3A_76, %add3A_75, %dma_start3A_87] : memref<8x64x16xi32, #tpu.memory_space<hbm>> -> memref<1x1x16xi32, #tpu.memory_space<hbm>>
    %dma_start3A_89 = tpu.memref_squeeze %dma_start3A_88 : memref<1x1x16xi32, #tpu.memory_space<hbm>> -> memref<16xi32, #tpu.memory_space<hbm>>
    tpu.enqueue_dma source(%dma_start3A_89 : memref<16xi32, #tpu.memory_space<hbm>>) target(%dma_start3A_86 : memref<16xi32, #tpu.memory_space<vmem>>) target_semaphore(%arg10 : memref<!tpu.dma_semaphore, #tpu.memory_space<semaphore_mem>>)
    %mul3A_90 = arith.constant 2 : i32
    %mul3A_91 = arith.muli %add3A, %mul3A_90 : i32
    %add3A_92 = arith.constant 0 : i32
    %add3A_93 = arith.addi %mul3A_91, %add3A_92 : i32
    %dma_start3A_94 = arith.constant 5 : i32
    %dma_start3A_95 = arith.constant 0 : i32
    %dma_start3A_96 = arith.constant 80 : i32
    %dma_start3A_97 = tpu.memref_slice %arg7[%dma_start3A_95, %dma_start3A_96] : memref<2x128xi32, #tpu.memory_space<vmem>> -> memref<1x16xi32, #tpu.memory_space<vmem>>
    %dma_start3A_98 = tpu.memref_squeeze %dma_start3A_97 : memref<1x16xi32, #tpu.memory_space<vmem>> -> memref<16xi32, #tpu.memory_space<vmem>>
    %dma_start3A_99 = arith.constant 0 : i32
    %dma_start3A_100 = tpu.memref_slice %arg3[%dma_start3A_94, %add3A_93, %dma_start3A_99] : memref<8x64x16xi32, #tpu.memory_space<hbm>> -> memref<1x1x16xi32, #tpu.memory_space<hbm>>
    %dma_start3A_101 = tpu.memref_squeeze %dma_start3A_100 : memref<1x1x16xi32, #tpu.memory_space<hbm>> -> memref<16xi32, #tpu.memory_space<hbm>>
    %dma_start3A_102 = arith.constant 80 : i32
    %dma_start3A_103 = tpu.memref_slice %arg7[%dma_start3A_95, %dma_start3A_102] : memref<2x128xi32, #tpu.memory_space<vmem>> -> memref<1x16xi32, #tpu.memory_space<vmem>>
    %dma_start3A_104 = tpu.memref_squeeze %dma_start3A_103 : memref<1x16xi32, #tpu.memory_space<vmem>> -> memref<16xi32, #tpu.memory_space<vmem>>
    %dma_start3A_105 = arith.constant 0 : i32
    %dma_start3A_106 = tpu.memref_slice %arg3[%dma_start3A_94, %add3A_93, %dma_start3A_105] : memref<8x64x16xi32, #tpu.memory_space<hbm>> -> memref<1x1x16xi32, #tpu.memory_space<hbm>>
    %dma_start3A_107 = tpu.memref_squeeze %dma_start3A_106 : memref<1x1x16xi32, #tpu.memory_space<hbm>> -> memref<16xi32, #tpu.memory_space<hbm>>
    tpu.enqueue_dma source(%dma_start3A_107 : memref<16xi32, #tpu.memory_space<hbm>>) target(%dma_start3A_104 : memref<16xi32, #tpu.memory_space<vmem>>) target_semaphore(%arg10 : memref<!tpu.dma_semaphore, #tpu.memory_space<semaphore_mem>>)
    %mul3A_108 = arith.constant 2 : i32
    %mul3A_109 = arith.muli %add3A, %mul3A_108 : i32
    %add3A_110 = arith.constant 0 : i32
    %add3A_111 = arith.addi %mul3A_109, %add3A_110 : i32
    %dma_start3A_112 = arith.constant 6 : i32
    %dma_start3A_113 = arith.constant 0 : i32
    %dma_start3A_114 = arith.constant 96 : i32
    %dma_start3A_115 = tpu.memref_slice %arg7[%dma_start3A_113, %dma_start3A_114] : memref<2x128xi32, #tpu.memory_space<vmem>> -> memref<1x16xi32, #tpu.memory_space<vmem>>
    %dma_start3A_116 = tpu.memref_squeeze %dma_start3A_115 : memref<1x16xi32, #tpu.memory_space<vmem>> -> memref<16xi32, #tpu.memory_space<vmem>>
    %dma_start3A_117 = arith.constant 0 : i32
    %dma_start3A_118 = tpu.memref_slice %arg3[%dma_start3A_112, %add3A_111, %dma_start3A_117] : memref<8x64x16xi32, #tpu.memory_space<hbm>> -> memref<1x1x16xi32, #tpu.memory_space<hbm>>
    %dma_start3A_119 = tpu.memref_squeeze %dma_start3A_118 : memref<1x1x16xi32, #tpu.memory_space<hbm>> -> memref<16xi32, #tpu.memory_space<hbm>>
    %dma_start3A_120 = arith.constant 96 : i32
    %dma_start3A_121 = tpu.memref_slice %arg7[%dma_start3A_113, %dma_start3A_120] : memref<2x128xi32, #tpu.memory_space<vmem>> -> memref<1x16xi32, #tpu.memory_space<vmem>>
    %dma_start3A_122 = tpu.memref_squeeze %dma_start3A_121 : memref<1x16xi32, #tpu.memory_space<vmem>> -> memref<16xi32, #tpu.memory_space<vmem>>
    %dma_start3A_123 = arith.constant 0 : i32
    %dma_start3A_124 = tpu.memref_slice %arg3[%dma_start3A_112, %add3A_111, %dma_start3A_123] : memref<8x64x16xi32, #tpu.memory_space<hbm>> -> memref<1x1x16xi32, #tpu.memory_space<hbm>>
    %dma_start3A_125 = tpu.memref_squeeze %dma_start3A_124 : memref<1x1x16xi32, #tpu.memory_space<hbm>> -> memref<16xi32, #tpu.memory_space<hbm>>
    tpu.enqueue_dma source(%dma_start3A_125 : memref<16xi32, #tpu.memory_space<hbm>>) target(%dma_start3A_122 : memref<16xi32, #tpu.memory_space<vmem>>) target_semaphore(%arg10 : memref<!tpu.dma_semaphore, #tpu.memory_space<semaphore_mem>>)
    %mul3A_126 = arith.constant 2 : i32
    %mul3A_127 = arith.muli %add3A, %mul3A_126 : i32
    %add3A_128 = arith.constant 0 : i32
    %add3A_129 = arith.addi %mul3A_127, %add3A_128 : i32
    %dma_start3A_130 = arith.constant 7 : i32
    %dma_start3A_131 = arith.constant 0 : i32
    %dma_start3A_132 = arith.constant 112 : i32
    %dma_start3A_133 = tpu.memref_slice %arg7[%dma_start3A_131, %dma_start3A_132] : memref<2x128xi32, #tpu.memory_space<vmem>> -> memref<1x16xi32, #tpu.memory_space<vmem>>
    %dma_start3A_134 = tpu.memref_squeeze %dma_start3A_133 : memref<1x16xi32, #tpu.memory_space<vmem>> -> memref<16xi32, #tpu.memory_space<vmem>>
    %dma_start3A_135 = arith.constant 0 : i32
    %dma_start3A_136 = tpu.memref_slice %arg3[%dma_start3A_130, %add3A_129, %dma_start3A_135] : memref<8x64x16xi32, #tpu.memory_space<hbm>> -> memref<1x1x16xi32, #tpu.memory_space<hbm>>
    %dma_start3A_137 = tpu.memref_squeeze %dma_start3A_136 : memref<1x1x16xi32, #tpu.memory_space<hbm>> -> memref<16xi32, #tpu.memory_space<hbm>>
    %dma_start3A_138 = arith.constant 112 : i32
    %dma_start3A_139 = tpu.memref_slice %arg7[%dma_start3A_131, %dma_start3A_138] : memref<2x128xi32, #tpu.memory_space<vmem>> -> memref<1x16xi32, #tpu.memory_space<vmem>>
    %dma_start3A_140 = tpu.memref_squeeze %dma_start3A_139 : memref<1x16xi32, #tpu.memory_space<vmem>> -> memref<16xi32, #tpu.memory_space<vmem>>
    %dma_start3A_141 = arith.constant 0 : i32
    %dma_start3A_142 = tpu.memref_slice %arg3[%dma_start3A_130, %add3A_129, %dma_start3A_141] : memref<8x64x16xi32, #tpu.memory_space<hbm>> -> memref<1x1x16xi32, #tpu.memory_space<hbm>>
    %dma_start3A_143 = tpu.memref_squeeze %dma_start3A_142 : memref<1x1x16xi32, #tpu.memory_space<hbm>> -> memref<16xi32, #tpu.memory_space<hbm>>
    tpu.enqueue_dma source(%dma_start3A_143 : memref<16xi32, #tpu.memory_space<hbm>>) target(%dma_start3A_140 : memref<16xi32, #tpu.memory_space<vmem>>) target_semaphore(%arg10 : memref<!tpu.dma_semaphore, #tpu.memory_space<semaphore_mem>>)
    %mul3A_144 = arith.constant 2 : i32
    %mul3A_145 = arith.muli %add3A, %mul3A_144 : i32
    %add3A_146 = arith.constant 1 : i32
    %add3A_147 = arith.addi %mul3A_145, %add3A_146 : i32
    %dma_start3A_148 = arith.constant 0 : i32
    %dma_start3A_149 = arith.constant 1 : i32
    %dma_start3A_150 = arith.constant 0 : i32
    %dma_start3A_151 = tpu.memref_slice %arg7[%dma_start3A_149, %dma_start3A_150] : memref<2x128xi32, #tpu.memory_space<vmem>> -> memref<1x16xi32, #tpu.memory_space<vmem>>
    %dma_start3A_152 = tpu.memref_squeeze %dma_start3A_151 : memref<1x16xi32, #tpu.memory_space<vmem>> -> memref<16xi32, #tpu.memory_space<vmem>>
    %dma_start3A_153 = arith.constant 0 : i32
    %dma_start3A_154 = tpu.memref_slice %arg3[%dma_start3A_148, %add3A_147, %dma_start3A_153] : memref<8x64x16xi32, #tpu.memory_space<hbm>> -> memref<1x1x16xi32, #tpu.memory_space<hbm>>
    %dma_start3A_155 = tpu.memref_squeeze %dma_start3A_154 : memref<1x1x16xi32, #tpu.memory_space<hbm>> -> memref<16xi32, #tpu.memory_space<hbm>>
    %dma_start3A_156 = arith.constant 0 : i32
    %dma_start3A_157 = tpu.memref_slice %arg7[%dma_start3A_149, %dma_start3A_156] : memref<2x128xi32, #tpu.memory_space<vmem>> -> memref<1x16xi32, #tpu.memory_space<vmem>>
    %dma_start3A_158 = tpu.memref_squeeze %dma_start3A_157 : memref<1x16xi32, #tpu.memory_space<vmem>> -> memref<16xi32, #tpu.memory_space<vmem>>
    %dma_start3A_159 = arith.constant 0 : i32
    %dma_start3A_160 = tpu.memref_slice %arg3[%dma_start3A_148, %add3A_147, %dma_start3A_159] : memref<8x64x16xi32, #tpu.memory_space<hbm>> -> memref<1x1x16xi32, #tpu.memory_space<hbm>>
    %dma_start3A_161 = tpu.memref_squeeze %dma_start3A_160 : memref<1x1x16xi32, #tpu.memory_space<hbm>> -> memref<16xi32, #tpu.memory_space<hbm>>
    tpu.enqueue_dma source(%dma_start3A_161 : memref<16xi32, #tpu.memory_space<hbm>>) target(%dma_start3A_158 : memref<16xi32, #tpu.memory_space<vmem>>) target_semaphore(%arg10 : memref<!tpu.dma_semaphore, #tpu.memory_space<semaphore_mem>>)
    %mul3A_162 = arith.constant 2 : i32
    %mul3A_163 = arith.muli %add3A, %mul3A_162 : i32
    %add3A_164 = arith.constant 1 : i32
    %add3A_165 = arith.addi %mul3A_163, %add3A_164 : i32
    %dma_start3A_166 = arith.constant 1 : i32
    %dma_start3A_167 = arith.constant 1 : i32
    %dma_start3A_168 = arith.constant 16 : i32
    %dma_start3A_169 = tpu.memref_slice %arg7[%dma_start3A_167, %dma_start3A_168] : memref<2x128xi32, #tpu.memory_space<vmem>> -> memref<1x16xi32, #tpu.memory_space<vmem>>
    %dma_start3A_170 = tpu.memref_squeeze %dma_start3A_169 : memref<1x16xi32, #tpu.memory_space<vmem>> -> memref<16xi32, #tpu.memory_space<vmem>>
    %dma_start3A_171 = arith.constant 0 : i32
    %dma_start3A_172 = tpu.memref_slice %arg3[%dma_start3A_166, %add3A_165, %dma_start3A_171] : memref<8x64x16xi32, #tpu.memory_space<hbm>> -> memref<1x1x16xi32, #tpu.memory_space<hbm>>
    %dma_start3A_173 = tpu.memref_squeeze %dma_start3A_172 : memref<1x1x16xi32, #tpu.memory_space<hbm>> -> memref<16xi32, #tpu.memory_space<hbm>>
    %dma_start3A_174 = arith.constant 16 : i32
    %dma_start3A_175 = tpu.memref_slice %arg7[%dma_start3A_167, %dma_start3A_174] : memref<2x128xi32, #tpu.memory_space<vmem>> -> memref<1x16xi32, #tpu.memory_space<vmem>>
    %dma_start3A_176 = tpu.memref_squeeze %dma_start3A_175 : memref<1x16xi32, #tpu.memory_space<vmem>> -> memref<16xi32, #tpu.memory_space<vmem>>
    %dma_start3A_177 = arith.constant 0 : i32
    %dma_start3A_178 = tpu.memref_slice %arg3[%dma_start3A_166, %add3A_165, %dma_start3A_177] : memref<8x64x16xi32, #tpu.memory_space<hbm>> -> memref<1x1x16xi32, #tpu.memory_space<hbm>>
    %dma_start3A_179 = tpu.memref_squeeze %dma_start3A_178 : memref<1x1x16xi32, #tpu.memory_space<hbm>> -> memref<16xi32, #tpu.memory_space<hbm>>
    tpu.enqueue_dma source(%dma_start3A_179 : memref<16xi32, #tpu.memory_space<hbm>>) target(%dma_start3A_176 : memref<16xi32, #tpu.memory_space<vmem>>) target_semaphore(%arg10 : memref<!tpu.dma_semaphore, #tpu.memory_space<semaphore_mem>>)
    %mul3A_180 = arith.constant 2 : i32
    %mul3A_181 = arith.muli %add3A, %mul3A_180 : i32
    %add3A_182 = arith.constant 1 : i32
    %add3A_183 = arith.addi %mul3A_181, %add3A_182 : i32
    %dma_start3A_184 = arith.constant 2 : i32
    %dma_start3A_185 = arith.constant 1 : i32
    %dma_start3A_186 = arith.constant 32 : i32
    %dma_start3A_187 = tpu.memref_slice %arg7[%dma_start3A_185, %dma_start3A_186] : memref<2x128xi32, #tpu.memory_space<vmem>> -> memref<1x16xi32, #tpu.memory_space<vmem>>
    %dma_start3A_188 = tpu.memref_squeeze %dma_start3A_187 : memref<1x16xi32, #tpu.memory_space<vmem>> -> memref<16xi32, #tpu.memory_space<vmem>>
    %dma_start3A_189 = arith.constant 0 : i32
    %dma_start3A_190 = tpu.memref_slice %arg3[%dma_start3A_184, %add3A_183, %dma_start3A_189] : memref<8x64x16xi32, #tpu.memory_space<hbm>> -> memref<1x1x16xi32, #tpu.memory_space<hbm>>
    %dma_start3A_191 = tpu.memref_squeeze %dma_start3A_190 : memref<1x1x16xi32, #tpu.memory_space<hbm>> -> memref<16xi32, #tpu.memory_space<hbm>>
    %dma_start3A_192 = arith.constant 32 : i32
    %dma_start3A_193 = tpu.memref_slice %arg7[%dma_start3A_185, %dma_start3A_192] : memref<2x128xi32, #tpu.memory_space<vmem>> -> memref<1x16xi32, #tpu.memory_space<vmem>>
    %dma_start3A_194 = tpu.memref_squeeze %dma_start3A_193 : memref<1x16xi32, #tpu.memory_space<vmem>> -> memref<16xi32, #tpu.memory_space<vmem>>
    %dma_start3A_195 = arith.constant 0 : i32
    %dma_start3A_196 = tpu.memref_slice %arg3[%dma_start3A_184, %add3A_183, %dma_start3A_195] : memref<8x64x16xi32, #tpu.memory_space<hbm>> -> memref<1x1x16xi32, #tpu.memory_space<hbm>>
    %dma_start3A_197 = tpu.memref_squeeze %dma_start3A_196 : memref<1x1x16xi32, #tpu.memory_space<hbm>> -> memref<16xi32, #tpu.memory_space<hbm>>
    tpu.enqueue_dma source(%dma_start3A_197 : memref<16xi32, #tpu.memory_space<hbm>>) target(%dma_start3A_194 : memref<16xi32, #tpu.memory_space<vmem>>) target_semaphore(%arg10 : memref<!tpu.dma_semaphore, #tpu.memory_space<semaphore_mem>>)
    %mul3A_198 = arith.constant 2 : i32
    %mul3A_199 = arith.muli %add3A, %mul3A_198 : i32
    %add3A_200 = arith.constant 1 : i32
    %add3A_201 = arith.addi %mul3A_199, %add3A_200 : i32
    %dma_start3A_202 = arith.constant 3 : i32
    %dma_start3A_203 = arith.constant 1 : i32
    %dma_start3A_204 = arith.constant 48 : i32
    %dma_start3A_205 = tpu.memref_slice %arg7[%dma_start3A_203, %dma_start3A_204] : memref<2x128xi32, #tpu.memory_space<vmem>> -> memref<1x16xi32, #tpu.memory_space<vmem>>
    %dma_start3A_206 = tpu.memref_squeeze %dma_start3A_205 : memref<1x16xi32, #tpu.memory_space<vmem>> -> memref<16xi32, #tpu.memory_space<vmem>>
    %dma_start3A_207 = arith.constant 0 : i32
    %dma_start3A_208 = tpu.memref_slice %arg3[%dma_start3A_202, %add3A_201, %dma_start3A_207] : memref<8x64x16xi32, #tpu.memory_space<hbm>> -> memref<1x1x16xi32, #tpu.memory_space<hbm>>
    %dma_start3A_209 = tpu.memref_squeeze %dma_start3A_208 : memref<1x1x16xi32, #tpu.memory_space<hbm>> -> memref<16xi32, #tpu.memory_space<hbm>>
    %dma_start3A_210 = arith.constant 48 : i32
    %dma_start3A_211 = tpu.memref_slice %arg7[%dma_start3A_203, %dma_start3A_210] : memref<2x128xi32, #tpu.memory_space<vmem>> -> memref<1x16xi32, #tpu.memory_space<vmem>>
    %dma_start3A_212 = tpu.memref_squeeze %dma_start3A_211 : memref<1x16xi32, #tpu.memory_space<vmem>> -> memref<16xi32, #tpu.memory_space<vmem>>
    %dma_start3A_213 = arith.constant 0 : i32
    %dma_start3A_214 = tpu.memref_slice %arg3[%dma_start3A_202, %add3A_201, %dma_start3A_213] : memref<8x64x16xi32, #tpu.memory_space<hbm>> -> memref<1x1x16xi32, #tpu.memory_space<hbm>>
    %dma_start3A_215 = tpu.memref_squeeze %dma_start3A_214 : memref<1x1x16xi32, #tpu.memory_space<hbm>> -> memref<16xi32, #tpu.memory_space<hbm>>
    tpu.enqueue_dma source(%dma_start3A_215 : memref<16xi32, #tpu.memory_space<hbm>>) target(%dma_start3A_212 : memref<16xi32, #tpu.memory_space<vmem>>) target_semaphore(%arg10 : memref<!tpu.dma_semaphore, #tpu.memory_space<semaphore_mem>>)
    %mul3A_216 = arith.constant 2 : i32
    %mul3A_217 = arith.muli %add3A, %mul3A_216 : i32
    %add3A_218 = arith.constant 1 : i32
    %add3A_219 = arith.addi %mul3A_217, %add3A_218 : i32
    %dma_start3A_220 = arith.constant 4 : i32
    %dma_start3A_221 = arith.constant 1 : i32
    %dma_start3A_222 = arith.constant 64 : i32
    %dma_start3A_223 = tpu.memref_slice %arg7[%dma_start3A_221, %dma_start3A_222] : memref<2x128xi32, #tpu.memory_space<vmem>> -> memref<1x16xi32, #tpu.memory_space<vmem>>
    %dma_start3A_224 = tpu.memref_squeeze %dma_start3A_223 : memref<1x16xi32, #tpu.memory_space<vmem>> -> memref<16xi32, #tpu.memory_space<vmem>>
    %dma_start3A_225 = arith.constant 0 : i32
    %dma_start3A_226 = tpu.memref_slice %arg3[%dma_start3A_220, %add3A_219, %dma_start3A_225] : memref<8x64x16xi32, #tpu.memory_space<hbm>> -> memref<1x1x16xi32, #tpu.memory_space<hbm>>
    %dma_start3A_227 = tpu.memref_squeeze %dma_start3A_226 : memref<1x1x16xi32, #tpu.memory_space<hbm>> -> memref<16xi32, #tpu.memory_space<hbm>>
    %dma_start3A_228 = arith.constant 64 : i32
    %dma_start3A_229 = tpu.memref_slice %arg7[%dma_start3A_221, %dma_start3A_228] : memref<2x128xi32, #tpu.memory_space<vmem>> -> memref<1x16xi32, #tpu.memory_space<vmem>>
    %dma_start3A_230 = tpu.memref_squeeze %dma_start3A_229 : memref<1x16xi32, #tpu.memory_space<vmem>> -> memref<16xi32, #tpu.memory_space<vmem>>
    %dma_start3A_231 = arith.constant 0 : i32
    %dma_start3A_232 = tpu.memref_slice %arg3[%dma_start3A_220, %add3A_219, %dma_start3A_231] : memref<8x64x16xi32, #tpu.memory_space<hbm>> -> memref<1x1x16xi32, #tpu.memory_space<hbm>>
    %dma_start3A_233 = tpu.memref_squeeze %dma_start3A_232 : memref<1x1x16xi32, #tpu.memory_space<hbm>> -> memref<16xi32, #tpu.memory_space<hbm>>
    tpu.enqueue_dma source(%dma_start3A_233 : memref<16xi32, #tpu.memory_space<hbm>>) target(%dma_start3A_230 : memref<16xi32, #tpu.memory_space<vmem>>) target_semaphore(%arg10 : memref<!tpu.dma_semaphore, #tpu.memory_space<semaphore_mem>>)
    %mul3A_234 = arith.constant 2 : i32
    %mul3A_235 = arith.muli %add3A, %mul3A_234 : i32
    %add3A_236 = arith.constant 1 : i32
    %add3A_237 = arith.addi %mul3A_235, %add3A_236 : i32
    %dma_start3A_238 = arith.constant 5 : i32
    %dma_start3A_239 = arith.constant 1 : i32
    %dma_start3A_240 = arith.constant 80 : i32
    %dma_start3A_241 = tpu.memref_slice %arg7[%dma_start3A_239, %dma_start3A_240] : memref<2x128xi32, #tpu.memory_space<vmem>> -> memref<1x16xi32, #tpu.memory_space<vmem>>
    %dma_start3A_242 = tpu.memref_squeeze %dma_start3A_241 : memref<1x16xi32, #tpu.memory_space<vmem>> -> memref<16xi32, #tpu.memory_space<vmem>>
    %dma_start3A_243 = arith.constant 0 : i32
    %dma_start3A_244 = tpu.memref_slice %arg3[%dma_start3A_238, %add3A_237, %dma_start3A_243] : memref<8x64x16xi32, #tpu.memory_space<hbm>> -> memref<1x1x16xi32, #tpu.memory_space<hbm>>
    %dma_start3A_245 = tpu.memref_squeeze %dma_start3A_244 : memref<1x1x16xi32, #tpu.memory_space<hbm>> -> memref<16xi32, #tpu.memory_space<hbm>>
    %dma_start3A_246 = arith.constant 80 : i32
    %dma_start3A_247 = tpu.memref_slice %arg7[%dma_start3A_239, %dma_start3A_246] : memref<2x128xi32, #tpu.memory_space<vmem>> -> memref<1x16xi32, #tpu.memory_space<vmem>>
    %dma_start3A_248 = tpu.memref_squeeze %dma_start3A_247 : memref<1x16xi32, #tpu.memory_space<vmem>> -> memref<16xi32, #tpu.memory_space<vmem>>
    %dma_start3A_249 = arith.constant 0 : i32
    %dma_start3A_250 = tpu.memref_slice %arg3[%dma_start3A_238, %add3A_237, %dma_start3A_249] : memref<8x64x16xi32, #tpu.memory_space<hbm>> -> memref<1x1x16xi32, #tpu.memory_space<hbm>>
    %dma_start3A_251 = tpu.memref_squeeze %dma_start3A_250 : memref<1x1x16xi32, #tpu.memory_space<hbm>> -> memref<16xi32, #tpu.memory_space<hbm>>
    tpu.enqueue_dma source(%dma_start3A_251 : memref<16xi32, #tpu.memory_space<hbm>>) target(%dma_start3A_248 : memref<16xi32, #tpu.memory_space<vmem>>) target_semaphore(%arg10 : memref<!tpu.dma_semaphore, #tpu.memory_space<semaphore_mem>>)
    %mul3A_252 = arith.constant 2 : i32
    %mul3A_253 = arith.muli %add3A, %mul3A_252 : i32
    %add3A_254 = arith.constant 1 : i32
    %add3A_255 = arith.addi %mul3A_253, %add3A_254 : i32
    %dma_start3A_256 = arith.constant 6 : i32
    %dma_start3A_257 = arith.constant 1 : i32
    %dma_start3A_258 = arith.constant 96 : i32
    %dma_start3A_259 = tpu.memref_slice %arg7[%dma_start3A_257, %dma_start3A_258] : memref<2x128xi32, #tpu.memory_space<vmem>> -> memref<1x16xi32, #tpu.memory_space<vmem>>
    %dma_start3A_260 = tpu.memref_squeeze %dma_start3A_259 : memref<1x16xi32, #tpu.memory_space<vmem>> -> memref<16xi32, #tpu.memory_space<vmem>>
    %dma_start3A_261 = arith.constant 0 : i32
    %dma_start3A_262 = tpu.memref_slice %arg3[%dma_start3A_256, %add3A_255, %dma_start3A_261] : memref<8x64x16xi32, #tpu.memory_space<hbm>> -> memref<1x1x16xi32, #tpu.memory_space<hbm>>
    %dma_start3A_263 = tpu.memref_squeeze %dma_start3A_262 : memref<1x1x16xi32, #tpu.memory_space<hbm>> -> memref<16xi32, #tpu.memory_space<hbm>>
    %dma_start3A_264 = arith.constant 96 : i32
    %dma_start3A_265 = tpu.memref_slice %arg7[%dma_start3A_257, %dma_start3A_264] : memref<2x128xi32, #tpu.memory_space<vmem>> -> memref<1x16xi32, #tpu.memory_space<vmem>>
    %dma_start3A_266 = tpu.memref_squeeze %dma_start3A_265 : memref<1x16xi32, #tpu.memory_space<vmem>> -> memref<16xi32, #tpu.memory_space<vmem>>
    %dma_start3A_267 = arith.constant 0 : i32
    %dma_start3A_268 = tpu.memref_slice %arg3[%dma_start3A_256, %add3A_255, %dma_start3A_267] : memref<8x64x16xi32, #tpu.memory_space<hbm>> -> memref<1x1x16xi32, #tpu.memory_space<hbm>>
    %dma_start3A_269 = tpu.memref_squeeze %dma_start3A_268 : memref<1x1x16xi32, #tpu.memory_space<hbm>> -> memref<16xi32, #tpu.memory_space<hbm>>
    tpu.enqueue_dma source(%dma_start3A_269 : memref<16xi32, #tpu.memory_space<hbm>>) target(%dma_start3A_266 : memref<16xi32, #tpu.memory_space<vmem>>) target_semaphore(%arg10 : memref<!tpu.dma_semaphore, #tpu.memory_space<semaphore_mem>>)
    %mul3A_270 = arith.constant 2 : i32
    %mul3A_271 = arith.muli %add3A, %mul3A_270 : i32
    %add3A_272 = arith.constant 1 : i32
    %add3A_273 = arith.addi %mul3A_271, %add3A_272 : i32
    %dma_start3A_274 = arith.constant 7 : i32
    %dma_start3A_275 = arith.constant 1 : i32
    %dma_start3A_276 = arith.constant 112 : i32
    %dma_start3A_277 = tpu.memref_slice %arg7[%dma_start3A_275, %dma_start3A_276] : memref<2x128xi32, #tpu.memory_space<vmem>> -> memref<1x16xi32, #tpu.memory_space<vmem>>
    %dma_start3A_278 = tpu.memref_squeeze %dma_start3A_277 : memref<1x16xi32, #tpu.memory_space<vmem>> -> memref<16xi32, #tpu.memory_space<vmem>>
    %dma_start3A_279 = arith.constant 0 : i32
    %dma_start3A_280 = tpu.memref_slice %arg3[%dma_start3A_274, %add3A_273, %dma_start3A_279] : memref<8x64x16xi32, #tpu.memory_space<hbm>> -> memref<1x1x16xi32, #tpu.memory_space<hbm>>
    %dma_start3A_281 = tpu.memref_squeeze %dma_start3A_280 : memref<1x1x16xi32, #tpu.memory_space<hbm>> -> memref<16xi32, #tpu.memory_space<hbm>>
    %dma_start3A_282 = arith.constant 112 : i32
    %dma_start3A_283 = tpu.memref_slice %arg7[%dma_start3A_275, %dma_start3A_282] : memref<2x128xi32, #tpu.memory_space<vmem>> -> memref<1x16xi32, #tpu.memory_space<vmem>>
    %dma_start3A_284 = tpu.memref_squeeze %dma_start3A_283 : memref<1x16xi32, #tpu.memory_space<vmem>> -> memref<16xi32, #tpu.memory_space<vmem>>
    %dma_start3A_285 = arith.constant 0 : i32
    %dma_start3A_286 = tpu.memref_slice %arg3[%dma_start3A_274, %add3A_273, %dma_start3A_285] : memref<8x64x16xi32, #tpu.memory_space<hbm>> -> memref<1x1x16xi32, #tpu.memory_space<hbm>>
    %dma_start3A_287 = tpu.memref_squeeze %dma_start3A_286 : memref<1x1x16xi32, #tpu.memory_space<hbm>> -> memref<16xi32, #tpu.memory_space<hbm>>
    tpu.enqueue_dma source(%dma_start3A_287 : memref<16xi32, #tpu.memory_space<hbm>>) target(%dma_start3A_284 : memref<16xi32, #tpu.memory_space<vmem>>) target_semaphore(%arg10 : memref<!tpu.dma_semaphore, #tpu.memory_space<semaphore_mem>>)
    %dma_wait3A = arith.constant 0 : i32
    %dma_wait3A_288 = arith.constant 0 : i32
    %dma_wait3A_289 = arith.constant 0 : i32
    %dma_wait3A_290 = tpu.memref_slice %arg7[%dma_wait3A_288, %dma_wait3A_289] : memref<2x128xi32, #tpu.memory_space<vmem>> -> memref<1x16xi32, #tpu.memory_space<vmem>>
    %dma_wait3A_291 = tpu.memref_squeeze %dma_wait3A_290 : memref<1x16xi32, #tpu.memory_space<vmem>> -> memref<16xi32, #tpu.memory_space<vmem>>
    %dma_wait3A_292 = arith.constant 0 : i32
    %dma_wait3A_293 = tpu.memref_slice %arg3[%dma_wait3A, %add3A_4, %dma_wait3A_292] : memref<8x64x16xi32, #tpu.memory_space<hbm>> -> memref<1x1x16xi32, #tpu.memory_space<hbm>>
    %dma_wait3A_294 = tpu.memref_squeeze %dma_wait3A_293 : memref<1x1x16xi32, #tpu.memory_space<hbm>> -> memref<16xi32, #tpu.memory_space<hbm>>
    %dma_wait3A_295 = arith.constant 0 : i32
    %dma_wait3A_296 = tpu.memref_slice %arg7[%dma_wait3A_288, %dma_wait3A_295] : memref<2x128xi32, #tpu.memory_space<vmem>> -> memref<1x16xi32, #tpu.memory_space<vmem>>
    %dma_wait3A_297 = tpu.memref_squeeze %dma_wait3A_296 : memref<1x16xi32, #tpu.memory_space<vmem>> -> memref<16xi32, #tpu.memory_space<vmem>>
    %dma_wait3A_298 = arith.constant 0 : i32
    %dma_wait3A_299 = tpu.memref_slice %arg3[%dma_wait3A, %add3A_4, %dma_wait3A_298] : memref<8x64x16xi32, #tpu.memory_space<hbm>> -> memref<1x1x16xi32, #tpu.memory_space<hbm>>
    %dma_wait3A_300 = tpu.memref_squeeze %dma_wait3A_299 : memref<1x1x16xi32, #tpu.memory_space<hbm>> -> memref<16xi32, #tpu.memory_space<hbm>>
    tpu.wait_dma2 semaphore(%arg10 : memref<!tpu.dma_semaphore, #tpu.memory_space<semaphore_mem>>) src(%dma_wait3A_300 : memref<16xi32, #tpu.memory_space<hbm>>) dst(%dma_wait3A_297 : memref<16xi32, #tpu.memory_space<vmem>>)
    %dma_wait3A_301 = arith.constant 1 : i32
    %dma_wait3A_302 = arith.constant 0 : i32
    %dma_wait3A_303 = arith.constant 16 : i32
    %dma_wait3A_304 = tpu.memref_slice %arg7[%dma_wait3A_302, %dma_wait3A_303] : memref<2x128xi32, #tpu.memory_space<vmem>> -> memref<1x16xi32, #tpu.memory_space<vmem>>
    %dma_wait3A_305 = tpu.memref_squeeze %dma_wait3A_304 : memref<1x16xi32, #tpu.memory_space<vmem>> -> memref<16xi32, #tpu.memory_space<vmem>>
    %dma_wait3A_306 = arith.constant 0 : i32
    %dma_wait3A_307 = tpu.memref_slice %arg3[%dma_wait3A_301, %add3A_21, %dma_wait3A_306] : memref<8x64x16xi32, #tpu.memory_space<hbm>> -> memref<1x1x16xi32, #tpu.memory_space<hbm>>
    %dma_wait3A_308 = tpu.memref_squeeze %dma_wait3A_307 : memref<1x1x16xi32, #tpu.memory_space<hbm>> -> memref<16xi32, #tpu.memory_space<hbm>>
    %dma_wait3A_309 = arith.constant 16 : i32
    %dma_wait3A_310 = tpu.memref_slice %arg7[%dma_wait3A_302, %dma_wait3A_309] : memref<2x128xi32, #tpu.memory_space<vmem>> -> memref<1x16xi32, #tpu.memory_space<vmem>>
    %dma_wait3A_311 = tpu.memref_squeeze %dma_wait3A_310 : memref<1x16xi32, #tpu.memory_space<vmem>> -> memref<16xi32, #tpu.memory_space<vmem>>
    %dma_wait3A_312 = arith.constant 0 : i32
    %dma_wait3A_313 = tpu.memref_slice %arg3[%dma_wait3A_301, %add3A_21, %dma_wait3A_312] : memref<8x64x16xi32, #tpu.memory_space<hbm>> -> memref<1x1x16xi32, #tpu.memory_space<hbm>>
    %dma_wait3A_314 = tpu.memref_squeeze %dma_wait3A_313 : memref<1x1x16xi32, #tpu.memory_space<hbm>> -> memref<16xi32, #tpu.memory_space<hbm>>
    tpu.wait_dma2 semaphore(%arg10 : memref<!tpu.dma_semaphore, #tpu.memory_space<semaphore_mem>>) src(%dma_wait3A_314 : memref<16xi32, #tpu.memory_space<hbm>>) dst(%dma_wait3A_311 : memref<16xi32, #tpu.memory_space<vmem>>)
    %dma_wait3A_315 = arith.constant 2 : i32
    %dma_wait3A_316 = arith.constant 0 : i32
    %dma_wait3A_317 = arith.constant 32 : i32
    %dma_wait3A_318 = tpu.memref_slice %arg7[%dma_wait3A_316, %dma_wait3A_317] : memref<2x128xi32, #tpu.memory_space<vmem>> -> memref<1x16xi32, #tpu.memory_space<vmem>>
    %dma_wait3A_319 = tpu.memref_squeeze %dma_wait3A_318 : memref<1x16xi32, #tpu.memory_space<vmem>> -> memref<16xi32, #tpu.memory_space<vmem>>
    %dma_wait3A_320 = arith.constant 0 : i32
    %dma_wait3A_321 = tpu.memref_slice %arg3[%dma_wait3A_315, %add3A_39, %dma_wait3A_320] : memref<8x64x16xi32, #tpu.memory_space<hbm>> -> memref<1x1x16xi32, #tpu.memory_space<hbm>>
    %dma_wait3A_322 = tpu.memref_squeeze %dma_wait3A_321 : memref<1x1x16xi32, #tpu.memory_space<hbm>> -> memref<16xi32, #tpu.memory_space<hbm>>
    %dma_wait3A_323 = arith.constant 32 : i32
    %dma_wait3A_324 = tpu.memref_slice %arg7[%dma_wait3A_316, %dma_wait3A_323] : memref<2x128xi32, #tpu.memory_space<vmem>> -> memref<1x16xi32, #tpu.memory_space<vmem>>
    %dma_wait3A_325 = tpu.memref_squeeze %dma_wait3A_324 : memref<1x16xi32, #tpu.memory_space<vmem>> -> memref<16xi32, #tpu.memory_space<vmem>>
    %dma_wait3A_326 = arith.constant 0 : i32
    %dma_wait3A_327 = tpu.memref_slice %arg3[%dma_wait3A_315, %add3A_39, %dma_wait3A_326] : memref<8x64x16xi32, #tpu.memory_space<hbm>> -> memref<1x1x16xi32, #tpu.memory_space<hbm>>
    %dma_wait3A_328 = tpu.memref_squeeze %dma_wait3A_327 : memref<1x1x16xi32, #tpu.memory_space<hbm>> -> memref<16xi32, #tpu.memory_space<hbm>>
    tpu.wait_dma2 semaphore(%arg10 : memref<!tpu.dma_semaphore, #tpu.memory_space<semaphore_mem>>) src(%dma_wait3A_328 : memref<16xi32, #tpu.memory_space<hbm>>) dst(%dma_wait3A_325 : memref<16xi32, #tpu.memory_space<vmem>>)
    %dma_wait3A_329 = arith.constant 3 : i32
    %dma_wait3A_330 = arith.constant 0 : i32
    %dma_wait3A_331 = arith.constant 48 : i32
    %dma_wait3A_332 = tpu.memref_slice %arg7[%dma_wait3A_330, %dma_wait3A_331] : memref<2x128xi32, #tpu.memory_space<vmem>> -> memref<1x16xi32, #tpu.memory_space<vmem>>
    %dma_wait3A_333 = tpu.memref_squeeze %dma_wait3A_332 : memref<1x16xi32, #tpu.memory_space<vmem>> -> memref<16xi32, #tpu.memory_space<vmem>>
    %dma_wait3A_334 = arith.constant 0 : i32
    %dma_wait3A_335 = tpu.memref_slice %arg3[%dma_wait3A_329, %add3A_57, %dma_wait3A_334] : memref<8x64x16xi32, #tpu.memory_space<hbm>> -> memref<1x1x16xi32, #tpu.memory_space<hbm>>
    %dma_wait3A_336 = tpu.memref_squeeze %dma_wait3A_335 : memref<1x1x16xi32, #tpu.memory_space<hbm>> -> memref<16xi32, #tpu.memory_space<hbm>>
    %dma_wait3A_337 = arith.constant 48 : i32
    %dma_wait3A_338 = tpu.memref_slice %arg7[%dma_wait3A_330, %dma_wait3A_337] : memref<2x128xi32, #tpu.memory_space<vmem>> -> memref<1x16xi32, #tpu.memory_space<vmem>>
    %dma_wait3A_339 = tpu.memref_squeeze %dma_wait3A_338 : memref<1x16xi32, #tpu.memory_space<vmem>> -> memref<16xi32, #tpu.memory_space<vmem>>
    %dma_wait3A_340 = arith.constant 0 : i32
    %dma_wait3A_341 = tpu.memref_slice %arg3[%dma_wait3A_329, %add3A_57, %dma_wait3A_340] : memref<8x64x16xi32, #tpu.memory_space<hbm>> -> memref<1x1x16xi32, #tpu.memory_space<hbm>>
    %dma_wait3A_342 = tpu.memref_squeeze %dma_wait3A_341 : memref<1x1x16xi32, #tpu.memory_space<hbm>> -> memref<16xi32, #tpu.memory_space<hbm>>
    tpu.wait_dma2 semaphore(%arg10 : memref<!tpu.dma_semaphore, #tpu.memory_space<semaphore_mem>>) src(%dma_wait3A_342 : memref<16xi32, #tpu.memory_space<hbm>>) dst(%dma_wait3A_339 : memref<16xi32, #tpu.memory_space<vmem>>)
    %dma_wait3A_343 = arith.constant 4 : i32
    %dma_wait3A_344 = arith.constant 0 : i32
    %dma_wait3A_345 = arith.constant 64 : i32
    %dma_wait3A_346 = tpu.memref_slice %arg7[%dma_wait3A_344, %dma_wait3A_345] : memref<2x128xi32, #tpu.memory_space<vmem>> -> memref<1x16xi32, #tpu.memory_space<vmem>>
    %dma_wait3A_347 = tpu.memref_squeeze %dma_wait3A_346 : memref<1x16xi32, #tpu.memory_space<vmem>> -> memref<16xi32, #tpu.memory_space<vmem>>
    %dma_wait3A_348 = arith.constant 0 : i32
    %dma_wait3A_349 = tpu.memref_slice %arg3[%dma_wait3A_343, %add3A_75, %dma_wait3A_348] : memref<8x64x16xi32, #tpu.memory_space<hbm>> -> memref<1x1x16xi32, #tpu.memory_space<hbm>>
    %dma_wait3A_350 = tpu.memref_squeeze %dma_wait3A_349 : memref<1x1x16xi32, #tpu.memory_space<hbm>> -> memref<16xi32, #tpu.memory_space<hbm>>
    %dma_wait3A_351 = arith.constant 64 : i32
    %dma_wait3A_352 = tpu.memref_slice %arg7[%dma_wait3A_344, %dma_wait3A_351] : memref<2x128xi32, #tpu.memory_space<vmem>> -> memref<1x16xi32, #tpu.memory_space<vmem>>
    %dma_wait3A_353 = tpu.memref_squeeze %dma_wait3A_352 : memref<1x16xi32, #tpu.memory_space<vmem>> -> memref<16xi32, #tpu.memory_space<vmem>>
    %dma_wait3A_354 = arith.constant 0 : i32
    %dma_wait3A_355 = tpu.memref_slice %arg3[%dma_wait3A_343, %add3A_75, %dma_wait3A_354] : memref<8x64x16xi32, #tpu.memory_space<hbm>> -> memref<1x1x16xi32, #tpu.memory_space<hbm>>
    %dma_wait3A_356 = tpu.memref_squeeze %dma_wait3A_355 : memref<1x1x16xi32, #tpu.memory_space<hbm>> -> memref<16xi32, #tpu.memory_space<hbm>>
    tpu.wait_dma2 semaphore(%arg10 : memref<!tpu.dma_semaphore, #tpu.memory_space<semaphore_mem>>) src(%dma_wait3A_356 : memref<16xi32, #tpu.memory_space<hbm>>) dst(%dma_wait3A_353 : memref<16xi32, #tpu.memory_space<vmem>>)
    %dma_wait3A_357 = arith.constant 5 : i32
    %dma_wait3A_358 = arith.constant 0 : i32
    %dma_wait3A_359 = arith.constant 80 : i32
    %dma_wait3A_360 = tpu.memref_slice %arg7[%dma_wait3A_358, %dma_wait3A_359] : memref<2x128xi32, #tpu.memory_space<vmem>> -> memref<1x16xi32, #tpu.memory_space<vmem>>
    %dma_wait3A_361 = tpu.memref_squeeze %dma_wait3A_360 : memref<1x16xi32, #tpu.memory_space<vmem>> -> memref<16xi32, #tpu.memory_space<vmem>>
    %dma_wait3A_362 = arith.constant 0 : i32
    %dma_wait3A_363 = tpu.memref_slice %arg3[%dma_wait3A_357, %add3A_93, %dma_wait3A_362] : memref<8x64x16xi32, #tpu.memory_space<hbm>> -> memref<1x1x16xi32, #tpu.memory_space<hbm>>
    %dma_wait3A_364 = tpu.memref_squeeze %dma_wait3A_363 : memref<1x1x16xi32, #tpu.memory_space<hbm>> -> memref<16xi32, #tpu.memory_space<hbm>>
    %dma_wait3A_365 = arith.constant 80 : i32
    %dma_wait3A_366 = tpu.memref_slice %arg7[%dma_wait3A_358, %dma_wait3A_365] : memref<2x128xi32, #tpu.memory_space<vmem>> -> memref<1x16xi32, #tpu.memory_space<vmem>>
    %dma_wait3A_367 = tpu.memref_squeeze %dma_wait3A_366 : memref<1x16xi32, #tpu.memory_space<vmem>> -> memref<16xi32, #tpu.memory_space<vmem>>
    %dma_wait3A_368 = arith.constant 0 : i32
    %dma_wait3A_369 = tpu.memref_slice %arg3[%dma_wait3A_357, %add3A_93, %dma_wait3A_368] : memref<8x64x16xi32, #tpu.memory_space<hbm>> -> memref<1x1x16xi32, #tpu.memory_space<hbm>>
    %dma_wait3A_370 = tpu.memref_squeeze %dma_wait3A_369 : memref<1x1x16xi32, #tpu.memory_space<hbm>> -> memref<16xi32, #tpu.memory_space<hbm>>
    tpu.wait_dma2 semaphore(%arg10 : memref<!tpu.dma_semaphore, #tpu.memory_space<semaphore_mem>>) src(%dma_wait3A_370 : memref<16xi32, #tpu.memory_space<hbm>>) dst(%dma_wait3A_367 : memref<16xi32, #tpu.memory_space<vmem>>)
    %dma_wait3A_371 = arith.constant 6 : i32
    %dma_wait3A_372 = arith.constant 0 : i32
    %dma_wait3A_373 = arith.constant 96 : i32
    %dma_wait3A_374 = tpu.memref_slice %arg7[%dma_wait3A_372, %dma_wait3A_373] : memref<2x128xi32, #tpu.memory_space<vmem>> -> memref<1x16xi32, #tpu.memory_space<vmem>>
    %dma_wait3A_375 = tpu.memref_squeeze %dma_wait3A_374 : memref<1x16xi32, #tpu.memory_space<vmem>> -> memref<16xi32, #tpu.memory_space<vmem>>
    %dma_wait3A_376 = arith.constant 0 : i32
    %dma_wait3A_377 = tpu.memref_slice %arg3[%dma_wait3A_371, %add3A_111, %dma_wait3A_376] : memref<8x64x16xi32, #tpu.memory_space<hbm>> -> memref<1x1x16xi32, #tpu.memory_space<hbm>>
    %dma_wait3A_378 = tpu.memref_squeeze %dma_wait3A_377 : memref<1x1x16xi32, #tpu.memory_space<hbm>> -> memref<16xi32, #tpu.memory_space<hbm>>
    %dma_wait3A_379 = arith.constant 96 : i32
    %dma_wait3A_380 = tpu.memref_slice %arg7[%dma_wait3A_372, %dma_wait3A_379] : memref<2x128xi32, #tpu.memory_space<vmem>> -> memref<1x16xi32, #tpu.memory_space<vmem>>
    %dma_wait3A_381 = tpu.memref_squeeze %dma_wait3A_380 : memref<1x16xi32, #tpu.memory_space<vmem>> -> memref<16xi32, #tpu.memory_space<vmem>>
    %dma_wait3A_382 = arith.constant 0 : i32
    %dma_wait3A_383 = tpu.memref_slice %arg3[%dma_wait3A_371, %add3A_111, %dma_wait3A_382] : memref<8x64x16xi32, #tpu.memory_space<hbm>> -> memref<1x1x16xi32, #tpu.memory_space<hbm>>
    %dma_wait3A_384 = tpu.memref_squeeze %dma_wait3A_383 : memref<1x1x16xi32, #tpu.memory_space<hbm>> -> memref<16xi32, #tpu.memory_space<hbm>>
    tpu.wait_dma2 semaphore(%arg10 : memref<!tpu.dma_semaphore, #tpu.memory_space<semaphore_mem>>) src(%dma_wait3A_384 : memref<16xi32, #tpu.memory_space<hbm>>) dst(%dma_wait3A_381 : memref<16xi32, #tpu.memory_space<vmem>>)
    %dma_wait3A_385 = arith.constant 7 : i32
    %dma_wait3A_386 = arith.constant 0 : i32
    %dma_wait3A_387 = arith.constant 112 : i32
    %dma_wait3A_388 = tpu.memref_slice %arg7[%dma_wait3A_386, %dma_wait3A_387] : memref<2x128xi32, #tpu.memory_space<vmem>> -> memref<1x16xi32, #tpu.memory_space<vmem>>
    %dma_wait3A_389 = tpu.memref_squeeze %dma_wait3A_388 : memref<1x16xi32, #tpu.memory_space<vmem>> -> memref<16xi32, #tpu.memory_space<vmem>>
    %dma_wait3A_390 = arith.constant 0 : i32
    %dma_wait3A_391 = tpu.memref_slice %arg3[%dma_wait3A_385, %add3A_129, %dma_wait3A_390] : memref<8x64x16xi32, #tpu.memory_space<hbm>> -> memref<1x1x16xi32, #tpu.memory_space<hbm>>
    %dma_wait3A_392 = tpu.memref_squeeze %dma_wait3A_391 : memref<1x1x16xi32, #tpu.memory_space<hbm>> -> memref<16xi32, #tpu.memory_space<hbm>>
    %dma_wait3A_393 = arith.constant 112 : i32
    %dma_wait3A_394 = tpu.memref_slice %arg7[%dma_wait3A_386, %dma_wait3A_393] : memref<2x128xi32, #tpu.memory_space<vmem>> -> memref<1x16xi32, #tpu.memory_space<vmem>>
    %dma_wait3A_395 = tpu.memref_squeeze %dma_wait3A_394 : memref<1x16xi32, #tpu.memory_space<vmem>> -> memref<16xi32, #tpu.memory_space<vmem>>
    %dma_wait3A_396 = arith.constant 0 : i32
    %dma_wait3A_397 = tpu.memref_slice %arg3[%dma_wait3A_385, %add3A_129, %dma_wait3A_396] : memref<8x64x16xi32, #tpu.memory_space<hbm>> -> memref<1x1x16xi32, #tpu.memory_space<hbm>>
    %dma_wait3A_398 = tpu.memref_squeeze %dma_wait3A_397 : memref<1x1x16xi32, #tpu.memory_space<hbm>> -> memref<16xi32, #tpu.memory_space<hbm>>
    tpu.wait_dma2 semaphore(%arg10 : memref<!tpu.dma_semaphore, #tpu.memory_space<semaphore_mem>>) src(%dma_wait3A_398 : memref<16xi32, #tpu.memory_space<hbm>>) dst(%dma_wait3A_395 : memref<16xi32, #tpu.memory_space<vmem>>)
    %dma_wait3A_399 = arith.constant 0 : i32
    %dma_wait3A_400 = arith.constant 1 : i32
    %dma_wait3A_401 = arith.constant 0 : i32
    %dma_wait3A_402 = tpu.memref_slice %arg7[%dma_wait3A_400, %dma_wait3A_401] : memref<2x128xi32, #tpu.memory_space<vmem>> -> memref<1x16xi32, #tpu.memory_space<vmem>>
    %dma_wait3A_403 = tpu.memref_squeeze %dma_wait3A_402 : memref<1x16xi32, #tpu.memory_space<vmem>> -> memref<16xi32, #tpu.memory_space<vmem>>
    %dma_wait3A_404 = arith.constant 0 : i32
    %dma_wait3A_405 = tpu.memref_slice %arg3[%dma_wait3A_399, %add3A_147, %dma_wait3A_404] : memref<8x64x16xi32, #tpu.memory_space<hbm>> -> memref<1x1x16xi32, #tpu.memory_space<hbm>>
    %dma_wait3A_406 = tpu.memref_squeeze %dma_wait3A_405 : memref<1x1x16xi32, #tpu.memory_space<hbm>> -> memref<16xi32, #tpu.memory_space<hbm>>
    %dma_wait3A_407 = arith.constant 0 : i32
    %dma_wait3A_408 = tpu.memref_slice %arg7[%dma_wait3A_400, %dma_wait3A_407] : memref<2x128xi32, #tpu.memory_space<vmem>> -> memref<1x16xi32, #tpu.memory_space<vmem>>
    %dma_wait3A_409 = tpu.memref_squeeze %dma_wait3A_408 : memref<1x16xi32, #tpu.memory_space<vmem>> -> memref<16xi32, #tpu.memory_space<vmem>>
    %dma_wait3A_410 = arith.constant 0 : i32
    %dma_wait3A_411 = tpu.memref_slice %arg3[%dma_wait3A_399, %add3A_147, %dma_wait3A_410] : memref<8x64x16xi32, #tpu.memory_space<hbm>> -> memref<1x1x16xi32, #tpu.memory_space<hbm>>
    %dma_wait3A_412 = tpu.memref_squeeze %dma_wait3A_411 : memref<1x1x16xi32, #tpu.memory_space<hbm>> -> memref<16xi32, #tpu.memory_space<hbm>>
    tpu.wait_dma2 semaphore(%arg10 : memref<!tpu.dma_semaphore, #tpu.memory_space<semaphore_mem>>) src(%dma_wait3A_412 : memref<16xi32, #tpu.memory_space<hbm>>) dst(%dma_wait3A_409 : memref<16xi32, #tpu.memory_space<vmem>>)
    %dma_wait3A_413 = arith.constant 1 : i32
    %dma_wait3A_414 = arith.constant 1 : i32
    %dma_wait3A_415 = arith.constant 16 : i32
    %dma_wait3A_416 = tpu.memref_slice %arg7[%dma_wait3A_414, %dma_wait3A_415] : memref<2x128xi32, #tpu.memory_space<vmem>> -> memref<1x16xi32, #tpu.memory_space<vmem>>
    %dma_wait3A_417 = tpu.memref_squeeze %dma_wait3A_416 : memref<1x16xi32, #tpu.memory_space<vmem>> -> memref<16xi32, #tpu.memory_space<vmem>>
    %dma_wait3A_418 = arith.constant 0 : i32
    %dma_wait3A_419 = tpu.memref_slice %arg3[%dma_wait3A_413, %add3A_165, %dma_wait3A_418] : memref<8x64x16xi32, #tpu.memory_space<hbm>> -> memref<1x1x16xi32, #tpu.memory_space<hbm>>
    %dma_wait3A_420 = tpu.memref_squeeze %dma_wait3A_419 : memref<1x1x16xi32, #tpu.memory_space<hbm>> -> memref<16xi32, #tpu.memory_space<hbm>>
    %dma_wait3A_421 = arith.constant 16 : i32
    %dma_wait3A_422 = tpu.memref_slice %arg7[%dma_wait3A_414, %dma_wait3A_421] : memref<2x128xi32, #tpu.memory_space<vmem>> -> memref<1x16xi32, #tpu.memory_space<vmem>>
    %dma_wait3A_423 = tpu.memref_squeeze %dma_wait3A_422 : memref<1x16xi32, #tpu.memory_space<vmem>> -> memref<16xi32, #tpu.memory_space<vmem>>
    %dma_wait3A_424 = arith.constant 0 : i32
    %dma_wait3A_425 = tpu.memref_slice %arg3[%dma_wait3A_413, %add3A_165, %dma_wait3A_424] : memref<8x64x16xi32, #tpu.memory_space<hbm>> -> memref<1x1x16xi32, #tpu.memory_space<hbm>>
    %dma_wait3A_426 = tpu.memref_squeeze %dma_wait3A_425 : memref<1x1x16xi32, #tpu.memory_space<hbm>> -> memref<16xi32, #tpu.memory_space<hbm>>
    tpu.wait_dma2 semaphore(%arg10 : memref<!tpu.dma_semaphore, #tpu.memory_space<semaphore_mem>>) src(%dma_wait3A_426 : memref<16xi32, #tpu.memory_space<hbm>>) dst(%dma_wait3A_423 : memref<16xi32, #tpu.memory_space<vmem>>)
    %dma_wait3A_427 = arith.constant 2 : i32
    %dma_wait3A_428 = arith.constant 1 : i32
    %dma_wait3A_429 = arith.constant 32 : i32
    %dma_wait3A_430 = tpu.memref_slice %arg7[%dma_wait3A_428, %dma_wait3A_429] : memref<2x128xi32, #tpu.memory_space<vmem>> -> memref<1x16xi32, #tpu.memory_space<vmem>>
    %dma_wait3A_431 = tpu.memref_squeeze %dma_wait3A_430 : memref<1x16xi32, #tpu.memory_space<vmem>> -> memref<16xi32, #tpu.memory_space<vmem>>
    %dma_wait3A_432 = arith.constant 0 : i32
    %dma_wait3A_433 = tpu.memref_slice %arg3[%dma_wait3A_427, %add3A_183, %dma_wait3A_432] : memref<8x64x16xi32, #tpu.memory_space<hbm>> -> memref<1x1x16xi32, #tpu.memory_space<hbm>>
    %dma_wait3A_434 = tpu.memref_squeeze %dma_wait3A_433 : memref<1x1x16xi32, #tpu.memory_space<hbm>> -> memref<16xi32, #tpu.memory_space<hbm>>
    %dma_wait3A_435 = arith.constant 32 : i32
    %dma_wait3A_436 = tpu.memref_slice %arg7[%dma_wait3A_428, %dma_wait3A_435] : memref<2x128xi32, #tpu.memory_space<vmem>> -> memref<1x16xi32, #tpu.memory_space<vmem>>
    %dma_wait3A_437 = tpu.memref_squeeze %dma_wait3A_436 : memref<1x16xi32, #tpu.memory_space<vmem>> -> memref<16xi32, #tpu.memory_space<vmem>>
    %dma_wait3A_438 = arith.constant 0 : i32
    %dma_wait3A_439 = tpu.memref_slice %arg3[%dma_wait3A_427, %add3A_183, %dma_wait3A_438] : memref<8x64x16xi32, #tpu.memory_space<hbm>> -> memref<1x1x16xi32, #tpu.memory_space<hbm>>
    %dma_wait3A_440 = tpu.memref_squeeze %dma_wait3A_439 : memref<1x1x16xi32, #tpu.memory_space<hbm>> -> memref<16xi32, #tpu.memory_space<hbm>>
    tpu.wait_dma2 semaphore(%arg10 : memref<!tpu.dma_semaphore, #tpu.memory_space<semaphore_mem>>) src(%dma_wait3A_440 : memref<16xi32, #tpu.memory_space<hbm>>) dst(%dma_wait3A_437 : memref<16xi32, #tpu.memory_space<vmem>>)
    %dma_wait3A_441 = arith.constant 3 : i32
    %dma_wait3A_442 = arith.constant 1 : i32
    %dma_wait3A_443 = arith.constant 48 : i32
    %dma_wait3A_444 = tpu.memref_slice %arg7[%dma_wait3A_442, %dma_wait3A_443] : memref<2x128xi32, #tpu.memory_space<vmem>> -> memref<1x16xi32, #tpu.memory_space<vmem>>
    %dma_wait3A_445 = tpu.memref_squeeze %dma_wait3A_444 : memref<1x16xi32, #tpu.memory_space<vmem>> -> memref<16xi32, #tpu.memory_space<vmem>>
    %dma_wait3A_446 = arith.constant 0 : i32
    %dma_wait3A_447 = tpu.memref_slice %arg3[%dma_wait3A_441, %add3A_201, %dma_wait3A_446] : memref<8x64x16xi32, #tpu.memory_space<hbm>> -> memref<1x1x16xi32, #tpu.memory_space<hbm>>
    %dma_wait3A_448 = tpu.memref_squeeze %dma_wait3A_447 : memref<1x1x16xi32, #tpu.memory_space<hbm>> -> memref<16xi32, #tpu.memory_space<hbm>>
    %dma_wait3A_449 = arith.constant 48 : i32
    %dma_wait3A_450 = tpu.memref_slice %arg7[%dma_wait3A_442, %dma_wait3A_449] : memref<2x128xi32, #tpu.memory_space<vmem>> -> memref<1x16xi32, #tpu.memory_space<vmem>>
    %dma_wait3A_451 = tpu.memref_squeeze %dma_wait3A_450 : memref<1x16xi32, #tpu.memory_space<vmem>> -> memref<16xi32, #tpu.memory_space<vmem>>
    %dma_wait3A_452 = arith.constant 0 : i32
    %dma_wait3A_453 = tpu.memref_slice %arg3[%dma_wait3A_441, %add3A_201, %dma_wait3A_452] : memref<8x64x16xi32, #tpu.memory_space<hbm>> -> memref<1x1x16xi32, #tpu.memory_space<hbm>>
    %dma_wait3A_454 = tpu.memref_squeeze %dma_wait3A_453 : memref<1x1x16xi32, #tpu.memory_space<hbm>> -> memref<16xi32, #tpu.memory_space<hbm>>
    tpu.wait_dma2 semaphore(%arg10 : memref<!tpu.dma_semaphore, #tpu.memory_space<semaphore_mem>>) src(%dma_wait3A_454 : memref<16xi32, #tpu.memory_space<hbm>>) dst(%dma_wait3A_451 : memref<16xi32, #tpu.memory_space<vmem>>)
    %dma_wait3A_455 = arith.constant 4 : i32
    %dma_wait3A_456 = arith.constant 1 : i32
    %dma_wait3A_457 = arith.constant 64 : i32
    %dma_wait3A_458 = tpu.memref_slice %arg7[%dma_wait3A_456, %dma_wait3A_457] : memref<2x128xi32, #tpu.memory_space<vmem>> -> memref<1x16xi32, #tpu.memory_space<vmem>>
    %dma_wait3A_459 = tpu.memref_squeeze %dma_wait3A_458 : memref<1x16xi32, #tpu.memory_space<vmem>> -> memref<16xi32, #tpu.memory_space<vmem>>
    %dma_wait3A_460 = arith.constant 0 : i32
    %dma_wait3A_461 = tpu.memref_slice %arg3[%dma_wait3A_455, %add3A_219, %dma_wait3A_460] : memref<8x64x16xi32, #tpu.memory_space<hbm>> -> memref<1x1x16xi32, #tpu.memory_space<hbm>>
    %dma_wait3A_462 = tpu.memref_squeeze %dma_wait3A_461 : memref<1x1x16xi32, #tpu.memory_space<hbm>> -> memref<16xi32, #tpu.memory_space<hbm>>
    %dma_wait3A_463 = arith.constant 64 : i32
    %dma_wait3A_464 = tpu.memref_slice %arg7[%dma_wait3A_456, %dma_wait3A_463] : memref<2x128xi32, #tpu.memory_space<vmem>> -> memref<1x16xi32, #tpu.memory_space<vmem>>
    %dma_wait3A_465 = tpu.memref_squeeze %dma_wait3A_464 : memref<1x16xi32, #tpu.memory_space<vmem>> -> memref<16xi32, #tpu.memory_space<vmem>>
    %dma_wait3A_466 = arith.constant 0 : i32
    %dma_wait3A_467 = tpu.memref_slice %arg3[%dma_wait3A_455, %add3A_219, %dma_wait3A_466] : memref<8x64x16xi32, #tpu.memory_space<hbm>> -> memref<1x1x16xi32, #tpu.memory_space<hbm>>
    %dma_wait3A_468 = tpu.memref_squeeze %dma_wait3A_467 : memref<1x1x16xi32, #tpu.memory_space<hbm>> -> memref<16xi32, #tpu.memory_space<hbm>>
    tpu.wait_dma2 semaphore(%arg10 : memref<!tpu.dma_semaphore, #tpu.memory_space<semaphore_mem>>) src(%dma_wait3A_468 : memref<16xi32, #tpu.memory_space<hbm>>) dst(%dma_wait3A_465 : memref<16xi32, #tpu.memory_space<vmem>>)
    %dma_wait3A_469 = arith.constant 5 : i32
    %dma_wait3A_470 = arith.constant 1 : i32
    %dma_wait3A_471 = arith.constant 80 : i32
    %dma_wait3A_472 = tpu.memref_slice %arg7[%dma_wait3A_470, %dma_wait3A_471] : memref<2x128xi32, #tpu.memory_space<vmem>> -> memref<1x16xi32, #tpu.memory_space<vmem>>
    %dma_wait3A_473 = tpu.memref_squeeze %dma_wait3A_472 : memref<1x16xi32, #tpu.memory_space<vmem>> -> memref<16xi32, #tpu.memory_space<vmem>>
    %dma_wait3A_474 = arith.constant 0 : i32
    %dma_wait3A_475 = tpu.memref_slice %arg3[%dma_wait3A_469, %add3A_237, %dma_wait3A_474] : memref<8x64x16xi32, #tpu.memory_space<hbm>> -> memref<1x1x16xi32, #tpu.memory_space<hbm>>
    %dma_wait3A_476 = tpu.memref_squeeze %dma_wait3A_475 : memref<1x1x16xi32, #tpu.memory_space<hbm>> -> memref<16xi32, #tpu.memory_space<hbm>>
    %dma_wait3A_477 = arith.constant 80 : i32
    %dma_wait3A_478 = tpu.memref_slice %arg7[%dma_wait3A_470, %dma_wait3A_477] : memref<2x128xi32, #tpu.memory_space<vmem>> -> memref<1x16xi32, #tpu.memory_space<vmem>>
    %dma_wait3A_479 = tpu.memref_squeeze %dma_wait3A_478 : memref<1x16xi32, #tpu.memory_space<vmem>> -> memref<16xi32, #tpu.memory_space<vmem>>
    %dma_wait3A_480 = arith.constant 0 : i32
    %dma_wait3A_481 = tpu.memref_slice %arg3[%dma_wait3A_469, %add3A_237, %dma_wait3A_480] : memref<8x64x16xi32, #tpu.memory_space<hbm>> -> memref<1x1x16xi32, #tpu.memory_space<hbm>>
    %dma_wait3A_482 = tpu.memref_squeeze %dma_wait3A_481 : memref<1x1x16xi32, #tpu.memory_space<hbm>> -> memref<16xi32, #tpu.memory_space<hbm>>
    tpu.wait_dma2 semaphore(%arg10 : memref<!tpu.dma_semaphore, #tpu.memory_space<semaphore_mem>>) src(%dma_wait3A_482 : memref<16xi32, #tpu.memory_space<hbm>>) dst(%dma_wait3A_479 : memref<16xi32, #tpu.memory_space<vmem>>)
    %dma_wait3A_483 = arith.constant 6 : i32
    %dma_wait3A_484 = arith.constant 1 : i32
    %dma_wait3A_485 = arith.constant 96 : i32
    %dma_wait3A_486 = tpu.memref_slice %arg7[%dma_wait3A_484, %dma_wait3A_485] : memref<2x128xi32, #tpu.memory_space<vmem>> -> memref<1x16xi32, #tpu.memory_space<vmem>>
    %dma_wait3A_487 = tpu.memref_squeeze %dma_wait3A_486 : memref<1x16xi32, #tpu.memory_space<vmem>> -> memref<16xi32, #tpu.memory_space<vmem>>
    %dma_wait3A_488 = arith.constant 0 : i32
    %dma_wait3A_489 = tpu.memref_slice %arg3[%dma_wait3A_483, %add3A_255, %dma_wait3A_488] : memref<8x64x16xi32, #tpu.memory_space<hbm>> -> memref<1x1x16xi32, #tpu.memory_space<hbm>>
    %dma_wait3A_490 = tpu.memref_squeeze %dma_wait3A_489 : memref<1x1x16xi32, #tpu.memory_space<hbm>> -> memref<16xi32, #tpu.memory_space<hbm>>
    %dma_wait3A_491 = arith.constant 96 : i32
    %dma_wait3A_492 = tpu.memref_slice %arg7[%dma_wait3A_484, %dma_wait3A_491] : memref<2x128xi32, #tpu.memory_space<vmem>> -> memref<1x16xi32, #tpu.memory_space<vmem>>
    %dma_wait3A_493 = tpu.memref_squeeze %dma_wait3A_492 : memref<1x16xi32, #tpu.memory_space<vmem>> -> memref<16xi32, #tpu.memory_space<vmem>>
    %dma_wait3A_494 = arith.constant 0 : i32
    %dma_wait3A_495 = tpu.memref_slice %arg3[%dma_wait3A_483, %add3A_255, %dma_wait3A_494] : memref<8x64x16xi32, #tpu.memory_space<hbm>> -> memref<1x1x16xi32, #tpu.memory_space<hbm>>
    %dma_wait3A_496 = tpu.memref_squeeze %dma_wait3A_495 : memref<1x1x16xi32, #tpu.memory_space<hbm>> -> memref<16xi32, #tpu.memory_space<hbm>>
    tpu.wait_dma2 semaphore(%arg10 : memref<!tpu.dma_semaphore, #tpu.memory_space<semaphore_mem>>) src(%dma_wait3A_496 : memref<16xi32, #tpu.memory_space<hbm>>) dst(%dma_wait3A_493 : memref<16xi32, #tpu.memory_space<vmem>>)
    %dma_wait3A_497 = arith.constant 7 : i32
    %dma_wait3A_498 = arith.constant 1 : i32
    %dma_wait3A_499 = arith.constant 112 : i32
    %dma_wait3A_500 = tpu.memref_slice %arg7[%dma_wait3A_498, %dma_wait3A_499] : memref<2x128xi32, #tpu.memory_space<vmem>> -> memref<1x16xi32, #tpu.memory_space<vmem>>
    %dma_wait3A_501 = tpu.memref_squeeze %dma_wait3A_500 : memref<1x16xi32, #tpu.memory_space<vmem>> -> memref<16xi32, #tpu.memory_space<vmem>>
    %dma_wait3A_502 = arith.constant 0 : i32
    %dma_wait3A_503 = tpu.memref_slice %arg3[%dma_wait3A_497, %add3A_273, %dma_wait3A_502] : memref<8x64x16xi32, #tpu.memory_space<hbm>> -> memref<1x1x16xi32, #tpu.memory_space<hbm>>
    %dma_wait3A_504 = tpu.memref_squeeze %dma_wait3A_503 : memref<1x1x16xi32, #tpu.memory_space<hbm>> -> memref<16xi32, #tpu.memory_space<hbm>>
    %dma_wait3A_505 = arith.constant 112 : i32
    %dma_wait3A_506 = tpu.memref_slice %arg7[%dma_wait3A_498, %dma_wait3A_505] : memref<2x128xi32, #tpu.memory_space<vmem>> -> memref<1x16xi32, #tpu.memory_space<vmem>>
    %dma_wait3A_507 = tpu.memref_squeeze %dma_wait3A_506 : memref<1x16xi32, #tpu.memory_space<vmem>> -> memref<16xi32, #tpu.memory_space<vmem>>
    %dma_wait3A_508 = arith.constant 0 : i32
    %dma_wait3A_509 = tpu.memref_slice %arg3[%dma_wait3A_497, %add3A_273, %dma_wait3A_508] : memref<8x64x16xi32, #tpu.memory_space<hbm>> -> memref<1x1x16xi32, #tpu.memory_space<hbm>>
    %dma_wait3A_510 = tpu.memref_squeeze %dma_wait3A_509 : memref<1x1x16xi32, #tpu.memory_space<hbm>> -> memref<16xi32, #tpu.memory_space<hbm>>
    tpu.wait_dma2 semaphore(%arg10 : memref<!tpu.dma_semaphore, #tpu.memory_space<semaphore_mem>>) src(%dma_wait3A_510 : memref<16xi32, #tpu.memory_space<hbm>>) dst(%dma_wait3A_507 : memref<16xi32, #tpu.memory_space<vmem>>)
    %dma_start3A_511 = arith.constant 0 : i32
    %dma_start3A_512 = arith.constant 0 : i32
    %dma_start3A_513 = tpu.memref_slice %arg7[%dma_start3A_511, %dma_start3A_512] : memref<2x128xi32, #tpu.memory_space<vmem>> -> memref<1x64xi32, #tpu.memory_space<vmem>>
    %dma_start3A_514 = tpu.memref_squeeze %dma_start3A_513 : memref<1x64xi32, #tpu.memory_space<vmem>> -> memref<64xi32, #tpu.memory_space<vmem>>
    %dma_start3A_515 = arith.constant 0 : i32
    %dma_start3A_516 = arith.constant 0 : i32
    %dma_start3A_517 = tpu.memref_slice %arg2[%dma_start3A_515, %dma_start3A_516] : memref<8192x768xf32, #tpu.memory_space<hbm>> -> memref<8192x768xf32, #tpu.memory_space<hbm>>
    tpu.enqueue_indirect_dma source(%dma_start3A_517 : memref<8192x768xf32, #tpu.memory_space<hbm>>) target(%arg8 : memref<64x768xf32, #tpu.memory_space<vmem>>) offsets(%dma_start3A_514 : memref<64xi32, #tpu.memory_space<vmem>>) semaphore(%arg10 : memref<!tpu.dma_semaphore, #tpu.memory_space<semaphore_mem>>)
    %dma_wait3A_518 = arith.constant 0 : i32
    %dma_wait3A_519 = arith.constant 0 : i32
    %dma_wait3A_520 = tpu.memref_slice %arg7[%dma_wait3A_518, %dma_wait3A_519] : memref<2x128xi32, #tpu.memory_space<vmem>> -> memref<1x64xi32, #tpu.memory_space<vmem>>
    %dma_wait3A_521 = tpu.memref_squeeze %dma_wait3A_520 : memref<1x64xi32, #tpu.memory_space<vmem>> -> memref<64xi32, #tpu.memory_space<vmem>>
    %dma_wait3A_522 = arith.constant 0 : i32
    %dma_wait3A_523 = arith.constant 0 : i32
    %dma_wait3A_524 = tpu.memref_slice %arg2[%dma_wait3A_522, %dma_wait3A_523] : memref<8192x768xf32, #tpu.memory_space<hbm>> -> memref<8192x768xf32, #tpu.memory_space<hbm>>
    tpu.wait_indirect_dma semaphore(%arg10 : memref<!tpu.dma_semaphore, #tpu.memory_space<semaphore_mem>>) src(%dma_wait3A_524 : memref<8192x768xf32, #tpu.memory_space<hbm>>) dst(%arg8 : memref<64x768xf32, #tpu.memory_space<vmem>>)
    %dma_start3A_525 = arith.constant 0 : i32
    %dma_start3A_526 = arith.constant 64 : i32
    %dma_start3A_527 = tpu.memref_slice %arg7[%dma_start3A_525, %dma_start3A_526] : memref<2x128xi32, #tpu.memory_space<vmem>> -> memref<1x64xi32, #tpu.memory_space<vmem>>
    %dma_start3A_528 = tpu.memref_squeeze %dma_start3A_527 : memref<1x64xi32, #tpu.memory_space<vmem>> -> memref<64xi32, #tpu.memory_space<vmem>>
    %dma_start3A_529 = arith.constant 0 : i32
    %dma_start3A_530 = arith.constant 0 : i32
    %dma_start3A_531 = tpu.memref_slice %arg2[%dma_start3A_529, %dma_start3A_530] : memref<8192x768xf32, #tpu.memory_space<hbm>> -> memref<8192x768xf32, #tpu.memory_space<hbm>>
    tpu.enqueue_indirect_dma source(%dma_start3A_531 : memref<8192x768xf32, #tpu.memory_space<hbm>>) target(%arg9 : memref<64x768xf32, #tpu.memory_space<vmem>>) offsets(%dma_start3A_528 : memref<64xi32, #tpu.memory_space<vmem>>) semaphore(%arg10 : memref<!tpu.dma_semaphore, #tpu.memory_space<semaphore_mem>>)
    %mul3A_532 = arith.constant 2 : i32
    %mul3A_533 = arith.muli %add3A, %mul3A_532 : i32
    %add3A_534 = arith.constant 0 : i32
    %add3A_535 = arith.addi %mul3A_533, %add3A_534 : i32
    %dma_start3A_536 = arith.constant 0 : i32
    %dma_start3A_537 = arith.constant 0 : i32
    %dma_start3A_538 = tpu.memref_slice %arg4[%add3A_535, %dma_start3A_536, %dma_start3A_537] : memref<260x128x768xf32, #tpu.memory_space<hbm>> -> memref<1x64x768xf32, #tpu.memory_space<hbm>>
    %dma_start3A_539 = tpu.memref_squeeze %dma_start3A_538 : memref<1x64x768xf32, #tpu.memory_space<hbm>> -> memref<64x768xf32, #tpu.memory_space<hbm>>
    %dma_start3A_540 = arith.constant 0 : i32
    %dma_start3A_541 = arith.constant 0 : i32
    %dma_start3A_542 = tpu.memref_slice %arg4[%add3A_535, %dma_start3A_540, %dma_start3A_541] : memref<260x128x768xf32, #tpu.memory_space<hbm>> -> memref<1x64x768xf32, #tpu.memory_space<hbm>>
    %dma_start3A_543 = tpu.memref_squeeze %dma_start3A_542 : memref<1x64x768xf32, #tpu.memory_space<hbm>> -> memref<64x768xf32, #tpu.memory_space<hbm>>
    tpu.enqueue_dma source(%arg8 : memref<64x768xf32, #tpu.memory_space<vmem>>) target(%dma_start3A_543 : memref<64x768xf32, #tpu.memory_space<hbm>>) target_semaphore(%arg11 : memref<!tpu.dma_semaphore, #tpu.memory_space<semaphore_mem>>)
    %dma_start3A_544 = arith.constant 0 : i32
    %dma_start3A_545 = arith.constant 0 : i32
    %dma_start3A_546 = tpu.memref_slice %arg5[%dma_start3A_544, %add3A_535, %dma_start3A_545] : memref<128x64x768xf32, #tpu.memory_space<hbm>> -> memref<64x1x768xf32, #tpu.memory_space<hbm>>
    %dma_start3A_547 = tpu.memref_squeeze %dma_start3A_546 : memref<64x1x768xf32, #tpu.memory_space<hbm>> -> memref<64x768xf32, #tpu.memory_space<hbm>>
    %dma_start3A_548 = arith.constant 0 : i32
    %dma_start3A_549 = arith.constant 0 : i32
    %dma_start3A_550 = tpu.memref_slice %arg5[%dma_start3A_548, %add3A_535, %dma_start3A_549] : memref<128x64x768xf32, #tpu.memory_space<hbm>> -> memref<64x1x768xf32, #tpu.memory_space<hbm>>
    %dma_start3A_551 = tpu.memref_squeeze %dma_start3A_550 : memref<64x1x768xf32, #tpu.memory_space<hbm>> -> memref<64x768xf32, #tpu.memory_space<hbm>>
    tpu.enqueue_dma source(%arg8 : memref<64x768xf32, #tpu.memory_space<vmem>>) target(%dma_start3A_551 : memref<64x768xf32, #tpu.memory_space<hbm>>) target_semaphore(%arg11 : memref<!tpu.dma_semaphore, #tpu.memory_space<semaphore_mem>>)
    %dma_wait3A_552 = arith.constant 0 : i32
    %dma_wait3A_553 = arith.constant 64 : i32
    %dma_wait3A_554 = tpu.memref_slice %arg7[%dma_wait3A_552, %dma_wait3A_553] : memref<2x128xi32, #tpu.memory_space<vmem>> -> memref<1x64xi32, #tpu.memory_space<vmem>>
    %dma_wait3A_555 = tpu.memref_squeeze %dma_wait3A_554 : memref<1x64xi32, #tpu.memory_space<vmem>> -> memref<64xi32, #tpu.memory_space<vmem>>
    %dma_wait3A_556 = arith.constant 0 : i32
    %dma_wait3A_557 = arith.constant 0 : i32
    %dma_wait3A_558 = tpu.memref_slice %arg2[%dma_wait3A_556, %dma_wait3A_557] : memref<8192x768xf32, #tpu.memory_space<hbm>> -> memref<8192x768xf32, #tpu.memory_space<hbm>>
    tpu.wait_indirect_dma semaphore(%arg10 : memref<!tpu.dma_semaphore, #tpu.memory_space<semaphore_mem>>) src(%dma_wait3A_558 : memref<8192x768xf32, #tpu.memory_space<hbm>>) dst(%arg9 : memref<64x768xf32, #tpu.memory_space<vmem>>)
    %dma_wait3A_559 = arith.constant 0 : i32
    %dma_wait3A_560 = arith.constant 0 : i32
    %dma_wait3A_561 = tpu.memref_slice %arg4[%add3A_535, %dma_wait3A_559, %dma_wait3A_560] : memref<260x128x768xf32, #tpu.memory_space<hbm>> -> memref<1x64x768xf32, #tpu.memory_space<hbm>>
    %dma_wait3A_562 = tpu.memref_squeeze %dma_wait3A_561 : memref<1x64x768xf32, #tpu.memory_space<hbm>> -> memref<64x768xf32, #tpu.memory_space<hbm>>
    %dma_wait3A_563 = arith.constant 0 : i32
    %dma_wait3A_564 = arith.constant 0 : i32
    %dma_wait3A_565 = tpu.memref_slice %arg4[%add3A_535, %dma_wait3A_563, %dma_wait3A_564] : memref<260x128x768xf32, #tpu.memory_space<hbm>> -> memref<1x64x768xf32, #tpu.memory_space<hbm>>
    %dma_wait3A_566 = tpu.memref_squeeze %dma_wait3A_565 : memref<1x64x768xf32, #tpu.memory_space<hbm>> -> memref<64x768xf32, #tpu.memory_space<hbm>>
    tpu.wait_dma2 semaphore(%arg11 : memref<!tpu.dma_semaphore, #tpu.memory_space<semaphore_mem>>) src(%arg8 : memref<64x768xf32, #tpu.memory_space<vmem>>) dst(%dma_wait3A_566 : memref<64x768xf32, #tpu.memory_space<hbm>>)
    %dma_wait3A_567 = arith.constant 0 : i32
    %dma_wait3A_568 = arith.constant 0 : i32
    %dma_wait3A_569 = tpu.memref_slice %arg5[%dma_wait3A_567, %add3A_535, %dma_wait3A_568] : memref<128x64x768xf32, #tpu.memory_space<hbm>> -> memref<64x1x768xf32, #tpu.memory_space<hbm>>
    %dma_wait3A_570 = tpu.memref_squeeze %dma_wait3A_569 : memref<64x1x768xf32, #tpu.memory_space<hbm>> -> memref<64x768xf32, #tpu.memory_space<hbm>>
    %dma_wait3A_571 = arith.constant 0 : i32
    %dma_wait3A_572 = arith.constant 0 : i32
    %dma_wait3A_573 = tpu.memref_slice %arg5[%dma_wait3A_571, %add3A_535, %dma_wait3A_572] : memref<128x64x768xf32, #tpu.memory_space<hbm>> -> memref<64x1x768xf32, #tpu.memory_space<hbm>>
    %dma_wait3A_574 = tpu.memref_squeeze %dma_wait3A_573 : memref<64x1x768xf32, #tpu.memory_space<hbm>> -> memref<64x768xf32, #tpu.memory_space<hbm>>
    tpu.wait_dma2 semaphore(%arg11 : memref<!tpu.dma_semaphore, #tpu.memory_space<semaphore_mem>>) src(%arg8 : memref<64x768xf32, #tpu.memory_space<vmem>>) dst(%dma_wait3A_574 : memref<64x768xf32, #tpu.memory_space<hbm>>)
    %dma_start3A_575 = arith.constant 1 : i32
    %dma_start3A_576 = arith.constant 0 : i32
    %dma_start3A_577 = tpu.memref_slice %arg7[%dma_start3A_575, %dma_start3A_576] : memref<2x128xi32, #tpu.memory_space<vmem>> -> memref<1x64xi32, #tpu.memory_space<vmem>>
    %dma_start3A_578 = tpu.memref_squeeze %dma_start3A_577 : memref<1x64xi32, #tpu.memory_space<vmem>> -> memref<64xi32, #tpu.memory_space<vmem>>
    %dma_start3A_579 = arith.constant 0 : i32
    %dma_start3A_580 = arith.constant 0 : i32
    %dma_start3A_581 = tpu.memref_slice %arg2[%dma_start3A_579, %dma_start3A_580] : memref<8192x768xf32, #tpu.memory_space<hbm>> -> memref<8192x768xf32, #tpu.memory_space<hbm>>
    tpu.enqueue_indirect_dma source(%dma_start3A_581 : memref<8192x768xf32, #tpu.memory_space<hbm>>) target(%arg8 : memref<64x768xf32, #tpu.memory_space<vmem>>) offsets(%dma_start3A_578 : memref<64xi32, #tpu.memory_space<vmem>>) semaphore(%arg10 : memref<!tpu.dma_semaphore, #tpu.memory_space<semaphore_mem>>)
    %mul3A_582 = arith.constant 2 : i32
    %mul3A_583 = arith.muli %add3A, %mul3A_582 : i32
    %add3A_584 = arith.constant 0 : i32
    %add3A_585 = arith.addi %mul3A_583, %add3A_584 : i32
    %dma_start3A_586 = arith.constant 64 : i32
    %dma_start3A_587 = arith.constant 0 : i32
    %dma_start3A_588 = tpu.memref_slice %arg4[%add3A_585, %dma_start3A_586, %dma_start3A_587] : memref<260x128x768xf32, #tpu.memory_space<hbm>> -> memref<1x64x768xf32, #tpu.memory_space<hbm>>
    %dma_start3A_589 = tpu.memref_squeeze %dma_start3A_588 : memref<1x64x768xf32, #tpu.memory_space<hbm>> -> memref<64x768xf32, #tpu.memory_space<hbm>>
    %dma_start3A_590 = arith.constant 64 : i32
    %dma_start3A_591 = arith.constant 0 : i32
    %dma_start3A_592 = tpu.memref_slice %arg4[%add3A_585, %dma_start3A_590, %dma_start3A_591] : memref<260x128x768xf32, #tpu.memory_space<hbm>> -> memref<1x64x768xf32, #tpu.memory_space<hbm>>
    %dma_start3A_593 = tpu.memref_squeeze %dma_start3A_592 : memref<1x64x768xf32, #tpu.memory_space<hbm>> -> memref<64x768xf32, #tpu.memory_space<hbm>>
    tpu.enqueue_dma source(%arg9 : memref<64x768xf32, #tpu.memory_space<vmem>>) target(%dma_start3A_593 : memref<64x768xf32, #tpu.memory_space<hbm>>) target_semaphore(%arg11 : memref<!tpu.dma_semaphore, #tpu.memory_space<semaphore_mem>>)
    %dma_start3A_594 = arith.constant 64 : i32
    %dma_start3A_595 = arith.constant 0 : i32
    %dma_start3A_596 = tpu.memref_slice %arg5[%dma_start3A_594, %add3A_585, %dma_start3A_595] : memref<128x64x768xf32, #tpu.memory_space<hbm>> -> memref<64x1x768xf32, #tpu.memory_space<hbm>>
    %dma_start3A_597 = tpu.memref_squeeze %dma_start3A_596 : memref<64x1x768xf32, #tpu.memory_space<hbm>> -> memref<64x768xf32, #tpu.memory_space<hbm>>
    %dma_start3A_598 = arith.constant 64 : i32
    %dma_start3A_599 = arith.constant 0 : i32
    %dma_start3A_600 = tpu.memref_slice %arg5[%dma_start3A_598, %add3A_585, %dma_start3A_599] : memref<128x64x768xf32, #tpu.memory_space<hbm>> -> memref<64x1x768xf32, #tpu.memory_space<hbm>>
    %dma_start3A_601 = tpu.memref_squeeze %dma_start3A_600 : memref<64x1x768xf32, #tpu.memory_space<hbm>> -> memref<64x768xf32, #tpu.memory_space<hbm>>
    tpu.enqueue_dma source(%arg9 : memref<64x768xf32, #tpu.memory_space<vmem>>) target(%dma_start3A_601 : memref<64x768xf32, #tpu.memory_space<hbm>>) target_semaphore(%arg11 : memref<!tpu.dma_semaphore, #tpu.memory_space<semaphore_mem>>)
    %dma_wait3A_602 = arith.constant 1 : i32
    %dma_wait3A_603 = arith.constant 0 : i32
    %dma_wait3A_604 = tpu.memref_slice %arg7[%dma_wait3A_602, %dma_wait3A_603] : memref<2x128xi32, #tpu.memory_space<vmem>> -> memref<1x64xi32, #tpu.memory_space<vmem>>
    %dma_wait3A_605 = tpu.memref_squeeze %dma_wait3A_604 : memref<1x64xi32, #tpu.memory_space<vmem>> -> memref<64xi32, #tpu.memory_space<vmem>>
    %dma_wait3A_606 = arith.constant 0 : i32
    %dma_wait3A_607 = arith.constant 0 : i32
    %dma_wait3A_608 = tpu.memref_slice %arg2[%dma_wait3A_606, %dma_wait3A_607] : memref<8192x768xf32, #tpu.memory_space<hbm>> -> memref<8192x768xf32, #tpu.memory_space<hbm>>
    tpu.wait_indirect_dma semaphore(%arg10 : memref<!tpu.dma_semaphore, #tpu.memory_space<semaphore_mem>>) src(%dma_wait3A_608 : memref<8192x768xf32, #tpu.memory_space<hbm>>) dst(%arg8 : memref<64x768xf32, #tpu.memory_space<vmem>>)
    %dma_wait3A_609 = arith.constant 64 : i32
    %dma_wait3A_610 = arith.constant 0 : i32
    %dma_wait3A_611 = tpu.memref_slice %arg4[%add3A_585, %dma_wait3A_609, %dma_wait3A_610] : memref<260x128x768xf32, #tpu.memory_space<hbm>> -> memref<1x64x768xf32, #tpu.memory_space<hbm>>
    %dma_wait3A_612 = tpu.memref_squeeze %dma_wait3A_611 : memref<1x64x768xf32, #tpu.memory_space<hbm>> -> memref<64x768xf32, #tpu.memory_space<hbm>>
    %dma_wait3A_613 = arith.constant 64 : i32
    %dma_wait3A_614 = arith.constant 0 : i32
    %dma_wait3A_615 = tpu.memref_slice %arg4[%add3A_585, %dma_wait3A_613, %dma_wait3A_614] : memref<260x128x768xf32, #tpu.memory_space<hbm>> -> memref<1x64x768xf32, #tpu.memory_space<hbm>>
    %dma_wait3A_616 = tpu.memref_squeeze %dma_wait3A_615 : memref<1x64x768xf32, #tpu.memory_space<hbm>> -> memref<64x768xf32, #tpu.memory_space<hbm>>
    tpu.wait_dma2 semaphore(%arg11 : memref<!tpu.dma_semaphore, #tpu.memory_space<semaphore_mem>>) src(%arg9 : memref<64x768xf32, #tpu.memory_space<vmem>>) dst(%dma_wait3A_616 : memref<64x768xf32, #tpu.memory_space<hbm>>)
    %dma_wait3A_617 = arith.constant 64 : i32
    %dma_wait3A_618 = arith.constant 0 : i32
    %dma_wait3A_619 = tpu.memref_slice %arg5[%dma_wait3A_617, %add3A_585, %dma_wait3A_618] : memref<128x64x768xf32, #tpu.memory_space<hbm>> -> memref<64x1x768xf32, #tpu.memory_space<hbm>>
    %dma_wait3A_620 = tpu.memref_squeeze %dma_wait3A_619 : memref<64x1x768xf32, #tpu.memory_space<hbm>> -> memref<64x768xf32, #tpu.memory_space<hbm>>
    %dma_wait3A_621 = arith.constant 64 : i32
    %dma_wait3A_622 = arith.constant 0 : i32
    %dma_wait3A_623 = tpu.memref_slice %arg5[%dma_wait3A_621, %add3A_585, %dma_wait3A_622] : memref<128x64x768xf32, #tpu.memory_space<hbm>> -> memref<64x1x768xf32, #tpu.memory_space<hbm>>
    %dma_wait3A_624 = tpu.memref_squeeze %dma_wait3A_623 : memref<64x1x768xf32, #tpu.memory_space<hbm>> -> memref<64x768xf32, #tpu.memory_space<hbm>>
    tpu.wait_dma2 semaphore(%arg11 : memref<!tpu.dma_semaphore, #tpu.memory_space<semaphore_mem>>) src(%arg9 : memref<64x768xf32, #tpu.memory_space<vmem>>) dst(%dma_wait3A_624 : memref<64x768xf32, #tpu.memory_space<hbm>>)
    %dma_start3A_625 = arith.constant 1 : i32
    %dma_start3A_626 = arith.constant 64 : i32
    %dma_start3A_627 = tpu.memref_slice %arg7[%dma_start3A_625, %dma_start3A_626] : memref<2x128xi32, #tpu.memory_space<vmem>> -> memref<1x64xi32, #tpu.memory_space<vmem>>
    %dma_start3A_628 = tpu.memref_squeeze %dma_start3A_627 : memref<1x64xi32, #tpu.memory_space<vmem>> -> memref<64xi32, #tpu.memory_space<vmem>>
    %dma_start3A_629 = arith.constant 0 : i32
    %dma_start3A_630 = arith.constant 0 : i32
    %dma_start3A_631 = tpu.memref_slice %arg2[%dma_start3A_629, %dma_start3A_630] : memref<8192x768xf32, #tpu.memory_space<hbm>> -> memref<8192x768xf32, #tpu.memory_space<hbm>>
    tpu.enqueue_indirect_dma source(%dma_start3A_631 : memref<8192x768xf32, #tpu.memory_space<hbm>>) target(%arg9 : memref<64x768xf32, #tpu.memory_space<vmem>>) offsets(%dma_start3A_628 : memref<64xi32, #tpu.memory_space<vmem>>) semaphore(%arg10 : memref<!tpu.dma_semaphore, #tpu.memory_space<semaphore_mem>>)
    %mul3A_632 = arith.constant 2 : i32
    %mul3A_633 = arith.muli %add3A, %mul3A_632 : i32
    %add3A_634 = arith.constant 1 : i32
    %add3A_635 = arith.addi %mul3A_633, %add3A_634 : i32
    %dma_start3A_636 = arith.constant 0 : i32
    %dma_start3A_637 = arith.constant 0 : i32
    %dma_start3A_638 = tpu.memref_slice %arg4[%add3A_635, %dma_start3A_636, %dma_start3A_637] : memref<260x128x768xf32, #tpu.memory_space<hbm>> -> memref<1x64x768xf32, #tpu.memory_space<hbm>>
    %dma_start3A_639 = tpu.memref_squeeze %dma_start3A_638 : memref<1x64x768xf32, #tpu.memory_space<hbm>> -> memref<64x768xf32, #tpu.memory_space<hbm>>
    %dma_start3A_640 = arith.constant 0 : i32
    %dma_start3A_641 = arith.constant 0 : i32
    %dma_start3A_642 = tpu.memref_slice %arg4[%add3A_635, %dma_start3A_640, %dma_start3A_641] : memref<260x128x768xf32, #tpu.memory_space<hbm>> -> memref<1x64x768xf32, #tpu.memory_space<hbm>>
    %dma_start3A_643 = tpu.memref_squeeze %dma_start3A_642 : memref<1x64x768xf32, #tpu.memory_space<hbm>> -> memref<64x768xf32, #tpu.memory_space<hbm>>
    tpu.enqueue_dma source(%arg8 : memref<64x768xf32, #tpu.memory_space<vmem>>) target(%dma_start3A_643 : memref<64x768xf32, #tpu.memory_space<hbm>>) target_semaphore(%arg11 : memref<!tpu.dma_semaphore, #tpu.memory_space<semaphore_mem>>)
    %dma_start3A_644 = arith.constant 0 : i32
    %dma_start3A_645 = arith.constant 0 : i32
    %dma_start3A_646 = tpu.memref_slice %arg5[%dma_start3A_644, %add3A_635, %dma_start3A_645] : memref<128x64x768xf32, #tpu.memory_space<hbm>> -> memref<64x1x768xf32, #tpu.memory_space<hbm>>
    %dma_start3A_647 = tpu.memref_squeeze %dma_start3A_646 : memref<64x1x768xf32, #tpu.memory_space<hbm>> -> memref<64x768xf32, #tpu.memory_space<hbm>>
    %dma_start3A_648 = arith.constant 0 : i32
    %dma_start3A_649 = arith.constant 0 : i32
    %dma_start3A_650 = tpu.memref_slice %arg5[%dma_start3A_648, %add3A_635, %dma_start3A_649] : memref<128x64x768xf32, #tpu.memory_space<hbm>> -> memref<64x1x768xf32, #tpu.memory_space<hbm>>
    %dma_start3A_651 = tpu.memref_squeeze %dma_start3A_650 : memref<64x1x768xf32, #tpu.memory_space<hbm>> -> memref<64x768xf32, #tpu.memory_space<hbm>>
    tpu.enqueue_dma source(%arg8 : memref<64x768xf32, #tpu.memory_space<vmem>>) target(%dma_start3A_651 : memref<64x768xf32, #tpu.memory_space<hbm>>) target_semaphore(%arg11 : memref<!tpu.dma_semaphore, #tpu.memory_space<semaphore_mem>>)
    %dma_wait3A_652 = arith.constant 1 : i32
    %dma_wait3A_653 = arith.constant 64 : i32
    %dma_wait3A_654 = tpu.memref_slice %arg7[%dma_wait3A_652, %dma_wait3A_653] : memref<2x128xi32, #tpu.memory_space<vmem>> -> memref<1x64xi32, #tpu.memory_space<vmem>>
    %dma_wait3A_655 = tpu.memref_squeeze %dma_wait3A_654 : memref<1x64xi32, #tpu.memory_space<vmem>> -> memref<64xi32, #tpu.memory_space<vmem>>
    %dma_wait3A_656 = arith.constant 0 : i32
    %dma_wait3A_657 = arith.constant 0 : i32
    %dma_wait3A_658 = tpu.memref_slice %arg2[%dma_wait3A_656, %dma_wait3A_657] : memref<8192x768xf32, #tpu.memory_space<hbm>> -> memref<8192x768xf32, #tpu.memory_space<hbm>>
    tpu.wait_indirect_dma semaphore(%arg10 : memref<!tpu.dma_semaphore, #tpu.memory_space<semaphore_mem>>) src(%dma_wait3A_658 : memref<8192x768xf32, #tpu.memory_space<hbm>>) dst(%arg9 : memref<64x768xf32, #tpu.memory_space<vmem>>)
    %mul3A_659 = arith.constant 2 : i32
    %mul3A_660 = arith.muli %add3A, %mul3A_659 : i32
    %add3A_661 = arith.constant 1 : i32
    %add3A_662 = arith.addi %mul3A_660, %add3A_661 : i32
    %dma_start3A_663 = arith.constant 64 : i32
    %dma_start3A_664 = arith.constant 0 : i32
    %dma_start3A_665 = tpu.memref_slice %arg4[%add3A_662, %dma_start3A_663, %dma_start3A_664] : memref<260x128x768xf32, #tpu.memory_space<hbm>> -> memref<1x64x768xf32, #tpu.memory_space<hbm>>
    %dma_start3A_666 = tpu.memref_squeeze %dma_start3A_665 : memref<1x64x768xf32, #tpu.memory_space<hbm>> -> memref<64x768xf32, #tpu.memory_space<hbm>>
    %dma_start3A_667 = arith.constant 64 : i32
    %dma_start3A_668 = arith.constant 0 : i32
    %dma_start3A_669 = tpu.memref_slice %arg4[%add3A_662, %dma_start3A_667, %dma_start3A_668] : memref<260x128x768xf32, #tpu.memory_space<hbm>> -> memref<1x64x768xf32, #tpu.memory_space<hbm>>
    %dma_start3A_670 = tpu.memref_squeeze %dma_start3A_669 : memref<1x64x768xf32, #tpu.memory_space<hbm>> -> memref<64x768xf32, #tpu.memory_space<hbm>>
    tpu.enqueue_dma source(%arg9 : memref<64x768xf32, #tpu.memory_space<vmem>>) target(%dma_start3A_670 : memref<64x768xf32, #tpu.memory_space<hbm>>) target_semaphore(%arg11 : memref<!tpu.dma_semaphore, #tpu.memory_space<semaphore_mem>>)
    %dma_start3A_671 = arith.constant 64 : i32
    %dma_start3A_672 = arith.constant 0 : i32
    %dma_start3A_673 = tpu.memref_slice %arg5[%dma_start3A_671, %add3A_662, %dma_start3A_672] : memref<128x64x768xf32, #tpu.memory_space<hbm>> -> memref<64x1x768xf32, #tpu.memory_space<hbm>>
    %dma_start3A_674 = tpu.memref_squeeze %dma_start3A_673 : memref<64x1x768xf32, #tpu.memory_space<hbm>> -> memref<64x768xf32, #tpu.memory_space<hbm>>
    %dma_start3A_675 = arith.constant 64 : i32
    %dma_start3A_676 = arith.constant 0 : i32
    %dma_start3A_677 = tpu.memref_slice %arg5[%dma_start3A_675, %add3A_662, %dma_start3A_676] : memref<128x64x768xf32, #tpu.memory_space<hbm>> -> memref<64x1x768xf32, #tpu.memory_space<hbm>>
    %dma_start3A_678 = tpu.memref_squeeze %dma_start3A_677 : memref<64x1x768xf32, #tpu.memory_space<hbm>> -> memref<64x768xf32, #tpu.memory_space<hbm>>
    tpu.enqueue_dma source(%arg9 : memref<64x768xf32, #tpu.memory_space<vmem>>) target(%dma_start3A_678 : memref<64x768xf32, #tpu.memory_space<hbm>>) target_semaphore(%arg11 : memref<!tpu.dma_semaphore, #tpu.memory_space<semaphore_mem>>)
    %dma_wait3A_679 = arith.constant 0 : i32
    %dma_wait3A_680 = arith.constant 0 : i32
    %dma_wait3A_681 = tpu.memref_slice %arg4[%add3A_635, %dma_wait3A_679, %dma_wait3A_680] : memref<260x128x768xf32, #tpu.memory_space<hbm>> -> memref<1x64x768xf32, #tpu.memory_space<hbm>>
    %dma_wait3A_682 = tpu.memref_squeeze %dma_wait3A_681 : memref<1x64x768xf32, #tpu.memory_space<hbm>> -> memref<64x768xf32, #tpu.memory_space<hbm>>
    %dma_wait3A_683 = arith.constant 0 : i32
    %dma_wait3A_684 = arith.constant 0 : i32
    %dma_wait3A_685 = tpu.memref_slice %arg4[%add3A_635, %dma_wait3A_683, %dma_wait3A_684] : memref<260x128x768xf32, #tpu.memory_space<hbm>> -> memref<1x64x768xf32, #tpu.memory_space<hbm>>
    %dma_wait3A_686 = tpu.memref_squeeze %dma_wait3A_685 : memref<1x64x768xf32, #tpu.memory_space<hbm>> -> memref<64x768xf32, #tpu.memory_space<hbm>>
    tpu.wait_dma2 semaphore(%arg11 : memref<!tpu.dma_semaphore, #tpu.memory_space<semaphore_mem>>) src(%arg8 : memref<64x768xf32, #tpu.memory_space<vmem>>) dst(%dma_wait3A_686 : memref<64x768xf32, #tpu.memory_space<hbm>>)
    %dma_wait3A_687 = arith.constant 0 : i32
    %dma_wait3A_688 = arith.constant 0 : i32
    %dma_wait3A_689 = tpu.memref_slice %arg5[%dma_wait3A_687, %add3A_635, %dma_wait3A_688] : memref<128x64x768xf32, #tpu.memory_space<hbm>> -> memref<64x1x768xf32, #tpu.memory_space<hbm>>
    %dma_wait3A_690 = tpu.memref_squeeze %dma_wait3A_689 : memref<64x1x768xf32, #tpu.memory_space<hbm>> -> memref<64x768xf32, #tpu.memory_space<hbm>>
    %dma_wait3A_691 = arith.constant 0 : i32
    %dma_wait3A_692 = arith.constant 0 : i32
    %dma_wait3A_693 = tpu.memref_slice %arg5[%dma_wait3A_691, %add3A_635, %dma_wait3A_692] : memref<128x64x768xf32, #tpu.memory_space<hbm>> -> memref<64x1x768xf32, #tpu.memory_space<hbm>>
    %dma_wait3A_694 = tpu.memref_squeeze %dma_wait3A_693 : memref<64x1x768xf32, #tpu.memory_space<hbm>> -> memref<64x768xf32, #tpu.memory_space<hbm>>
    tpu.wait_dma2 semaphore(%arg11 : memref<!tpu.dma_semaphore, #tpu.memory_space<semaphore_mem>>) src(%arg8 : memref<64x768xf32, #tpu.memory_space<vmem>>) dst(%dma_wait3A_694 : memref<64x768xf32, #tpu.memory_space<hbm>>)
    %dma_wait3A_695 = arith.constant 64 : i32
    %dma_wait3A_696 = arith.constant 0 : i32
    %dma_wait3A_697 = tpu.memref_slice %arg4[%add3A_662, %dma_wait3A_695, %dma_wait3A_696] : memref<260x128x768xf32, #tpu.memory_space<hbm>> -> memref<1x64x768xf32, #tpu.memory_space<hbm>>
    %dma_wait3A_698 = tpu.memref_squeeze %dma_wait3A_697 : memref<1x64x768xf32, #tpu.memory_space<hbm>> -> memref<64x768xf32, #tpu.memory_space<hbm>>
    %dma_wait3A_699 = arith.constant 64 : i32
    %dma_wait3A_700 = arith.constant 0 : i32
    %dma_wait3A_701 = tpu.memref_slice %arg4[%add3A_662, %dma_wait3A_699, %dma_wait3A_700] : memref<260x128x768xf32, #tpu.memory_space<hbm>> -> memref<1x64x768xf32, #tpu.memory_space<hbm>>
    %dma_wait3A_702 = tpu.memref_squeeze %dma_wait3A_701 : memref<1x64x768xf32, #tpu.memory_space<hbm>> -> memref<64x768xf32, #tpu.memory_space<hbm>>
    tpu.wait_dma2 semaphore(%arg11 : memref<!tpu.dma_semaphore, #tpu.memory_space<semaphore_mem>>) src(%arg9 : memref<64x768xf32, #tpu.memory_space<vmem>>) dst(%dma_wait3A_702 : memref<64x768xf32, #tpu.memory_space<hbm>>)
    %dma_wait3A_703 = arith.constant 64 : i32
    %dma_wait3A_704 = arith.constant 0 : i32
    %dma_wait3A_705 = tpu.memref_slice %arg5[%dma_wait3A_703, %add3A_662, %dma_wait3A_704] : memref<128x64x768xf32, #tpu.memory_space<hbm>> -> memref<64x1x768xf32, #tpu.memory_space<hbm>>
    %dma_wait3A_706 = tpu.memref_squeeze %dma_wait3A_705 : memref<64x1x768xf32, #tpu.memory_space<hbm>> -> memref<64x768xf32, #tpu.memory_space<hbm>>
    %dma_wait3A_707 = arith.constant 64 : i32
    %dma_wait3A_708 = arith.constant 0 : i32
    %dma_wait3A_709 = tpu.memref_slice %arg5[%dma_wait3A_707, %add3A_662, %dma_wait3A_708] : memref<128x64x768xf32, #tpu.memory_space<hbm>> -> memref<64x1x768xf32, #tpu.memory_space<hbm>>
    %dma_wait3A_710 = tpu.memref_squeeze %dma_wait3A_709 : memref<64x1x768xf32, #tpu.memory_space<hbm>> -> memref<64x768xf32, #tpu.memory_space<hbm>>
    tpu.wait_dma2 semaphore(%arg11 : memref<!tpu.dma_semaphore, #tpu.memory_space<semaphore_mem>>) src(%arg9 : memref<64x768xf32, #tpu.memory_space<vmem>>) dst(%dma_wait3A_710 : memref<64x768xf32, #tpu.memory_space<hbm>>)
    return
  }
}

module attributes {stable_mosaic.version = 14 : i64} {
  func.func @_sim_body(%arg0: memref<1024x768xf32, #tpu.memory_space<vmem>>, %arg1: memref<128x768xf32, #tpu.memory_space<vmem>>, %arg2: memref<128x8xi32, #tpu.memory_space<vmem>>, %arg3: memref<128x8x768xf32, #tpu.memory_space<vmem>>, %arg4: memref<1x1xf32, #tpu.memory_space<smem>>) attributes {dimension_semantics = [], scalar_prefetch = 0 : i64, scratch_operands = 0 : i64, tpu.core_type = #tpu.core_type<tc>} {
    %get3A = arith.constant 0 : index
    %get3A_0 = arith.constant 0 : index
    %get3A_1 = vector.load %arg0[%get3A, %get3A_0] : memref<1024x768xf32, #tpu.memory_space<vmem>>, vector<1024x768xf32>
    %mul3A = arith.mulf %get3A_1, %get3A_1 : vector<1024x768xf32>
    %reduce_sum3A = arith.constant dense<0.000000e+00> : vector<1024xf32>
    %reduce_sum3A_2 = vector.multi_reduction <add>, %mul3A, %reduce_sum3A [1] : vector<1024x768xf32> to vector<1024xf32>
    %broadcast_in_dim3A = vector.shape_cast %reduce_sum3A_2 : vector<1024xf32> to vector<1024x1xf32>
    %max3A = arith.constant 9.99999996E-13 : f32
    %max3A_3 = vector.broadcast %max3A : f32 to vector<1024x1xf32>
    %max3A_4 = arith.maximumf %broadcast_in_dim3A, %max3A_3 : vector<1024x1xf32>
    %rsqrt3A = math.rsqrt %max3A_4 : vector<1024x1xf32>
    %mul3A_5 = vector.broadcast %rsqrt3A : vector<1024x1xf32> to vector<1024x768xf32>
    %mul3A_6 = arith.mulf %get3A_1, %mul3A_5 : vector<1024x768xf32>
    %get3A_7 = arith.constant 0 : index
    %get3A_8 = arith.constant 0 : index
    %get3A_9 = vector.load %arg1[%get3A_7, %get3A_8] : memref<128x768xf32, #tpu.memory_space<vmem>>, vector<128x768xf32>
    %get3A_10 = arith.constant 0 : index
    %get3A_11 = arith.constant 0 : index
    %get3A_12 = vector.load %arg2[%get3A_10, %get3A_11] : memref<128x8xi32, #tpu.memory_space<vmem>>, vector<128x8xi32>
    %iota3A = tpu.iota {dimensions = array<i32: 2>} : vector<128x8x1024xi32>
    %broadcast_in_dim3A_13 = vector.shape_cast %get3A_12 : vector<128x8xi32> to vector<128x8x1xi32>
    %eq3A = vector.broadcast %broadcast_in_dim3A_13 : vector<128x8x1xi32> to vector<128x8x1024xi32>
    %eq3A_14 = arith.cmpi eq, %iota3A, %eq3A : vector<128x8x1024xi32>
    %convert_element_type3A = arith.extui %eq3A_14 : vector<128x8x1024xi1> to vector<128x8x1024xi32>
    %convert_element_type3A_15 = arith.sitofp %convert_element_type3A : vector<128x8x1024xi32> to vector<128x8x1024xf32>
    %reshape3A = vector.shape_cast %convert_element_type3A_15 : vector<128x8x1024xf32> to vector<1024x1024xf32>
    %dot_general3A = arith.constant dense<0.000000e+00> : vector<1024x768xf32>
    %dot_general3A_16 = tpu.matmul %reshape3A, %mul3A_6, %dot_general3A {dimension_numbers = #tpu.dot_dimension_numbers<[1], [0], [0], [1], [0, 0, 1, 1], [], []>, transpose_lhs_hint = false} : vector<1024x1024xf32>, vector<1024x768xf32>, vector<1024x768xf32> -> vector<1024x768xf32>
    %reshape3A_17 = vector.shape_cast %dot_general3A_16 : vector<1024x768xf32> to vector<128x8x768xf32>
    %broadcast_in_dim3A_18 = vector.shape_cast %get3A_9 : vector<128x768xf32> to vector<128x1x768xf32>
    %mul3A_19 = vector.broadcast %broadcast_in_dim3A_18 : vector<128x1x768xf32> to vector<128x8x768xf32>
    %mul3A_20 = arith.mulf %reshape3A_17, %mul3A_19 : vector<128x8x768xf32>
    %swap3A = arith.constant 0 : index
    %swap3A_21 = arith.constant 0 : index
    %swap3A_22 = arith.constant 0 : index
    %swap3A_23 = vector.load %arg3[%swap3A, %swap3A_21, %swap3A_22] : memref<128x8x768xf32, #tpu.memory_space<vmem>>, vector<128x8x768xf32>
    tpu.vector_store %arg3[%swap3A, %swap3A_21, %swap3A_22], %mul3A_20 {strides = array<i32>} : memref<128x8x768xf32, #tpu.memory_space<vmem>>, vector<128x8x768xf32>,
    %reduce_sum3A_24 = vector.shape_cast %mul3A_20 : vector<128x8x768xf32> to vector<1x128x8x768xf32>
    %reduce_sum3A_25 = arith.constant dense<0.000000e+00> : vector<1xf32>
    %reduce_sum3A_26 = vector.multi_reduction <add>, %reduce_sum3A_24, %reduce_sum3A_25 [1, 2, 3] : vector<1x128x8x768xf32> to vector<1xf32>
    %reduce_sum3A_27 = vector.shape_cast %reduce_sum3A_26 : vector<1xf32> to vector<1x1x1x1xf32>
    %reduce_sum3A_28 = vector.extract %reduce_sum3A_27[0, 0, 0, 0] : f32 from vector<1x1x1x1xf32>
    %mul3A_29 = arith.constant 7.812500e-03 : f32
    %mul3A_30 = arith.mulf %reduce_sum3A_28, %mul3A_29 : f32
    %swap3A_31 = arith.constant 0 : index
    %swap3A_32 = arith.constant 0 : index
    %swap3A_33 = memref.load %arg4[%swap3A_31, %swap3A_32] : memref<1x1xf32, #tpu.memory_space<smem>>
    memref.store %mul3A_30, %arg4[%swap3A_31, %swap3A_32] : memref<1x1xf32, #tpu.memory_space<smem>>
    return
  }
}

module attributes {stable_mosaic.version = 14 : i64} {
  func.func @_main_body(%arg0: i32, %arg1: memref<196x16x768xf32, #tpu.memory_space<vmem>>, %arg2: memref<1024x768xf32, #tpu.memory_space<vmem>>, %arg3: memref<16x1024xf32, #tpu.memory_space<vmem>>, %arg4: memref<16x8xi32, #tpu.memory_space<vmem>>, %arg5: memref<1x64x16xi32, #tpu.memory_space<vmem>>, %arg6: memref<16x768xf32, #tpu.memory_space<vmem>>, %arg7: memref<260x128x768xf32, #tpu.memory_space<any>>, %arg8: memref<1024x768xf32, #tpu.memory_space<vmem>>, %arg9: memref<!tpu.dma_semaphore, #tpu.memory_space<semaphore_mem>>) attributes {dimension_semantics = [#tpu.dimension_semantics<arbitrary>], iteration_bounds = array<i64: 8>, scalar_prefetch = 0 : i64, scratch_operands = 2 : i64, tpu.core_type = #tpu.core_type<tc>, window_params = [{transform_indices = @transform_0, window_bounds = array<i64: 196, 16, 768>}, {pipeline_mode = #tpu.pipeline_mode<synchronous>, transform_indices = @transform_1, window_bounds = array<i64: 1024, 768>}, {transform_indices = @transform_2, window_bounds = array<i64: 16, 1024>}, {transform_indices = @transform_3, window_bounds = array<i64: 16, 8>}, {transform_indices = @transform_4, window_bounds = array<i64: 1, 64, 16>}, {transform_indices = @transform_5, window_bounds = array<i64: 16, 768>}, {}]} {
    %mul3A = arith.constant 16 : i32
    %mul3A_0 = arith.muli %arg0, %mul3A : i32
    %dma_start3A = arith.constant 64 : i32
    %dma_start3A_1 = arith.constant 0 : i32
    %dma_start3A_2 = tpu.memref_slice %arg7[%dma_start3A, %mul3A_0, %dma_start3A_1] : memref<260x128x768xf32, #tpu.memory_space<any>> -> memref<196x16x768xf32, #tpu.memory_space<any>>
    tpu.enqueue_dma source(%arg1 : memref<196x16x768xf32, #tpu.memory_space<vmem>>) target(%dma_start3A_2 : memref<196x16x768xf32, #tpu.memory_space<any>>) target_semaphore(%arg9 : memref<!tpu.dma_semaphore, #tpu.memory_space<semaphore_mem>>)
    %eq3A = arith.constant 0 : i32
    %eq3A_3 = arith.cmpi eq, %arg0, %eq3A : i32
    %convert_element_type3A = arith.extui %eq3A_3 : i1 to i32
    %cond3A = arith.constant 0 : i32
    %cond3A_4 = arith.cmpi ne, %convert_element_type3A, %cond3A : i32
    scf.if %cond3A_4 {
      %get3A_451 = arith.constant 0 : index
      %get3A_452 = arith.constant 0 : index
      %get3A_453 = vector.load %arg2[%get3A_451, %get3A_452] : memref<1024x768xf32, #tpu.memory_space<vmem>>, vector<1024x768xf32>
      %mul3A_454 = arith.mulf %get3A_453, %get3A_453 : vector<1024x768xf32>
      %reduce_sum3A_455 = arith.constant dense<0.000000e+00> : vector<1024xf32>
      %reduce_sum3A_456 = vector.multi_reduction <add>, %mul3A_454, %reduce_sum3A_455 [1] : vector<1024x768xf32> to vector<1024xf32>
      %broadcast_in_dim3A_457 = vector.shape_cast %reduce_sum3A_456 : vector<1024xf32> to vector<1024x1xf32>
      %max3A_458 = arith.constant 9.99999996E-13 : f32
      %max3A_459 = vector.broadcast %max3A_458 : f32 to vector<1024x1xf32>
      %max3A_460 = arith.maximumf %broadcast_in_dim3A_457, %max3A_459 : vector<1024x1xf32>
      %rsqrt3A_461 = math.rsqrt %max3A_460 : vector<1024x1xf32>
      %mul3A_462 = vector.broadcast %rsqrt3A_461 : vector<1024x1xf32> to vector<1024x768xf32>
      %mul3A_463 = arith.mulf %get3A_453, %mul3A_462 : vector<1024x768xf32>
      %swap3A_464 = arith.constant 0 : index
      %swap3A_465 = arith.constant 0 : index
      %swap3A_466 = vector.load %arg8[%swap3A_464, %swap3A_465] : memref<1024x768xf32, #tpu.memory_space<vmem>>, vector<1024x768xf32>
      tpu.vector_store %arg8[%swap3A_464, %swap3A_465], %mul3A_463 {strides = array<i32>} : memref<1024x768xf32, #tpu.memory_space<vmem>>, vector<1024x768xf32>,
    } else {
    }
    %get3A = arith.constant 0 : index
    %get3A_5 = arith.constant 0 : index
    %get3A_6 = arith.constant 0 : index
    %get3A_7 = vector.load %arg1[%get3A, %get3A_5, %get3A_6] : memref<196x16x768xf32, #tpu.memory_space<vmem>>, vector<196x16x768xf32>
    %reduce_sum3A = arith.constant dense<0.000000e+00> : vector<16x768xf32>
    %reduce_sum3A_8 = vector.multi_reduction <add>, %get3A_7, %reduce_sum3A [0] : vector<196x16x768xf32> to vector<16x768xf32>
    %div3A = arith.constant 1.960000e+02 : f32
    %div3A_9 = vector.broadcast %div3A : f32 to vector<16x768xf32>
    %div3A_10 = arith.divf %reduce_sum3A_8, %div3A_9 : vector<16x768xf32>
    %mul3A_11 = arith.mulf %div3A_10, %div3A_10 : vector<16x768xf32>
    %reduce_sum3A_12 = arith.constant dense<0.000000e+00> : vector<16xf32>
    %reduce_sum3A_13 = vector.multi_reduction <add>, %mul3A_11, %reduce_sum3A_12 [1] : vector<16x768xf32> to vector<16xf32>
    %broadcast_in_dim3A = vector.shape_cast %reduce_sum3A_13 : vector<16xf32> to vector<16x1xf32>
    %max3A = arith.constant 9.99999996E-13 : f32
    %max3A_14 = vector.broadcast %max3A : f32 to vector<16x1xf32>
    %max3A_15 = arith.maximumf %broadcast_in_dim3A, %max3A_14 : vector<16x1xf32>
    %rsqrt3A = math.rsqrt %max3A_15 : vector<16x1xf32>
    %mul3A_16 = vector.broadcast %rsqrt3A : vector<16x1xf32> to vector<16x768xf32>
    %mul3A_17 = arith.mulf %div3A_10, %mul3A_16 : vector<16x768xf32>
    %get3A_18 = arith.constant 0 : index
    %get3A_19 = arith.constant 0 : index
    %get3A_20 = vector.load %arg8[%get3A_18, %get3A_19] : memref<1024x768xf32, #tpu.memory_space<vmem>>, vector<1024x768xf32>
    %dot_general3A = arith.constant dense<0.000000e+00> : vector<16x1024xf32>
    %dot_general3A_21 = tpu.matmul %mul3A_17, %get3A_20, %dot_general3A {dimension_numbers = #tpu.dot_dimension_numbers<[1], [1], [0], [0], [0, 0, 1, 0], [], []>, transpose_lhs_hint = false} : vector<16x768xf32>, vector<1024x768xf32>, vector<16x1024xf32> -> vector<16x1024xf32>
    %swap3A = arith.constant 0 : index
    %swap3A_22 = arith.constant 0 : index
    %swap3A_23 = vector.load %arg3[%swap3A, %swap3A_22] : memref<16x1024xf32, #tpu.memory_space<vmem>>, vector<16x1024xf32>
    tpu.vector_store %arg3[%swap3A, %swap3A_22], %dot_general3A_21 {strides = array<i32>} : memref<16x1024xf32, #tpu.memory_space<vmem>>, vector<16x1024xf32>,
    %iota3A = tpu.iota {dimensions = array<i32: 1>} : vector<16x1024xi32>
    %reduce_max3A = arith.constant dense<0xFF800000> : vector<16xf32>
    %reduce_max3A_24 = vector.multi_reduction <maximumf>, %dot_general3A_21, %reduce_max3A [1] : vector<16x1024xf32> to vector<16xf32>
    %broadcast_in_dim3A_25 = vector.shape_cast %reduce_max3A_24 : vector<16xf32> to vector<16x1xf32>
    %eq3A_26 = vector.broadcast %broadcast_in_dim3A_25 : vector<16x1xf32> to vector<16x1024xf32>
    %eq3A_27 = arith.cmpf oeq, %dot_general3A_21, %eq3A_26 : vector<16x1024xf32>
    %jit3A = arith.constant 1073741824 : i32
    %broadcast_in_dim3A_28 = vector.broadcast %jit3A : i32 to vector<16x1024xi32>
    %select_n3A = arith.select %eq3A_27, %iota3A, %broadcast_in_dim3A_28 : vector<16x1024xi1>, vector<16x1024xi32>
    %reduce_min3A = arith.constant dense<2147483647> : vector<16xi32>
    %reduce_min3A_29 = vector.multi_reduction <minsi>, %select_n3A, %reduce_min3A [1] : vector<16x1024xi32> to vector<16xi32>
    %broadcast_in_dim3A_30 = vector.shape_cast %reduce_min3A_29 : vector<16xi32> to vector<16x1xi32>
    %broadcast_in_dim3A_31 = vector.shape_cast %reduce_min3A_29 : vector<16xi32> to vector<16x1xi32>
    %eq3A_32 = vector.broadcast %broadcast_in_dim3A_31 : vector<16x1xi32> to vector<16x1024xi32>
    %eq3A_33 = arith.cmpi eq, %iota3A, %eq3A_32 : vector<16x1024xi32>
    %jit3A_34 = arith.constant 0xFF800000 : f32
    %broadcast_in_dim3A_35 = vector.broadcast %jit3A_34 : f32 to vector<16x1024xf32>
    %select_n3A_36 = arith.select %eq3A_33, %broadcast_in_dim3A_35, %dot_general3A_21 : vector<16x1024xi1>, vector<16x1024xf32>
    %reduce_max3A_37 = arith.constant dense<0xFF800000> : vector<16xf32>
    %reduce_max3A_38 = vector.multi_reduction <maximumf>, %select_n3A_36, %reduce_max3A_37 [1] : vector<16x1024xf32> to vector<16xf32>
    %broadcast_in_dim3A_39 = vector.shape_cast %reduce_max3A_38 : vector<16xf32> to vector<16x1xf32>
    %eq3A_40 = vector.broadcast %broadcast_in_dim3A_39 : vector<16x1xf32> to vector<16x1024xf32>
    %eq3A_41 = arith.cmpf oeq, %select_n3A_36, %eq3A_40 : vector<16x1024xf32>
    %jit3A_42 = arith.constant 1073741824 : i32
    %broadcast_in_dim3A_43 = vector.broadcast %jit3A_42 : i32 to vector<16x1024xi32>
    %select_n3A_44 = arith.select %eq3A_41, %iota3A, %broadcast_in_dim3A_43 : vector<16x1024xi1>, vector<16x1024xi32>
    %reduce_min3A_45 = arith.constant dense<2147483647> : vector<16xi32>
    %reduce_min3A_46 = vector.multi_reduction <minsi>, %select_n3A_44, %reduce_min3A_45 [1] : vector<16x1024xi32> to vector<16xi32>
    %broadcast_in_dim3A_47 = vector.shape_cast %reduce_min3A_46 : vector<16xi32> to vector<16x1xi32>
    %broadcast_in_dim3A_48 = vector.shape_cast %reduce_min3A_46 : vector<16xi32> to vector<16x1xi32>
    %eq3A_49 = vector.broadcast %broadcast_in_dim3A_48 : vector<16x1xi32> to vector<16x1024xi32>
    %eq3A_50 = arith.cmpi eq, %iota3A, %eq3A_49 : vector<16x1024xi32>
    %jit3A_51 = arith.constant 0xFF800000 : f32
    %broadcast_in_dim3A_52 = vector.broadcast %jit3A_51 : f32 to vector<16x1024xf32>
    %select_n3A_53 = arith.select %eq3A_50, %broadcast_in_dim3A_52, %select_n3A_36 : vector<16x1024xi1>, vector<16x1024xf32>
    %reduce_max3A_54 = arith.constant dense<0xFF800000> : vector<16xf32>
    %reduce_max3A_55 = vector.multi_reduction <maximumf>, %select_n3A_53, %reduce_max3A_54 [1] : vector<16x1024xf32> to vector<16xf32>
    %broadcast_in_dim3A_56 = vector.shape_cast %reduce_max3A_55 : vector<16xf32> to vector<16x1xf32>
    %eq3A_57 = vector.broadcast %broadcast_in_dim3A_56 : vector<16x1xf32> to vector<16x1024xf32>
    %eq3A_58 = arith.cmpf oeq, %select_n3A_53, %eq3A_57 : vector<16x1024xf32>
    %jit3A_59 = arith.constant 1073741824 : i32
    %broadcast_in_dim3A_60 = vector.broadcast %jit3A_59 : i32 to vector<16x1024xi32>
    %select_n3A_61 = arith.select %eq3A_58, %iota3A, %broadcast_in_dim3A_60 : vector<16x1024xi1>, vector<16x1024xi32>
    %reduce_min3A_62 = arith.constant dense<2147483647> : vector<16xi32>
    %reduce_min3A_63 = vector.multi_reduction <minsi>, %select_n3A_61, %reduce_min3A_62 [1] : vector<16x1024xi32> to vector<16xi32>
    %broadcast_in_dim3A_64 = vector.shape_cast %reduce_min3A_63 : vector<16xi32> to vector<16x1xi32>
    %broadcast_in_dim3A_65 = vector.shape_cast %reduce_min3A_63 : vector<16xi32> to vector<16x1xi32>
    %eq3A_66 = vector.broadcast %broadcast_in_dim3A_65 : vector<16x1xi32> to vector<16x1024xi32>
    %eq3A_67 = arith.cmpi eq, %iota3A, %eq3A_66 : vector<16x1024xi32>
    %jit3A_68 = arith.constant 0xFF800000 : f32
    %broadcast_in_dim3A_69 = vector.broadcast %jit3A_68 : f32 to vector<16x1024xf32>
    %select_n3A_70 = arith.select %eq3A_67, %broadcast_in_dim3A_69, %select_n3A_53 : vector<16x1024xi1>, vector<16x1024xf32>
    %reduce_max3A_71 = arith.constant dense<0xFF800000> : vector<16xf32>
    %reduce_max3A_72 = vector.multi_reduction <maximumf>, %select_n3A_70, %reduce_max3A_71 [1] : vector<16x1024xf32> to vector<16xf32>
    %broadcast_in_dim3A_73 = vector.shape_cast %reduce_max3A_72 : vector<16xf32> to vector<16x1xf32>
    %eq3A_74 = vector.broadcast %broadcast_in_dim3A_73 : vector<16x1xf32> to vector<16x1024xf32>
    %eq3A_75 = arith.cmpf oeq, %select_n3A_70, %eq3A_74 : vector<16x1024xf32>
    %jit3A_76 = arith.constant 1073741824 : i32
    %broadcast_in_dim3A_77 = vector.broadcast %jit3A_76 : i32 to vector<16x1024xi32>
    %select_n3A_78 = arith.select %eq3A_75, %iota3A, %broadcast_in_dim3A_77 : vector<16x1024xi1>, vector<16x1024xi32>
    %reduce_min3A_79 = arith.constant dense<2147483647> : vector<16xi32>
    %reduce_min3A_80 = vector.multi_reduction <minsi>, %select_n3A_78, %reduce_min3A_79 [1] : vector<16x1024xi32> to vector<16xi32>
    %broadcast_in_dim3A_81 = vector.shape_cast %reduce_min3A_80 : vector<16xi32> to vector<16x1xi32>
    %broadcast_in_dim3A_82 = vector.shape_cast %reduce_min3A_80 : vector<16xi32> to vector<16x1xi32>
    %eq3A_83 = vector.broadcast %broadcast_in_dim3A_82 : vector<16x1xi32> to vector<16x1024xi32>
    %eq3A_84 = arith.cmpi eq, %iota3A, %eq3A_83 : vector<16x1024xi32>
    %jit3A_85 = arith.constant 0xFF800000 : f32
    %broadcast_in_dim3A_86 = vector.broadcast %jit3A_85 : f32 to vector<16x1024xf32>
    %select_n3A_87 = arith.select %eq3A_84, %broadcast_in_dim3A_86, %select_n3A_70 : vector<16x1024xi1>, vector<16x1024xf32>
    %reduce_max3A_88 = arith.constant dense<0xFF800000> : vector<16xf32>
    %reduce_max3A_89 = vector.multi_reduction <maximumf>, %select_n3A_87, %reduce_max3A_88 [1] : vector<16x1024xf32> to vector<16xf32>
    %broadcast_in_dim3A_90 = vector.shape_cast %reduce_max3A_89 : vector<16xf32> to vector<16x1xf32>
    %eq3A_91 = vector.broadcast %broadcast_in_dim3A_90 : vector<16x1xf32> to vector<16x1024xf32>
    %eq3A_92 = arith.cmpf oeq, %select_n3A_87, %eq3A_91 : vector<16x1024xf32>
    %jit3A_93 = arith.constant 1073741824 : i32
    %broadcast_in_dim3A_94 = vector.broadcast %jit3A_93 : i32 to vector<16x1024xi32>
    %select_n3A_95 = arith.select %eq3A_92, %iota3A, %broadcast_in_dim3A_94 : vector<16x1024xi1>, vector<16x1024xi32>
    %reduce_min3A_96 = arith.constant dense<2147483647> : vector<16xi32>
    %reduce_min3A_97 = vector.multi_reduction <minsi>, %select_n3A_95, %reduce_min3A_96 [1] : vector<16x1024xi32> to vector<16xi32>
    %broadcast_in_dim3A_98 = vector.shape_cast %reduce_min3A_97 : vector<16xi32> to vector<16x1xi32>
    %broadcast_in_dim3A_99 = vector.shape_cast %reduce_min3A_97 : vector<16xi32> to vector<16x1xi32>
    %eq3A_100 = vector.broadcast %broadcast_in_dim3A_99 : vector<16x1xi32> to vector<16x1024xi32>
    %eq3A_101 = arith.cmpi eq, %iota3A, %eq3A_100 : vector<16x1024xi32>
    %jit3A_102 = arith.constant 0xFF800000 : f32
    %broadcast_in_dim3A_103 = vector.broadcast %jit3A_102 : f32 to vector<16x1024xf32>
    %select_n3A_104 = arith.select %eq3A_101, %broadcast_in_dim3A_103, %select_n3A_87 : vector<16x1024xi1>, vector<16x1024xf32>
    %reduce_max3A_105 = arith.constant dense<0xFF800000> : vector<16xf32>
    %reduce_max3A_106 = vector.multi_reduction <maximumf>, %select_n3A_104, %reduce_max3A_105 [1] : vector<16x1024xf32> to vector<16xf32>
    %broadcast_in_dim3A_107 = vector.shape_cast %reduce_max3A_106 : vector<16xf32> to vector<16x1xf32>
    %eq3A_108 = vector.broadcast %broadcast_in_dim3A_107 : vector<16x1xf32> to vector<16x1024xf32>
    %eq3A_109 = arith.cmpf oeq, %select_n3A_104, %eq3A_108 : vector<16x1024xf32>
    %jit3A_110 = arith.constant 1073741824 : i32
    %broadcast_in_dim3A_111 = vector.broadcast %jit3A_110 : i32 to vector<16x1024xi32>
    %select_n3A_112 = arith.select %eq3A_109, %iota3A, %broadcast_in_dim3A_111 : vector<16x1024xi1>, vector<16x1024xi32>
    %reduce_min3A_113 = arith.constant dense<2147483647> : vector<16xi32>
    %reduce_min3A_114 = vector.multi_reduction <minsi>, %select_n3A_112, %reduce_min3A_113 [1] : vector<16x1024xi32> to vector<16xi32>
    %broadcast_in_dim3A_115 = vector.shape_cast %reduce_min3A_114 : vector<16xi32> to vector<16x1xi32>
    %broadcast_in_dim3A_116 = vector.shape_cast %reduce_min3A_114 : vector<16xi32> to vector<16x1xi32>
    %eq3A_117 = vector.broadcast %broadcast_in_dim3A_116 : vector<16x1xi32> to vector<16x1024xi32>
    %eq3A_118 = arith.cmpi eq, %iota3A, %eq3A_117 : vector<16x1024xi32>
    %jit3A_119 = arith.constant 0xFF800000 : f32
    %broadcast_in_dim3A_120 = vector.broadcast %jit3A_119 : f32 to vector<16x1024xf32>
    %select_n3A_121 = arith.select %eq3A_118, %broadcast_in_dim3A_120, %select_n3A_104 : vector<16x1024xi1>, vector<16x1024xf32>
    %reduce_max3A_122 = arith.constant dense<0xFF800000> : vector<16xf32>
    %reduce_max3A_123 = vector.multi_reduction <maximumf>, %select_n3A_121, %reduce_max3A_122 [1] : vector<16x1024xf32> to vector<16xf32>
    %broadcast_in_dim3A_124 = vector.shape_cast %reduce_max3A_123 : vector<16xf32> to vector<16x1xf32>
    %eq3A_125 = vector.broadcast %broadcast_in_dim3A_124 : vector<16x1xf32> to vector<16x1024xf32>
    %eq3A_126 = arith.cmpf oeq, %select_n3A_121, %eq3A_125 : vector<16x1024xf32>
    %jit3A_127 = arith.constant 1073741824 : i32
    %broadcast_in_dim3A_128 = vector.broadcast %jit3A_127 : i32 to vector<16x1024xi32>
    %select_n3A_129 = arith.select %eq3A_126, %iota3A, %broadcast_in_dim3A_128 : vector<16x1024xi1>, vector<16x1024xi32>
    %reduce_min3A_130 = arith.constant dense<2147483647> : vector<16xi32>
    %reduce_min3A_131 = vector.multi_reduction <minsi>, %select_n3A_129, %reduce_min3A_130 [1] : vector<16x1024xi32> to vector<16xi32>
    %broadcast_in_dim3A_132 = vector.shape_cast %reduce_min3A_131 : vector<16xi32> to vector<16x1xi32>
    %broadcast_in_dim3A_133 = vector.shape_cast %reduce_min3A_131 : vector<16xi32> to vector<16x1xi32>
    %eq3A_134 = vector.broadcast %broadcast_in_dim3A_133 : vector<16x1xi32> to vector<16x1024xi32>
    %eq3A_135 = arith.cmpi eq, %iota3A, %eq3A_134 : vector<16x1024xi32>
    %jit3A_136 = arith.constant 0xFF800000 : f32
    %broadcast_in_dim3A_137 = vector.broadcast %jit3A_136 : f32 to vector<16x1024xf32>
    %select_n3A_138 = arith.select %eq3A_135, %broadcast_in_dim3A_137, %select_n3A_121 : vector<16x1024xi1>, vector<16x1024xf32>
    %reduce_max3A_139 = arith.constant dense<0xFF800000> : vector<16xf32>
    %reduce_max3A_140 = vector.multi_reduction <maximumf>, %select_n3A_138, %reduce_max3A_139 [1] : vector<16x1024xf32> to vector<16xf32>
    %broadcast_in_dim3A_141 = vector.shape_cast %reduce_max3A_140 : vector<16xf32> to vector<16x1xf32>
    %eq3A_142 = vector.broadcast %broadcast_in_dim3A_141 : vector<16x1xf32> to vector<16x1024xf32>
    %eq3A_143 = arith.cmpf oeq, %select_n3A_138, %eq3A_142 : vector<16x1024xf32>
    %jit3A_144 = arith.constant 1073741824 : i32
    %broadcast_in_dim3A_145 = vector.broadcast %jit3A_144 : i32 to vector<16x1024xi32>
    %select_n3A_146 = arith.select %eq3A_143, %iota3A, %broadcast_in_dim3A_145 : vector<16x1024xi1>, vector<16x1024xi32>
    %reduce_min3A_147 = arith.constant dense<2147483647> : vector<16xi32>
    %reduce_min3A_148 = vector.multi_reduction <minsi>, %select_n3A_146, %reduce_min3A_147 [1] : vector<16x1024xi32> to vector<16xi32>
    %broadcast_in_dim3A_149 = vector.shape_cast %reduce_min3A_148 : vector<16xi32> to vector<16x1xi32>
    %concatenate3A = tpu.concatenate %broadcast_in_dim3A_30, %broadcast_in_dim3A_47, %broadcast_in_dim3A_64, %broadcast_in_dim3A_81, %broadcast_in_dim3A_98, %broadcast_in_dim3A_115, %broadcast_in_dim3A_132, %broadcast_in_dim3A_149 in 1 : vector<16x1xi32>, vector<16x1xi32>, vector<16x1xi32>, vector<16x1xi32>, vector<16x1xi32>, vector<16x1xi32>, vector<16x1xi32>, vector<16x1xi32> -> vector<16x8xi32>
    %swap3A_150 = arith.constant 0 : index
    %swap3A_151 = arith.constant 0 : index
    %swap3A_152 = vector.load %arg4[%swap3A_150, %swap3A_151] : memref<16x8xi32, #tpu.memory_space<vmem>>, vector<16x8xi32>
    tpu.vector_store %arg4[%swap3A_150, %swap3A_151], %concatenate3A {strides = array<i32>} : memref<16x8xi32, #tpu.memory_space<vmem>>, vector<16x8xi32>,
    %squeeze3A = vector.shape_cast %broadcast_in_dim3A_30 : vector<16x1xi32> to vector<16xi32>
    %mul3A_153 = arith.constant 8 : i32
    %mul3A_154 = vector.broadcast %mul3A_153 : i32 to vector<16xi32>
    %mul3A_155 = arith.muli %squeeze3A, %mul3A_154 : vector<16xi32>
    %add3A = arith.constant 0 : i32
    %add3A_156 = vector.broadcast %add3A : i32 to vector<16xi32>
    %add3A_157 = arith.addi %mul3A_155, %add3A_156 : vector<16xi32>
    %broadcast_in_dim3A_158 = vector.shape_cast %add3A_157 : vector<16xi32> to vector<1x16xi32>
    %add3A_159 = arith.constant 1 : i32
    %add3A_160 = vector.broadcast %add3A_159 : i32 to vector<16xi32>
    %add3A_161 = arith.addi %mul3A_155, %add3A_160 : vector<16xi32>
    %broadcast_in_dim3A_162 = vector.shape_cast %add3A_161 : vector<16xi32> to vector<1x16xi32>
    %add3A_163 = arith.constant 2 : i32
    %add3A_164 = vector.broadcast %add3A_163 : i32 to vector<16xi32>
    %add3A_165 = arith.addi %mul3A_155, %add3A_164 : vector<16xi32>
    %broadcast_in_dim3A_166 = vector.shape_cast %add3A_165 : vector<16xi32> to vector<1x16xi32>
    %add3A_167 = arith.constant 3 : i32
    %add3A_168 = vector.broadcast %add3A_167 : i32 to vector<16xi32>
    %add3A_169 = arith.addi %mul3A_155, %add3A_168 : vector<16xi32>
    %broadcast_in_dim3A_170 = vector.shape_cast %add3A_169 : vector<16xi32> to vector<1x16xi32>
    %add3A_171 = arith.constant 4 : i32
    %add3A_172 = vector.broadcast %add3A_171 : i32 to vector<16xi32>
    %add3A_173 = arith.addi %mul3A_155, %add3A_172 : vector<16xi32>
    %broadcast_in_dim3A_174 = vector.shape_cast %add3A_173 : vector<16xi32> to vector<1x16xi32>
    %add3A_175 = arith.constant 5 : i32
    %add3A_176 = vector.broadcast %add3A_175 : i32 to vector<16xi32>
    %add3A_177 = arith.addi %mul3A_155, %add3A_176 : vector<16xi32>
    %broadcast_in_dim3A_178 = vector.shape_cast %add3A_177 : vector<16xi32> to vector<1x16xi32>
    %add3A_179 = arith.constant 6 : i32
    %add3A_180 = vector.broadcast %add3A_179 : i32 to vector<16xi32>
    %add3A_181 = arith.addi %mul3A_155, %add3A_180 : vector<16xi32>
    %broadcast_in_dim3A_182 = vector.shape_cast %add3A_181 : vector<16xi32> to vector<1x16xi32>
    %add3A_183 = arith.constant 7 : i32
    %add3A_184 = vector.broadcast %add3A_183 : i32 to vector<16xi32>
    %add3A_185 = arith.addi %mul3A_155, %add3A_184 : vector<16xi32>
    %broadcast_in_dim3A_186 = vector.shape_cast %add3A_185 : vector<16xi32> to vector<1x16xi32>
    %squeeze3A_187 = vector.shape_cast %broadcast_in_dim3A_47 : vector<16x1xi32> to vector<16xi32>
    %mul3A_188 = arith.constant 8 : i32
    %mul3A_189 = vector.broadcast %mul3A_188 : i32 to vector<16xi32>
    %mul3A_190 = arith.muli %squeeze3A_187, %mul3A_189 : vector<16xi32>
    %add3A_191 = arith.constant 0 : i32
    %add3A_192 = vector.broadcast %add3A_191 : i32 to vector<16xi32>
    %add3A_193 = arith.addi %mul3A_190, %add3A_192 : vector<16xi32>
    %broadcast_in_dim3A_194 = vector.shape_cast %add3A_193 : vector<16xi32> to vector<1x16xi32>
    %add3A_195 = arith.constant 1 : i32
    %add3A_196 = vector.broadcast %add3A_195 : i32 to vector<16xi32>
    %add3A_197 = arith.addi %mul3A_190, %add3A_196 : vector<16xi32>
    %broadcast_in_dim3A_198 = vector.shape_cast %add3A_197 : vector<16xi32> to vector<1x16xi32>
    %add3A_199 = arith.constant 2 : i32
    %add3A_200 = vector.broadcast %add3A_199 : i32 to vector<16xi32>
    %add3A_201 = arith.addi %mul3A_190, %add3A_200 : vector<16xi32>
    %broadcast_in_dim3A_202 = vector.shape_cast %add3A_201 : vector<16xi32> to vector<1x16xi32>
    %add3A_203 = arith.constant 3 : i32
    %add3A_204 = vector.broadcast %add3A_203 : i32 to vector<16xi32>
    %add3A_205 = arith.addi %mul3A_190, %add3A_204 : vector<16xi32>
    %broadcast_in_dim3A_206 = vector.shape_cast %add3A_205 : vector<16xi32> to vector<1x16xi32>
    %add3A_207 = arith.constant 4 : i32
    %add3A_208 = vector.broadcast %add3A_207 : i32 to vector<16xi32>
    %add3A_209 = arith.addi %mul3A_190, %add3A_208 : vector<16xi32>
    %broadcast_in_dim3A_210 = vector.shape_cast %add3A_209 : vector<16xi32> to vector<1x16xi32>
    %add3A_211 = arith.constant 5 : i32
    %add3A_212 = vector.broadcast %add3A_211 : i32 to vector<16xi32>
    %add3A_213 = arith.addi %mul3A_190, %add3A_212 : vector<16xi32>
    %broadcast_in_dim3A_214 = vector.shape_cast %add3A_213 : vector<16xi32> to vector<1x16xi32>
    %add3A_215 = arith.constant 6 : i32
    %add3A_216 = vector.broadcast %add3A_215 : i32 to vector<16xi32>
    %add3A_217 = arith.addi %mul3A_190, %add3A_216 : vector<16xi32>
    %broadcast_in_dim3A_218 = vector.shape_cast %add3A_217 : vector<16xi32> to vector<1x16xi32>
    %add3A_219 = arith.constant 7 : i32
    %add3A_220 = vector.broadcast %add3A_219 : i32 to vector<16xi32>
    %add3A_221 = arith.addi %mul3A_190, %add3A_220 : vector<16xi32>
    %broadcast_in_dim3A_222 = vector.shape_cast %add3A_221 : vector<16xi32> to vector<1x16xi32>
    %squeeze3A_223 = vector.shape_cast %broadcast_in_dim3A_64 : vector<16x1xi32> to vector<16xi32>
    %mul3A_224 = arith.constant 8 : i32
    %mul3A_225 = vector.broadcast %mul3A_224 : i32 to vector<16xi32>
    %mul3A_226 = arith.muli %squeeze3A_223, %mul3A_225 : vector<16xi32>
    %add3A_227 = arith.constant 0 : i32
    %add3A_228 = vector.broadcast %add3A_227 : i32 to vector<16xi32>
    %add3A_229 = arith.addi %mul3A_226, %add3A_228 : vector<16xi32>
    %broadcast_in_dim3A_230 = vector.shape_cast %add3A_229 : vector<16xi32> to vector<1x16xi32>
    %add3A_231 = arith.constant 1 : i32
    %add3A_232 = vector.broadcast %add3A_231 : i32 to vector<16xi32>
    %add3A_233 = arith.addi %mul3A_226, %add3A_232 : vector<16xi32>
    %broadcast_in_dim3A_234 = vector.shape_cast %add3A_233 : vector<16xi32> to vector<1x16xi32>
    %add3A_235 = arith.constant 2 : i32
    %add3A_236 = vector.broadcast %add3A_235 : i32 to vector<16xi32>
    %add3A_237 = arith.addi %mul3A_226, %add3A_236 : vector<16xi32>
    %broadcast_in_dim3A_238 = vector.shape_cast %add3A_237 : vector<16xi32> to vector<1x16xi32>
    %add3A_239 = arith.constant 3 : i32
    %add3A_240 = vector.broadcast %add3A_239 : i32 to vector<16xi32>
    %add3A_241 = arith.addi %mul3A_226, %add3A_240 : vector<16xi32>
    %broadcast_in_dim3A_242 = vector.shape_cast %add3A_241 : vector<16xi32> to vector<1x16xi32>
    %add3A_243 = arith.constant 4 : i32
    %add3A_244 = vector.broadcast %add3A_243 : i32 to vector<16xi32>
    %add3A_245 = arith.addi %mul3A_226, %add3A_244 : vector<16xi32>
    %broadcast_in_dim3A_246 = vector.shape_cast %add3A_245 : vector<16xi32> to vector<1x16xi32>
    %add3A_247 = arith.constant 5 : i32
    %add3A_248 = vector.broadcast %add3A_247 : i32 to vector<16xi32>
    %add3A_249 = arith.addi %mul3A_226, %add3A_248 : vector<16xi32>
    %broadcast_in_dim3A_250 = vector.shape_cast %add3A_249 : vector<16xi32> to vector<1x16xi32>
    %add3A_251 = arith.constant 6 : i32
    %add3A_252 = vector.broadcast %add3A_251 : i32 to vector<16xi32>
    %add3A_253 = arith.addi %mul3A_226, %add3A_252 : vector<16xi32>
    %broadcast_in_dim3A_254 = vector.shape_cast %add3A_253 : vector<16xi32> to vector<1x16xi32>
    %add3A_255 = arith.constant 7 : i32
    %add3A_256 = vector.broadcast %add3A_255 : i32 to vector<16xi32>
    %add3A_257 = arith.addi %mul3A_226, %add3A_256 : vector<16xi32>
    %broadcast_in_dim3A_258 = vector.shape_cast %add3A_257 : vector<16xi32> to vector<1x16xi32>
    %squeeze3A_259 = vector.shape_cast %broadcast_in_dim3A_81 : vector<16x1xi32> to vector<16xi32>
    %mul3A_260 = arith.constant 8 : i32
    %mul3A_261 = vector.broadcast %mul3A_260 : i32 to vector<16xi32>
    %mul3A_262 = arith.muli %squeeze3A_259, %mul3A_261 : vector<16xi32>
    %add3A_263 = arith.constant 0 : i32
    %add3A_264 = vector.broadcast %add3A_263 : i32 to vector<16xi32>
    %add3A_265 = arith.addi %mul3A_262, %add3A_264 : vector<16xi32>
    %broadcast_in_dim3A_266 = vector.shape_cast %add3A_265 : vector<16xi32> to vector<1x16xi32>
    %add3A_267 = arith.constant 1 : i32
    %add3A_268 = vector.broadcast %add3A_267 : i32 to vector<16xi32>
    %add3A_269 = arith.addi %mul3A_262, %add3A_268 : vector<16xi32>
    %broadcast_in_dim3A_270 = vector.shape_cast %add3A_269 : vector<16xi32> to vector<1x16xi32>
    %add3A_271 = arith.constant 2 : i32
    %add3A_272 = vector.broadcast %add3A_271 : i32 to vector<16xi32>
    %add3A_273 = arith.addi %mul3A_262, %add3A_272 : vector<16xi32>
    %broadcast_in_dim3A_274 = vector.shape_cast %add3A_273 : vector<16xi32> to vector<1x16xi32>
    %add3A_275 = arith.constant 3 : i32
    %add3A_276 = vector.broadcast %add3A_275 : i32 to vector<16xi32>
    %add3A_277 = arith.addi %mul3A_262, %add3A_276 : vector<16xi32>
    %broadcast_in_dim3A_278 = vector.shape_cast %add3A_277 : vector<16xi32> to vector<1x16xi32>
    %add3A_279 = arith.constant 4 : i32
    %add3A_280 = vector.broadcast %add3A_279 : i32 to vector<16xi32>
    %add3A_281 = arith.addi %mul3A_262, %add3A_280 : vector<16xi32>
    %broadcast_in_dim3A_282 = vector.shape_cast %add3A_281 : vector<16xi32> to vector<1x16xi32>
    %add3A_283 = arith.constant 5 : i32
    %add3A_284 = vector.broadcast %add3A_283 : i32 to vector<16xi32>
    %add3A_285 = arith.addi %mul3A_262, %add3A_284 : vector<16xi32>
    %broadcast_in_dim3A_286 = vector.shape_cast %add3A_285 : vector<16xi32> to vector<1x16xi32>
    %add3A_287 = arith.constant 6 : i32
    %add3A_288 = vector.broadcast %add3A_287 : i32 to vector<16xi32>
    %add3A_289 = arith.addi %mul3A_262, %add3A_288 : vector<16xi32>
    %broadcast_in_dim3A_290 = vector.shape_cast %add3A_289 : vector<16xi32> to vector<1x16xi32>
    %add3A_291 = arith.constant 7 : i32
    %add3A_292 = vector.broadcast %add3A_291 : i32 to vector<16xi32>
    %add3A_293 = arith.addi %mul3A_262, %add3A_292 : vector<16xi32>
    %broadcast_in_dim3A_294 = vector.shape_cast %add3A_293 : vector<16xi32> to vector<1x16xi32>
    %squeeze3A_295 = vector.shape_cast %broadcast_in_dim3A_98 : vector<16x1xi32> to vector<16xi32>
    %mul3A_296 = arith.constant 8 : i32
    %mul3A_297 = vector.broadcast %mul3A_296 : i32 to vector<16xi32>
    %mul3A_298 = arith.muli %squeeze3A_295, %mul3A_297 : vector<16xi32>
    %add3A_299 = arith.constant 0 : i32
    %add3A_300 = vector.broadcast %add3A_299 : i32 to vector<16xi32>
    %add3A_301 = arith.addi %mul3A_298, %add3A_300 : vector<16xi32>
    %broadcast_in_dim3A_302 = vector.shape_cast %add3A_301 : vector<16xi32> to vector<1x16xi32>
    %add3A_303 = arith.constant 1 : i32
    %add3A_304 = vector.broadcast %add3A_303 : i32 to vector<16xi32>
    %add3A_305 = arith.addi %mul3A_298, %add3A_304 : vector<16xi32>
    %broadcast_in_dim3A_306 = vector.shape_cast %add3A_305 : vector<16xi32> to vector<1x16xi32>
    %add3A_307 = arith.constant 2 : i32
    %add3A_308 = vector.broadcast %add3A_307 : i32 to vector<16xi32>
    %add3A_309 = arith.addi %mul3A_298, %add3A_308 : vector<16xi32>
    %broadcast_in_dim3A_310 = vector.shape_cast %add3A_309 : vector<16xi32> to vector<1x16xi32>
    %add3A_311 = arith.constant 3 : i32
    %add3A_312 = vector.broadcast %add3A_311 : i32 to vector<16xi32>
    %add3A_313 = arith.addi %mul3A_298, %add3A_312 : vector<16xi32>
    %broadcast_in_dim3A_314 = vector.shape_cast %add3A_313 : vector<16xi32> to vector<1x16xi32>
    %add3A_315 = arith.constant 4 : i32
    %add3A_316 = vector.broadcast %add3A_315 : i32 to vector<16xi32>
    %add3A_317 = arith.addi %mul3A_298, %add3A_316 : vector<16xi32>
    %broadcast_in_dim3A_318 = vector.shape_cast %add3A_317 : vector<16xi32> to vector<1x16xi32>
    %add3A_319 = arith.constant 5 : i32
    %add3A_320 = vector.broadcast %add3A_319 : i32 to vector<16xi32>
    %add3A_321 = arith.addi %mul3A_298, %add3A_320 : vector<16xi32>
    %broadcast_in_dim3A_322 = vector.shape_cast %add3A_321 : vector<16xi32> to vector<1x16xi32>
    %add3A_323 = arith.constant 6 : i32
    %add3A_324 = vector.broadcast %add3A_323 : i32 to vector<16xi32>
    %add3A_325 = arith.addi %mul3A_298, %add3A_324 : vector<16xi32>
    %broadcast_in_dim3A_326 = vector.shape_cast %add3A_325 : vector<16xi32> to vector<1x16xi32>
    %add3A_327 = arith.constant 7 : i32
    %add3A_328 = vector.broadcast %add3A_327 : i32 to vector<16xi32>
    %add3A_329 = arith.addi %mul3A_298, %add3A_328 : vector<16xi32>
    %broadcast_in_dim3A_330 = vector.shape_cast %add3A_329 : vector<16xi32> to vector<1x16xi32>
    %squeeze3A_331 = vector.shape_cast %broadcast_in_dim3A_115 : vector<16x1xi32> to vector<16xi32>
    %mul3A_332 = arith.constant 8 : i32
    %mul3A_333 = vector.broadcast %mul3A_332 : i32 to vector<16xi32>
    %mul3A_334 = arith.muli %squeeze3A_331, %mul3A_333 : vector<16xi32>
    %add3A_335 = arith.constant 0 : i32
    %add3A_336 = vector.broadcast %add3A_335 : i32 to vector<16xi32>
    %add3A_337 = arith.addi %mul3A_334, %add3A_336 : vector<16xi32>
    %broadcast_in_dim3A_338 = vector.shape_cast %add3A_337 : vector<16xi32> to vector<1x16xi32>
    %add3A_339 = arith.constant 1 : i32
    %add3A_340 = vector.broadcast %add3A_339 : i32 to vector<16xi32>
    %add3A_341 = arith.addi %mul3A_334, %add3A_340 : vector<16xi32>
    %broadcast_in_dim3A_342 = vector.shape_cast %add3A_341 : vector<16xi32> to vector<1x16xi32>
    %add3A_343 = arith.constant 2 : i32
    %add3A_344 = vector.broadcast %add3A_343 : i32 to vector<16xi32>
    %add3A_345 = arith.addi %mul3A_334, %add3A_344 : vector<16xi32>
    %broadcast_in_dim3A_346 = vector.shape_cast %add3A_345 : vector<16xi32> to vector<1x16xi32>
    %add3A_347 = arith.constant 3 : i32
    %add3A_348 = vector.broadcast %add3A_347 : i32 to vector<16xi32>
    %add3A_349 = arith.addi %mul3A_334, %add3A_348 : vector<16xi32>
    %broadcast_in_dim3A_350 = vector.shape_cast %add3A_349 : vector<16xi32> to vector<1x16xi32>
    %add3A_351 = arith.constant 4 : i32
    %add3A_352 = vector.broadcast %add3A_351 : i32 to vector<16xi32>
    %add3A_353 = arith.addi %mul3A_334, %add3A_352 : vector<16xi32>
    %broadcast_in_dim3A_354 = vector.shape_cast %add3A_353 : vector<16xi32> to vector<1x16xi32>
    %add3A_355 = arith.constant 5 : i32
    %add3A_356 = vector.broadcast %add3A_355 : i32 to vector<16xi32>
    %add3A_357 = arith.addi %mul3A_334, %add3A_356 : vector<16xi32>
    %broadcast_in_dim3A_358 = vector.shape_cast %add3A_357 : vector<16xi32> to vector<1x16xi32>
    %add3A_359 = arith.constant 6 : i32
    %add3A_360 = vector.broadcast %add3A_359 : i32 to vector<16xi32>
    %add3A_361 = arith.addi %mul3A_334, %add3A_360 : vector<16xi32>
    %broadcast_in_dim3A_362 = vector.shape_cast %add3A_361 : vector<16xi32> to vector<1x16xi32>
    %add3A_363 = arith.constant 7 : i32
    %add3A_364 = vector.broadcast %add3A_363 : i32 to vector<16xi32>
    %add3A_365 = arith.addi %mul3A_334, %add3A_364 : vector<16xi32>
    %broadcast_in_dim3A_366 = vector.shape_cast %add3A_365 : vector<16xi32> to vector<1x16xi32>
    %squeeze3A_367 = vector.shape_cast %broadcast_in_dim3A_132 : vector<16x1xi32> to vector<16xi32>
    %mul3A_368 = arith.constant 8 : i32
    %mul3A_369 = vector.broadcast %mul3A_368 : i32 to vector<16xi32>
    %mul3A_370 = arith.muli %squeeze3A_367, %mul3A_369 : vector<16xi32>
    %add3A_371 = arith.constant 0 : i32
    %add3A_372 = vector.broadcast %add3A_371 : i32 to vector<16xi32>
    %add3A_373 = arith.addi %mul3A_370, %add3A_372 : vector<16xi32>
    %broadcast_in_dim3A_374 = vector.shape_cast %add3A_373 : vector<16xi32> to vector<1x16xi32>
    %add3A_375 = arith.constant 1 : i32
    %add3A_376 = vector.broadcast %add3A_375 : i32 to vector<16xi32>
    %add3A_377 = arith.addi %mul3A_370, %add3A_376 : vector<16xi32>
    %broadcast_in_dim3A_378 = vector.shape_cast %add3A_377 : vector<16xi32> to vector<1x16xi32>
    %add3A_379 = arith.constant 2 : i32
    %add3A_380 = vector.broadcast %add3A_379 : i32 to vector<16xi32>
    %add3A_381 = arith.addi %mul3A_370, %add3A_380 : vector<16xi32>
    %broadcast_in_dim3A_382 = vector.shape_cast %add3A_381 : vector<16xi32> to vector<1x16xi32>
    %add3A_383 = arith.constant 3 : i32
    %add3A_384 = vector.broadcast %add3A_383 : i32 to vector<16xi32>
    %add3A_385 = arith.addi %mul3A_370, %add3A_384 : vector<16xi32>
    %broadcast_in_dim3A_386 = vector.shape_cast %add3A_385 : vector<16xi32> to vector<1x16xi32>
    %add3A_387 = arith.constant 4 : i32
    %add3A_388 = vector.broadcast %add3A_387 : i32 to vector<16xi32>
    %add3A_389 = arith.addi %mul3A_370, %add3A_388 : vector<16xi32>
    %broadcast_in_dim3A_390 = vector.shape_cast %add3A_389 : vector<16xi32> to vector<1x16xi32>
    %add3A_391 = arith.constant 5 : i32
    %add3A_392 = vector.broadcast %add3A_391 : i32 to vector<16xi32>
    %add3A_393 = arith.addi %mul3A_370, %add3A_392 : vector<16xi32>
    %broadcast_in_dim3A_394 = vector.shape_cast %add3A_393 : vector<16xi32> to vector<1x16xi32>
    %add3A_395 = arith.constant 6 : i32
    %add3A_396 = vector.broadcast %add3A_395 : i32 to vector<16xi32>
    %add3A_397 = arith.addi %mul3A_370, %add3A_396 : vector<16xi32>
    %broadcast_in_dim3A_398 = vector.shape_cast %add3A_397 : vector<16xi32> to vector<1x16xi32>
    %add3A_399 = arith.constant 7 : i32
    %add3A_400 = vector.broadcast %add3A_399 : i32 to vector<16xi32>
    %add3A_401 = arith.addi %mul3A_370, %add3A_400 : vector<16xi32>
    %broadcast_in_dim3A_402 = vector.shape_cast %add3A_401 : vector<16xi32> to vector<1x16xi32>
    %squeeze3A_403 = vector.shape_cast %broadcast_in_dim3A_149 : vector<16x1xi32> to vector<16xi32>
    %mul3A_404 = arith.constant 8 : i32
    %mul3A_405 = vector.broadcast %mul3A_404 : i32 to vector<16xi32>
    %mul3A_406 = arith.muli %squeeze3A_403, %mul3A_405 : vector<16xi32>
    %add3A_407 = arith.constant 0 : i32
    %add3A_408 = vector.broadcast %add3A_407 : i32 to vector<16xi32>
    %add3A_409 = arith.addi %mul3A_406, %add3A_408 : vector<16xi32>
    %broadcast_in_dim3A_410 = vector.shape_cast %add3A_409 : vector<16xi32> to vector<1x16xi32>
    %add3A_411 = arith.constant 1 : i32
    %add3A_412 = vector.broadcast %add3A_411 : i32 to vector<16xi32>
    %add3A_413 = arith.addi %mul3A_406, %add3A_412 : vector<16xi32>
    %broadcast_in_dim3A_414 = vector.shape_cast %add3A_413 : vector<16xi32> to vector<1x16xi32>
    %add3A_415 = arith.constant 2 : i32
    %add3A_416 = vector.broadcast %add3A_415 : i32 to vector<16xi32>
    %add3A_417 = arith.addi %mul3A_406, %add3A_416 : vector<16xi32>
    %broadcast_in_dim3A_418 = vector.shape_cast %add3A_417 : vector<16xi32> to vector<1x16xi32>
    %add3A_419 = arith.constant 3 : i32
    %add3A_420 = vector.broadcast %add3A_419 : i32 to vector<16xi32>
    %add3A_421 = arith.addi %mul3A_406, %add3A_420 : vector<16xi32>
    %broadcast_in_dim3A_422 = vector.shape_cast %add3A_421 : vector<16xi32> to vector<1x16xi32>
    %add3A_423 = arith.constant 4 : i32
    %add3A_424 = vector.broadcast %add3A_423 : i32 to vector<16xi32>
    %add3A_425 = arith.addi %mul3A_406, %add3A_424 : vector<16xi32>
    %broadcast_in_dim3A_426 = vector.shape_cast %add3A_425 : vector<16xi32> to vector<1x16xi32>
    %add3A_427 = arith.constant 5 : i32
    %add3A_428 = vector.broadcast %add3A_427 : i32 to vector<16xi32>
    %add3A_429 = arith.addi %mul3A_406, %add3A_428 : vector<16xi32>
    %broadcast_in_dim3A_430 = vector.shape_cast %add3A_429 : vector<16xi32> to vector<1x16xi32>
    %add3A_431 = arith.constant 6 : i32
    %add3A_432 = vector.broadcast %add3A_431 : i32 to vector<16xi32>
    %add3A_433 = arith.addi %mul3A_406, %add3A_432 : vector<16xi32>
    %broadcast_in_dim3A_434 = vector.shape_cast %add3A_433 : vector<16xi32> to vector<1x16xi32>
    %add3A_435 = arith.constant 7 : i32
    %add3A_436 = vector.broadcast %add3A_435 : i32 to vector<16xi32>
    %add3A_437 = arith.addi %mul3A_406, %add3A_436 : vector<16xi32>
    %broadcast_in_dim3A_438 = vector.shape_cast %add3A_437 : vector<16xi32> to vector<1x16xi32>
    %concatenate3A_439 = tpu.concatenate %broadcast_in_dim3A_158, %broadcast_in_dim3A_162, %broadcast_in_dim3A_166, %broadcast_in_dim3A_170, %broadcast_in_dim3A_174, %broadcast_in_dim3A_178, %broadcast_in_dim3A_182, %broadcast_in_dim3A_186, %broadcast_in_dim3A_194, %broadcast_in_dim3A_198, %broadcast_in_dim3A_202, %broadcast_in_dim3A_206, %broadcast_in_dim3A_210, %broadcast_in_dim3A_214, %broadcast_in_dim3A_218, %broadcast_in_dim3A_222, %broadcast_in_dim3A_230, %broadcast_in_dim3A_234, %broadcast_in_dim3A_238, %broadcast_in_dim3A_242, %broadcast_in_dim3A_246, %broadcast_in_dim3A_250, %broadcast_in_dim3A_254, %broadcast_in_dim3A_258, %broadcast_in_dim3A_266, %broadcast_in_dim3A_270, %broadcast_in_dim3A_274, %broadcast_in_dim3A_278, %broadcast_in_dim3A_282, %broadcast_in_dim3A_286, %broadcast_in_dim3A_290, %broadcast_in_dim3A_294, %broadcast_in_dim3A_302, %broadcast_in_dim3A_306, %broadcast_in_dim3A_310, %broadcast_in_dim3A_314, %broadcast_in_dim3A_318, %broadcast_in_dim3A_322, %broadcast_in_dim3A_326, %broadcast_in_dim3A_330, %broadcast_in_dim3A_338, %broadcast_in_dim3A_342, %broadcast_in_dim3A_346, %broadcast_in_dim3A_350, %broadcast_in_dim3A_354, %broadcast_in_dim3A_358, %broadcast_in_dim3A_362, %broadcast_in_dim3A_366, %broadcast_in_dim3A_374, %broadcast_in_dim3A_378, %broadcast_in_dim3A_382, %broadcast_in_dim3A_386, %broadcast_in_dim3A_390, %broadcast_in_dim3A_394, %broadcast_in_dim3A_398, %broadcast_in_dim3A_402, %broadcast_in_dim3A_410, %broadcast_in_dim3A_414, %broadcast_in_dim3A_418, %broadcast_in_dim3A_422, %broadcast_in_dim3A_426, %broadcast_in_dim3A_430, %broadcast_in_dim3A_434, %broadcast_in_dim3A_438 in 0 : vector<1x16xi32>, vector<1x16xi32>, vector<1x16xi32>, vector<1x16xi32>, vector<1x16xi32>, vector<1x16xi32>, vector<1x16xi32>, vector<1x16xi32>, vector<1x16xi32>, vector<1x16xi32>, vector<1x16xi32>, vector<1x16xi32>, vector<1x16xi32>, vector<1x16xi32>, vector<1x16xi32>, vector<1x16xi32>, vector<1x16xi32>, vector<1x16xi32>, vector<1x16xi32>, vector<1x16xi32>, vector<1x16xi32>, vector<1x16xi32>, vector<1x16xi32>, vector<1x16xi32>, vector<1x16xi32>, vector<1x16xi32>, vector<1x16xi32>, vector<1x16xi32>, vector<1x16xi32>, vector<1x16xi32>, vector<1x16xi32>, vector<1x16xi32>, vector<1x16xi32>, vector<1x16xi32>, vector<1x16xi32>, vector<1x16xi32>, vector<1x16xi32>, vector<1x16xi32>, vector<1x16xi32>, vector<1x16xi32>, vector<1x16xi32>, vector<1x16xi32>, vector<1x16xi32>, vector<1x16xi32>, vector<1x16xi32>, vector<1x16xi32>, vector<1x16xi32>, vector<1x16xi32>, vector<1x16xi32>, vector<1x16xi32>, vector<1x16xi32>, vector<1x16xi32>, vector<1x16xi32>, vector<1x16xi32>, vector<1x16xi32>, vector<1x16xi32>, vector<1x16xi32>, vector<1x16xi32>, vector<1x16xi32>, vector<1x16xi32>, vector<1x16xi32>, vector<1x16xi32>, vector<1x16xi32>, vector<1x16xi32> -> vector<64x16xi32>
    %swap3A_440 = arith.constant 0 : index
    %swap3A_441 = arith.constant 0 : index
    %swap3A_442 = arith.constant 0 : index
    %swap3A_443 = vector.load %arg5[%swap3A_440, %swap3A_441, %swap3A_442] : memref<1x64x16xi32, #tpu.memory_space<vmem>>, vector<1x64x16xi32>
    %swap3A_444 = vector.shape_cast %swap3A_443 : vector<1x64x16xi32> to vector<64x16xi32>
    %swap3A_445 = vector.shape_cast %concatenate3A_439 : vector<64x16xi32> to vector<1x64x16xi32>
    tpu.vector_store %arg5[%swap3A_440, %swap3A_441, %swap3A_442], %swap3A_445 {strides = array<i32>} : memref<1x64x16xi32, #tpu.memory_space<vmem>>, vector<1x64x16xi32>,
    %swap3A_446 = arith.constant 0 : index
    %swap3A_447 = arith.constant 0 : index
    %swap3A_448 = vector.load %arg6[%swap3A_446, %swap3A_447] : memref<16x768xf32, #tpu.memory_space<vmem>>, vector<16x768xf32>
    tpu.vector_store %arg6[%swap3A_446, %swap3A_447], %mul3A_17 {strides = array<i32>} : memref<16x768xf32, #tpu.memory_space<vmem>>, vector<16x768xf32>,
    %dma_wait3A = arith.constant 64 : i32
    %dma_wait3A_449 = arith.constant 0 : i32
    %dma_wait3A_450 = tpu.memref_slice %arg7[%dma_wait3A, %mul3A_0, %dma_wait3A_449] : memref<260x128x768xf32, #tpu.memory_space<any>> -> memref<196x16x768xf32, #tpu.memory_space<any>>
    tpu.wait_dma2 semaphore(%arg9 : memref<!tpu.dma_semaphore, #tpu.memory_space<semaphore_mem>>) src(%arg1 : memref<196x16x768xf32, #tpu.memory_space<vmem>>) dst(%dma_wait3A_450 : memref<196x16x768xf32, #tpu.memory_space<any>>)
    return
  }
  func.func @transform_0(%arg0: i32) -> (i32, i32, i32) {
    %c0_i32 = arith.constant 0 : i32
    %c0_i32_0 = arith.constant 0 : i32
    %c0_i32_1 = arith.constant 0 : i32
    return %c0_i32, %arg0, %c0_i32_0 : i32, i32, i32
  }
  func.func @transform_1(%arg0: i32) -> (i32, i32) {
    %c0_i32 = arith.constant 0 : i32
    %c0_i32_0 = arith.constant 0 : i32
    %c0_i32_1 = arith.constant 0 : i32
    return %c0_i32, %c0_i32_0 : i32, i32
  }
  func.func @transform_2(%arg0: i32) -> (i32, i32) {
    %c0_i32 = arith.constant 0 : i32
    %c0_i32_0 = arith.constant 0 : i32
    return %arg0, %c0_i32 : i32, i32
  }
  func.func @transform_3(%arg0: i32) -> (i32, i32) {
    %c0_i32 = arith.constant 0 : i32
    %c0_i32_0 = arith.constant 0 : i32
    return %arg0, %c0_i32 : i32, i32
  }
  func.func @transform_4(%arg0: i32) -> (i32, i32, i32) {
    %c0_i32 = arith.constant 0 : i32
    %c0_i32_0 = arith.constant 0 : i32
    %c0_i32_1 = arith.constant 0 : i32
    return %arg0, %c0_i32, %c0_i32_0 : i32, i32, i32
  }
  func.func @transform_5(%arg0: i32) -> (i32, i32) {
    %c0_i32 = arith.constant 0 : i32
    %c0_i32_0 = arith.constant 0 : i32
    return %arg0, %c0_i32 : i32, i32
  }
}

</mosaic_0001>

<sc_bundles>
// kernel: kernel.5.cloned.1.call-start
scs
__scs_entry_jumppad:
0x0: {  	(pc) =	sbr.rel $0x88, $3  }
0x1: {  	(tag) =	ssettag $0x0;
	lr =	simm.s32 $0x1  }
0x2: {  	[smem:$0x3F9E] =	sst lr;
	_ =	strace $0xD0000000  }
0x3: {  	_ = 	snop  }
0x4: {  	_ = 	snop  }
0x5: {  	_ = 	snop  }
0x6: {  	_ = 	snop  }
0x7: {  	_ = 	snop  }
__scs_overlays_trampoline_lowered:
0x8: {  	[smem:$0x3FAD] =	sst s0  }
0x9: {  	[smem:$0x3FAE] =	sst s1  }
0xa: {  	[smem:$0x3FAF] =	sst s2  }
0xb: {  	[smem:$0x3FB0] =	sst s3  }
0xc: {  	[smem:$0x3FB1] =	sst s4  }
0xd: {  	[smem:$0x3FB2] =	sst s5  }
0xe: {  	[smem:$0x3FB3] =	sst s6  }
0xf: {  	[smem:$0x3FB4] =	sst s7  }
0x10: {  	[smem:$0x3FB5] =	sst s8  }
0x11: {  	[smem:$0x3FB6] =	sst s9;
	s0 =	simm.s32 @!p0 $0x0  }
0x12: {  	s1 =	sld [smem:$0x3F9C];
	s0 =	simm.s32 @p0 $0x1  }
0x13: {  	[smem:$0x3FB7] =	sst s0;
	s0 =	simm.s32 @!p1 $0x0  }
0x14: {  	s2 =	sld [smem:$0x3F9B];
	s0 =	simm.s32 @p1 $0x1  }
0x15: {  	[smem:$0x3FB8] =	sst s0;
	s0 =	simm.s32 @!p2 $0x0  }
0x16: {  	s3 =	sld [smem:$0x3FDB];
	s0 =	simm.s32 @p2 $0x1  }
0x17: {  	s4 =	simm.s32 $0x1BF5;
	[smem:$0x3FBA] =	sst s0  }
0x18: {  	s0 =	sld [smem:$0x3F9D];
	_ =	swait.ge [sflag:s4], $0x0  }
0x19: {  	s7 =	sld [smem:$0x3F9E]  }
0x1a: {  	s8 =	sadd.s32 $0xFFFFE003, lr  }
0x1b: {  	s9 =	sadd.s32 $0xFFFFFEF7, lr;
	s5 =	simm.s32 $0xFFFFFFFF;
	p2 =	slt.u32 s8, $0xFFFFF086  }
0x1c: {  	p1 =	slt.u32 s9, $0xF7A;
	s5 =	simm.s32 @!p2 $0x0  }
0x1d: {  	s5 =	simm.s32 @p1 $0x1;
	p0 =	seq.s32 s7, s2  }
0x1e: {  	s7 =	smul.u32 @!p0 $0xF7A, s2;
	p2 =	seq.s32 @!p0 s5, $0x0  }
0x1f: {  	s9 =	smul.u32 $0xF7A, s1;
	s8 =	simm.s32 @!p0 $0x1BF5;
	p2 =	por !p2, p0  }
0x20: {  	[sflag:s8] =	ssyncset.s32 @!p0 $0xFFFFF086;
	s6 =	sadd.s32 @!p0 s3, s7;
	s7 =	simm.s32 @!p0 $0x108  }
0x21: {  	s3 =	sadd.s32 s3, s9;
	s6 =	sadd.s32 @!p0 $0x88, s6;
	s7 =	simm.s32 @p2 $0x1082  }
0x22: {  	[simem:s7], [sflag:s8] =	dma.local @!p0 [hbm:s6], $0xF7A  }
0x23: {  	s9 =	sor.u32 $0xD0000000, s2;
	s6 =	simm.s32 $0x108;
	_ =	swait.ge @!p0 [sflag:s8], $0x0  }
0x24: {  	s3 =	sadd.s32 $0x88, s3;
	s6 =	simm.s32 @!p1 $0x1082;
	[sflag:s4] =	ssyncset.s32 $0xFFFFF086  }
0x25: {  	[simem:s6], [sflag:s4] =	dma.local [hbm:s3], $0xF7A  }
0x26: {  	[smem:$0x3F9E] =	sst s1;
	(tag) =	ssettag s2;
	_ =	strace s9  }
0x27: {  	s1 =	sld [smem:$0x3FAE]  }
0x28: {  	s2 =	sld [smem:$0x3FAF]  }
0x29: {  	s4 =	sld [smem:$0x3FB1]  }
0x2a: {  	p0 =	seq.s32 s5, $0x0;
	s5 =	sld [smem:$0x3FB2]  }
0x2b: {  	s6 =	sld [smem:$0x3FB3]  }
0x2c: {  	s7 =	sld [smem:$0x3FB4]  }
0x2d: {  	s3 =	simm.s32 $0x108;
	s8 =	sld [smem:$0x3FB5]  }
0x2e: {  	s3 =	simm.s32 @!p0 $0x1082;
	s9 =	sld [smem:$0x3FB6]  }
0x2f: {  	lr =	sadd.s32 s0, s3;
	s0 =	sld [smem:$0x3FAD]  }
0x30: {  	s3 =	sld [smem:$0x3FB0]  }
0x31: {  	[smem:$0x3FB9] =	sst s10  }
0x32: {  	s10 =	sld [smem:$0x3FB7];
	_ =	sdelay $0x3  }
0x33: {  	p0 =	seq.s32 s10, $0x1;
	s10 =	sld [smem:$0x3FB9];
	_ =	sdelay $0x3  }
0x34: {  	[smem:$0x3FB9] =	sst s10  }
0x35: {  	s10 =	sld [smem:$0x3FB8];
	_ =	sdelay $0x3  }
0x36: {  	p1 =	seq.s32 s10, $0x1;
	s10 =	sld [smem:$0x3FB9];
	_ =	sdelay $0x3  }
0x37: {  	[smem:$0x3FB9] =	sst s10  }
0x38: {  	s10 =	sld [smem:$0x3FBA]  }
0x39: {  	_ = 	snop;
	(pc) =	sbr.ind lr, $3  }
0x3a: {  	_ = 	snop  }
0x3b: {  	_ = 	snop  }
0x3c: {  	p2 =	seq.s32 s10, $0x1;
	s10 =	sld [smem:$0x3FB9]  }
0x3d: {  	_ =	shalt  }
0x3e: {  	_ =	shalt  }
0x3f: {  	_ =	shalt  }
0x40: {  	_ =	shalt  }
0x41: {  	_ =	shalt  }
0x42: {  	_ =	shalt  }
0x43: {  	_ =	shalt  }
0x44: {  	_ =	shalt  }
0x45: {  	_ =	shalt  }
0x46: {  	_ =	shalt  }
0x47: {  	_ =	shalt  }
0x48: {  	_ =	shalt  }
0x49: {  	_ =	shalt  }
0x4a: {  	_ =	shalt  }
0x4b: {  	_ =	shalt  }
0x4c: {  	_ =	shalt  }
0x4d: {  	_ =	shalt  }
0x4e: {  	_ =	shalt  }
0x4f: {  	_ =	shalt  }
0x50: {  	_ =	shalt  }
0x51: {  	_ =	shalt  }
0x52: {  	_ =	shalt  }
0x53: {  	_ =	shalt  }
0x54: {  	_ =	shalt  }
0x55: {  	_ =	shalt  }
0x56: {  	_ =	shalt  }
0x57: {  	_ =	shalt  }
0x58: {  	_ =	shalt  }
0x59: {  	_ =	shalt  }
0x5a: {  	_ =	shalt  }
0x5b: {  	_ =	shalt  }
0x5c: {  	_ =	shalt  }
0x5d: {  	_ =	shalt  }
0x5e: {  	_ =	shalt  }
0x5f: {  	_ =	shalt  }
0x60: {  	_ =	shalt  }
0x61: {  	_ =	shalt  }
0x62: {  	_ =	shalt  }
0x63: {  	_ =	shalt  }
0x64: {  	_ =	shalt  }
0x65: {  	_ =	shalt  }
0x66: {  	_ =	shalt  }
0x67: {  	_ =	shalt  }
0x68: {  	_ =	shalt  }
0x69: {  	_ =	shalt  }
0x6a: {  	_ =	shalt  }
0x6b: {  	_ =	shalt  }
0x6c: {  	_ =	shalt  }
0x6d: {  	_ =	shalt  }
0x6e: {  	_ =	shalt  }
0x6f: {  	_ =	shalt  }
0x70: {  	_ =	shalt  }
0x71: {  	_ =	shalt  }
0x72: {  	_ =	shalt  }
0x73: {  	_ =	shalt  }
0x74: {  	_ =	shalt  }
0x75: {  	_ =	shalt  }
0x76: {  	_ =	shalt  }
0x77: {  	_ =	shalt  }
0x78: {  	_ =	shalt  }
0x79: {  	_ =	shalt  }
0x7a: {  	_ =	shalt  }
0x7b: {  	_ =	shalt  }
0x7c: {  	_ =	shalt  }
0x7d: {  	_ =	shalt  }
0x7e: {  	_ =	shalt  }
0x7f: {  	_ =	shalt  }
0x80: {  	_ =	shalt  }
0x81: {  	_ =	shalt  }
0x82: {  	_ =	shalt  }
0x83: {  	_ =	shalt  }
0x84: {  	_ =	shalt  }
0x85: {  	_ =	shalt  }
0x86: {  	_ =	shalt  }
0x87: {  	_ =	shalt  }
.Lfunc_end0:
.L_simem_size_0:
called_computation_lowered:
.L_overlay_start_0:
0x88: {  	s2 =	sld [smem:$0x3FD9]  }
0x89: {  	s3 =	sld [smem:$0x3FFE];
	_ =	sdelay $0x1  }
0x8a: {  	s1 =	srdreg.scid  }
0x8b: {  	s0 =	sand.u32 $0x1, s1  }
0x8c: {  	s14 =	sshll.u32 s0, $0xA;
	s2 =	sadd.s32 s3, s2  }
0x8d: {  	s2 =	sadd.s32 s2, s14  }
0x8e: {  	[smem:$0x3FC5] =	sst s2  }
0x8f: {  	_ = 	snop  }
0x90: {  	s2 =	sld [smem:$0x3FD0];
	_ =	sdelay $0x2  }
0x91: {  	s4 =	simm.s32 $0xA;
	s5 =	simm.s32 $0x10;
	s15 =	sld [smem:$0x3FC8]  }
0x92: {  	[smem:s5], [sflag:s4] =	dma.local [hbm:s2], $0x1  }
0x93: {  	_ =	swait.eq [sflag:s4], $0x1  }
0x94: {  	[sflag:s4] =	ssyncset.done $0x0  }
0x95: {  	s16 =	sld [smem:$0x10];
	[sflag:s4] =	ssyncadd.s32 $0xFFFFFFFF  }
0x96: {  	s17 =	sld [smem:$0x14];
	(tm) =	ssettm $0x1  }
0x97: {  	s18 =	sld [smem:$0x3FFB];
	_ =	sdelay $0x3  }
0x98: {  	_ =	strace s18  }
0x99: {  	s5 =	sld [smem:$0x3FFC];
	_ =	sdelay $0x3  }
0x9a: {  	_ =	strace s5  }
0x9b: {  	s5 =	sld [smem:$0x3FFD];
	_ =	sdelay $0x3  }
0x9c: {  	_ =	strace s5  }
0x9d: {  	_ =	strace $0x8FFFFFFF  }
0x9e: {  	s19 =	sld [smem:$0x3FDB];
	_ =	sdelay $0x1  }
0x9f: {  	s6 =	simm.s32 $_scs_section_size  }
0xa0: {  	s7 =	simm.s32 $_size__tile_overlayer_lowered;
	s8 =	simm.s32 $_tile_overlayer_lowered  }
0xa1: {  	s22 =	simm.s32 $0x1BFF;
	s21 =	sshll.u32 s8, $0x1;
	s5 =	sadd.s32 s6, s19  }
0xa2: {  	s9 =	simm.s32 $0x0;
	s20 =	sshll.u32 s7, $0x1;
	s7 =	sadd.s32 s21, s5  }
0xa3: {  	[timem:s9], [sflag:s22] =	dma.local [hbm:s7], s20  }
0xa4: {  	_ =	swait.ge [sflag:s22], s20  }
0xa5: {  	s6 =	ssub.s32 $0x0, s20;
	[sflag:s22] =	ssyncset.done $0x0  }
0xa6: {  	[sflag:s22] =	ssyncadd.s32 s6;
	_ =	sdelay $0x1  }
0xa7: {  	s23 =	simm.s32 $0x1B8B  }
0xa8: {  	_ =	swait.ge [sflag:s23], $0x1  }
0xa9: {  	[sflag:s23] =	ssyncset.done $0x0  }
0xaa: {  	s25 =	simm.s32 $0x1B8E;
	s24 =	sld [smem:$0x3FFE];
	[sflag:s23] =	ssyncadd.s32 $0xFFFFFFFF  }
0xab: {  	s26 =	simm.s32 $execute0_lowered;
	[smem:$0x3FD2] =	sst s25  }
0xac: {  	s7 =	sshll.u32 s26, $0x1;
	_ =	strace $0x80000046;
	[dreg:$0x1] =	wrdreg $0xFFFFFFFF  }
0xad: {  	s28 =	simm.s32 $_size_execute0_lowered;
	s5 =	sadd.s32 s5, s7;
	[dreg:$0x0] =	wrdreg $0x0  }
0xae: {  	s7 =	sshll.u32 s28, $0x1;
	[dreg:$0x2] =	wrdreg s5  }
0xaf: {  	[dreg:$0x3] =	wrdreg s7  }
0xb0: {  	[dreg:$0x4] =	wrdreg $0xC0  }
0xb1: {  	_ =	task [dreg:s9], $0x5FFFF  }
0xb2: {  	[dreg:$0x1] =	wrdreg $0xFFFFFFFF  }
0xb3: {  	[dreg:$0x0] =	wrdreg $0x60  }
0xb4: {  	[dreg:$0x2] =	wrdreg s15  }
0xb5: {  	[dreg:$0x3] =	wrdreg s24  }
0xb6: {  	[dreg:$0x4] =	wrdreg s16  }
0xb7: {  	[dreg:$0x5] =	wrdreg s17  }
0xb8: {  	[dreg:$0x6] =	wrdreg $0x9  }
0xb9: {  	_ =	task.clear_ibuf [dreg:s9], $0x7FFFF;
	_ =	strace $0x90000046  }
0xba: {  	s29 =	simm.s32 $0x9;
	_ =	strace $0x80000048  }
0xbb: {  	_ =	swait.ge [sflag:s29], $0x1  }
0xbc: {  	[sflag:s29] =	ssyncadd.s32 $0xFFFFFFFF  }
0xbd: {  	_ =	strace $0x90000048  }
0xbe: {  	_ =	sfence  }
0xbf: {  	s30 =	sld [smem:$0x0];
	_ =	sdelay $0x2  }
0xc0: {  	s31 =	sshll.u32 s1, $0xD;
	s1 =	sshrl.u32 s1, $0x2  }
0xc1: {  	s3 =	sand.u32 $0x4000, s31;
	s1 =	sadd.s32 s1, s30  }
0xc2: {  	s0 =	sor.u32 s3, s0;
	s1 =	sshll.u32 s1, $0x11  }
0xc3: {  	s0 =	sor.u32 s1, s0  }
0xc4: {  	s0 =	sadd.s32 $0x8F2B, s0  }
0xc5: {  	[sflag:s0] =	ssyncadd.remote.s32 $0x1  }
0xc6: {  	_ =	sfence.sel $0xFFFF  }
0xc7: {  	[dreg:$0x0] =	wrdreg $0xFFFFFFFF;
	(pc) =	sbr.abs _section_cstart, $3  }
0xc8: {  	[dreg:$0x1] =	wrdreg $0xFFFFFFFF  }
0xc9: {  	_ =	task.clear_ibuf [dreg:s9], $0x2FFFF;
	_ =	strace $0x9FFFFFFF  }
0xca: {  	(tm) =	ssettm $0x7FFFFFFF  }
0xcb: {  	_ =	shalt  }
tec
execute0_lowered:
.L_overlay_start_1:
0x0: {  	(tag) =	ssettag $0x1  }
0x1: {  	s1 =	rddreg [dreg:$0x1]  }
0x2: {  	s17 =	rddreg [dreg:$0x2]  }
0x3: {  	s0 =	rddreg [dreg:$0x3]  }
0x4: {  	s2 =	srdreg.scid;
	s5 =	stileid.u32;
	s30 =	simm.s32 $0xC100  }
0x5: {  	s31 =	simm.s32 $0xC000;
	s16 =	sadd.s32 $0x1200, s1;
	s4 =	sand.u32 $0x1, s2  }
0x6: {  	s3 =	sshll.u32 s5, $0x2;
	s15 =	sshrl.u32 s5, $0x1;
	s1 =	sshll.u32 s4, $0x1  }
0x7: {  	s2 =	ssub.s32 $0x2, s4;
	s5 =	sshll.u32 s15, $0xA;
	s3 =	sor.u32 s1, s3  }
0x8: {  	s4 =	sshrl.u32 s2, $0x1;
	s10 =	sor.u32 $0x2000, s5;
	s9 =	sshll.u32 s3, $0x7  }
0x9: {  	s11 =	sor.u32 $0x4000, s5;
	s14 =	sor.u32 $0x6000, s5;
	s18 =	sand.u32 $0x300, s9  }
0xa: {  	s19 =	sor.u32 $0xC000, s5;
	s1 =	ssub.s32 s2, s4;
	s6 =	sor.u32 s5, s18  }
0xb: {  	s7 =	sor.u32 s10, s18;
	s8 =	sor.u32 s11, s18;
	s6 =	sshrl.u32 s6, $0x3  }
0xc: {  	s20 =	sor.u32 s14, s18;
	s7 =	sshrl.u32 s7, $0x3;
	s6 =	sadd.s32 s16, s6  }
0xd: {  	s8 =	sshrl.u32 s8, $0x3;
	s12 =	sadd.s32 s16, s7;
	[dreg:$0x5] =	wrdreg s6  }
0xe: {  	s24 =	sor.u32 s19, s18;
	s13 =	sadd.s32 s16, s8;
	[dreg:$0x6] =	wrdreg s12  }
0xf: {  	s7 =	sshrl.u32 s20, $0x3;
	s20 =	sor.u32 $0xE000, s5;
	[dreg:$0x7] =	wrdreg s13  }
0x10: {  	s12 =	sor.u32 $0x8000, s5;
	s13 =	sor.u32 $0xA000, s5;
	s7 =	sadd.s32 s16, s7  }
0x11: {  	s25 =	sor.u32 s20, s18;
	s21 =	sor.u32 s12, s18;
	s9 =	sor.u32 s13, s18  }
0x12: {  	[dreg:$0x8] =	wrdreg s7;
	s7 =	sshrl.u32 s24, $0x3;
	s8 =	sshrl.u32 s21, $0x3  }
0x13: {  	s9 =	sshrl.u32 s9, $0x3;
	s21 =	sor.u32 $0x1, s3;
	s7 =	sadd.s32 s16, s7  }
0x14: {  	s22 =	sadd.s32 s16, s8;
	s23 =	sadd.s32 s16, s9;
	[dreg:$0xb] =	wrdreg s7  }
0x15: {  	s26 =	sshll.u32 s21, $0x7;
	s8 =	sshrl.u32 s25, $0x3;
	[dreg:$0x9] =	wrdreg s22  }
0x16: {  	[dreg:$0xa] =	wrdreg s23;
	s22 =	sand.u32 $0x380, s26;
	s8 =	sadd.s32 s16, s8  }
0x17: {  	s26 =	smul.u32 $0x3000, s3;
	s2 =	sor.u32 s5, s22;
	s4 =	sor.u32 s10, s22  }
0x18: {  	s5 =	sor.u32 s11, s22;
	s7 =	sor.u32 s14, s22;
	s14 =	sor.u32 s12, s22  }
0x19: {  	s23 =	sor.u32 s13, s22;
	s6 =	sor.u32 s20, s22;
	s2 =	sshrl.u32 s2, $0x3  }
0x1a: {  	s4 =	sshrl.u32 s4, $0x3;
	s5 =	sshrl.u32 s5, $0x3;
	s24 =	sshrl.u32 s14, $0x3  }
0x1b: {  	s25 =	sshrl.u32 s23, $0x3;
	s9 =	sadd.s32 s16, s2;
	s10 =	sadd.s32 s16, s4  }
0x1c: {  	s11 =	sadd.s32 s16, s5;
	s2 =	sshrl.u32 s7, $0x3;
	s13 =	sadd.s32 s16, s24  }
0x1d: {  	s14 =	sadd.s32 s16, s25;
	s5 =	sor.u32 s19, s22;
	s7 =	smul.u32 $0x18000, s21  }
0x1e: {  	s4 =	sshrl.u32 s6, $0x3;
	s19 =	smul.u32 $0x1800, s15;
	s3 =	sshrl.u32 s5, $0x3  }
0x1f: {  	s21 =	sadd.s32 s17, s26;
	s12 =	sadd.s32 s16, s2;
	s15 =	sadd.s32 s16, s3  }
0x20: {  	s16 =	sadd.s32 s16, s4;
	s20 =	sshrl.u32 s7, $0x3;
	s23 =	sor.u32 $0x300000, s19  }
0x21: {  	s24 =	sor.u32 s19, s18;
	s26 =	sor.u32 s19, s22;
	s19 =	simm.s32 $0x0  }
0x22: {  	s17 =	sadd.s32 s17, s20;
	s25 =	sor.u32 s23, s18;
	s2 =	sor.u32 s23, s22  }
0x23: {  	s3 =	sshrl.u32 s24, $0x3;
	[smem:$0x7FF] =	sst s19;
	s6 =	sshrl.u32 s26, $0x3  }
0x24: {  	s23 =	rddreg [dreg:$0x0];
	s18 =	smax.u32 s1, $0x1;
	s1 =	simm.s32 $0x0  }
0x25: {  	s20 =	sadd.s32 s0, s3;
	s4 =	sshrl.u32 s25, $0x3;
	s24 =	sadd.s32 s0, s6  }
0x26: {  	s2 =	sshrl.u32 s2, $0x3;
	_ =	strace $0x80000047;
	[dreg:$0xe] =	wrdreg s18  }
0x27: {  	s28 =	sadd.s32 $0x100, s23;
	s29 =	sadd.s32 $0x200, s23;
	[dreg:$0xc] =	wrdreg s21  }
0x28: {  	s21 =	sadd.s32 $0x1800, s21;
	[dreg:$0xd] =	wrdreg s17;
	s26 =	sadd.s32 $0x1800, s17  }
0x29: {  	v2 =	vlaneseq.u32;
	s18 =	simm.s32 $0x100;
	s17 =	simm.s32 $0x2;
	[dreg:$0xf] =	wrdreg s21  }
0x2a: {  	vm0 =	vmmov $0xffff;
	v1 =	vshrl.u32 v2, $0x3;
	s22 =	sadd.s32 s0, s4;
	s25 =	sadd.s32 s0, s2;
	[dreg:$0x10] =	wrdreg s26  }
0x2b: {  	v0 =	vand.u32 $0x7, v2;
	v2 =	vor.u32 $0x8, v2;
	v1 =	vmul.u32 $0x8, v1;
	s21 =	simm.s32 $0x80;
	s0 =	simm.s32 $0x400;
	s26 =	simm.s32 $0x1  }
.LBB2_1:
0x2c: {  	s2 =	rddreg [dreg:$0x5]  }
0x2d: {  	[tilespmem:s19], [sflag:$0x1] =	stream.strided.gather [hbm4b:s2+s21], $0x0, s0, s21, $0x38;
	[tilespmem:$0x18100] =	vst v63  }
0x2e: {  	_ = 	snop  }
0x2f: {  	[tilespmem:s19], [sflag:$0x1] =	stream.linear.gather [hbm4b:s2+s19], $0x10, $0x38;
	[tilespmem:$0x18100] =	vst v63  }
0x30: {  	s5 =	rddreg [dreg:$0x6];
	s3 =	simm.s32 $0x10  }
0x31: {  	[tilespmem:s3], [sflag:$0x1] =	stream.strided.gather [hbm4b:s5+s21], $0x0, s0, s21, $0x38;
	[tilespmem:$0x18100] =	vst v63  }
0x32: {  	_ = 	snop  }
0x33: {  	[tilespmem:s3], [sflag:$0x1] =	stream.linear.gather [hbm4b:s5+s19], $0x10, $0x38;
	[tilespmem:$0x18100] =	vst v63  }
0x34: {  	s6 =	rddreg [dreg:$0x7];
	s7 =	simm.s32 $0x20  }
0x35: {  	[tilespmem:s7], [sflag:$0x1] =	stream.strided.gather [hbm4b:s6+s21], $0x0, s0, s21, $0x38;
	[tilespmem:$0x18100] =	vst v63  }
0x36: {  	_ = 	snop  }
0x37: {  	[tilespmem:s7], [sflag:$0x1] =	stream.linear.gather [hbm4b:s6+s19], $0x10, $0x38;
	[tilespmem:$0x18100] =	vst v63  }
0x38: {  	s4 =	rddreg [dreg:$0x8];
	s5 =	simm.s32 $0x30  }
0x39: {  	[tilespmem:s5], [sflag:$0x1] =	stream.strided.gather [hbm4b:s4+s21], $0x0, s0, s21, $0x38;
	[tilespmem:$0x18100] =	vst v63  }
0x3a: {  	_ = 	snop  }
0x3b: {  	[tilespmem:s5], [sflag:$0x1] =	stream.linear.gather [hbm4b:s4+s19], $0x10, $0x38;
	[tilespmem:$0x18100] =	vst v63  }
0x3c: {  	s6 =	rddreg [dreg:$0x9];
	s7 =	simm.s32 $0x40  }
0x3d: {  	[tilespmem:s7], [sflag:$0x1] =	stream.strided.gather [hbm4b:s6+s21], $0x0, s0, s21, $0x38;
	[tilespmem:$0x18100] =	vst v63  }
0x3e: {  	_ = 	snop  }
0x3f: {  	[tilespmem:s7], [sflag:$0x1] =	stream.linear.gather [hbm4b:s6+s19], $0x10, $0x38;
	[tilespmem:$0x18100] =	vst v63  }
0x40: {  	s4 =	rddreg [dreg:$0xa];
	s5 =	simm.s32 $0x50  }
0x41: {  	[tilespmem:s5], [sflag:$0x1] =	stream.strided.gather [hbm4b:s4+s21], $0x0, s0, s21, $0x38;
	[tilespmem:$0x18100] =	vst v63  }
0x42: {  	_ = 	snop  }
0x43: {  	[tilespmem:s5], [sflag:$0x1] =	stream.linear.gather [hbm4b:s4+s19], $0x10, $0x38;
	[tilespmem:$0x18100] =	vst v63  }
0x44: {  	s6 =	rddreg [dreg:$0xb];
	s7 =	simm.s32 $0x60  }
0x45: {  	[tilespmem:s7], [sflag:$0x1] =	stream.strided.gather [hbm4b:s6+s21], $0x0, s0, s21, $0x38;
	[tilespmem:$0x18100] =	vst v63  }
0x46: {  	_ = 	snop  }
0x47: {  	[tilespmem:s7], [sflag:$0x1] =	stream.linear.gather [hbm4b:s6+s19], $0x10, $0x38;
	[tilespmem:$0x18100] =	vst v63  }
0x48: {  	s3 =	simm.s32 $0x70  }
0x49: {  	[tilespmem:s3], [sflag:$0x1] =	stream.strided.gather [hbm4b:s8+s21], $0x0, s0, s21, $0x38;
	[tilespmem:$0x18100] =	vst v63  }
0x4a: {  	_ = 	snop  }
0x4b: {  	[tilespmem:s3], [sflag:$0x1] =	stream.linear.gather [hbm4b:s8+s19], $0x10, $0x38;
	[tilespmem:$0x18100] =	vst v63  }
0x4c: {  	_ = 	snop  }
0x4d: {  	[tilespmem:s21], [sflag:$0x1] =	stream.strided.gather [hbm4b:s9+s21], $0x0, s0, s21, $0x38;
	[tilespmem:$0x18100] =	vst v63  }
0x4e: {  	_ = 	snop  }
0x4f: {  	[tilespmem:s21], [sflag:$0x1] =	stream.linear.gather [hbm4b:s9+s19], $0x10, $0x38;
	[tilespmem:$0x18100] =	vst v63  }
0x50: {  	s4 =	simm.s32 $0x90  }
0x51: {  	[tilespmem:s4], [sflag:$0x1] =	stream.strided.gather [hbm4b:s10+s21], $0x0, s0, s21, $0x38;
	[tilespmem:$0x18100] =	vst v63  }
0x52: {  	_ = 	snop  }
0x53: {  	[tilespmem:s4], [sflag:$0x1] =	stream.linear.gather [hbm4b:s10+s19], $0x10, $0x38;
	[tilespmem:$0x18100] =	vst v63  }
0x54: {  	s5 =	simm.s32 $0xA0  }
0x55: {  	[tilespmem:s5], [sflag:$0x1] =	stream.strided.gather [hbm4b:s11+s21], $0x0, s0, s21, $0x38;
	[tilespmem:$0x18100] =	vst v63  }
0x56: {  	_ = 	snop  }
0x57: {  	[tilespmem:s5], [sflag:$0x1] =	stream.linear.gather [hbm4b:s11+s19], $0x10, $0x38;
	[tilespmem:$0x18100] =	vst v63  }
0x58: {  	s6 =	simm.s32 $0xB0  }
0x59: {  	[tilespmem:s6], [sflag:$0x1] =	stream.strided.gather [hbm4b:s12+s21], $0x0, s0, s21, $0x38;
	[tilespmem:$0x18100] =	vst v63  }
0x5a: {  	_ = 	snop  }
0x5b: {  	[tilespmem:s6], [sflag:$0x1] =	stream.linear.gather [hbm4b:s12+s19], $0x10, $0x38;
	[tilespmem:$0x18100] =	vst v63  }
0x5c: {  	s7 =	simm.s32 $0xC0  }
0x5d: {  	[tilespmem:s7], [sflag:$0x1] =	stream.strided.gather [hbm4b:s13+s21], $0x0, s0, s21, $0x38;
	[tilespmem:$0x18100] =	vst v63  }
0x5e: {  	_ = 	snop  }
0x5f: {  	[tilespmem:s7], [sflag:$0x1] =	stream.linear.gather [hbm4b:s13+s19], $0x10, $0x38;
	[tilespmem:$0x18100] =	vst v63  }
0x60: {  	s3 =	simm.s32 $0xD0  }
0x61: {  	[tilespmem:s3], [sflag:$0x1] =	stream.strided.gather [hbm4b:s14+s21], $0x0, s0, s21, $0x38;
	[tilespmem:$0x18100] =	vst v63  }
0x62: {  	_ = 	snop  }
0x63: {  	[tilespmem:s3], [sflag:$0x1] =	stream.linear.gather [hbm4b:s14+s19], $0x10, $0x38;
	[tilespmem:$0x18100] =	vst v63  }
0x64: {  	s4 =	simm.s32 $0xE0  }
0x65: {  	[tilespmem:s4], [sflag:$0x1] =	stream.strided.gather [hbm4b:s15+s21], $0x0, s0, s21, $0x38;
	[tilespmem:$0x18100] =	vst v63  }
0x66: {  	_ = 	snop  }
0x67: {  	[tilespmem:s4], [sflag:$0x1] =	stream.linear.gather [hbm4b:s15+s19], $0x10, $0x38;
	[tilespmem:$0x18100] =	vst v63  }
0x68: {  	s5 =	simm.s32 $0xF0  }
0x69: {  	[tilespmem:s5], [sflag:$0x1] =	stream.strided.gather [hbm4b:s16+s21], $0x0, s0, s21, $0x38;
	[tilespmem:$0x18100] =	vst v63  }
0x6a: {  	_ = 	snop  }
0x6b: {  	[tilespmem:s5], [sflag:$0x1] =	stream.linear.gather [hbm4b:s16+s19], $0x10, $0x38;
	[tilespmem:$0x18100] =	vst v63  }
0x6c: {  	_ =	swait.ge [sflag:s26], $0x10  }
0x6d: {  	[sflag:s26] =	ssyncset.done $0x0  }
0x6e: {  	[sflag:s26] =	ssyncadd.s32 $0xFFFFFFF0  }
0x6f: {  	_ =	swait.ge [sflag:s26], $0x10  }
0x70: {  	[sflag:s26] =	ssyncset.done $0x0  }
0x71: {  	[sflag:s26] =	ssyncadd.s32 $0xFFFFFFF0  }
0x72: {  	_ =	swait.ge [sflag:s26], $0x10  }
0x73: {  	[sflag:s26] =	ssyncset.done $0x0  }
0x74: {  	[sflag:s26] =	ssyncadd.s32 $0xFFFFFFF0  }
0x75: {  	_ =	swait.ge [sflag:s26], $0x10  }
0x76: {  	[sflag:s26] =	ssyncset.done $0x0  }
0x77: {  	[sflag:s26] =	ssyncadd.s32 $0xFFFFFFF0  }
0x78: {  	_ =	swait.ge [sflag:s26], $0x10  }
0x79: {  	[sflag:s26] =	ssyncset.done $0x0  }
0x7a: {  	[sflag:s26] =	ssyncadd.s32 $0xFFFFFFF0  }
0x7b: {  	_ =	swait.ge [sflag:s26], $0x10  }
0x7c: {  	[sflag:s26] =	ssyncset.done $0x0  }
0x7d: {  	[sflag:s26] =	ssyncadd.s32 $0xFFFFFFF0  }
0x7e: {  	_ =	swait.ge [sflag:s26], $0x10  }
0x7f: {  	[sflag:s26] =	ssyncset.done $0x0  }
0x80: {  	[sflag:s26] =	ssyncadd.s32 $0xFFFFFFF0  }
0x81: {  	_ =	swait.ge [sflag:s26], $0x10  }
0x82: {  	[sflag:s26] =	ssyncset.done $0x0  }
0x83: {  	[sflag:s26] =	ssyncadd.s32 $0xFFFFFFF0  }
0x84: {  	_ =	swait.ge [sflag:s26], $0x10  }
0x85: {  	[sflag:s26] =	ssyncset.done $0x0  }
0x86: {  	[sflag:s26] =	ssyncadd.s32 $0xFFFFFFF0  }
0x87: {  	_ =	swait.ge [sflag:s26], $0x10  }
0x88: {  	[sflag:s26] =	ssyncset.done $0x0  }
0x89: {  	[sflag:s26] =	ssyncadd.s32 $0xFFFFFFF0  }
0x8a: {  	_ =	swait.ge [sflag:s26], $0x10  }
0x8b: {  	[sflag:s26] =	ssyncset.done $0x0  }
0x8c: {  	[sflag:s26] =	ssyncadd.s32 $0xFFFFFFF0  }
0x8d: {  	_ =	swait.ge [sflag:s26], $0x10  }
0x8e: {  	[sflag:s26] =	ssyncset.done $0x0  }
0x8f: {  	[sflag:s26] =	ssyncadd.s32 $0xFFFFFFF0  }
0x90: {  	_ =	swait.ge [sflag:s26], $0x10  }
0x91: {  	[sflag:s26] =	ssyncset.done $0x0  }
0x92: {  	[sflag:s26] =	ssyncadd.s32 $0xFFFFFFF0  }
0x93: {  	_ =	swait.ge [sflag:s26], $0x10  }
0x94: {  	[sflag:s26] =	ssyncset.done $0x0  }
0x95: {  	[sflag:s26] =	ssyncadd.s32 $0xFFFFFFF0  }
0x96: {  	_ =	swait.ge [sflag:s26], $0x10  }
0x97: {  	[sflag:s26] =	ssyncset.done $0x0  }
0x98: {  	[sflag:s26] =	ssyncadd.s32 $0xFFFFFFF0  }
0x99: {  	_ =	swait.ge [sflag:s26], $0x10  }
0x9a: {  	[sflag:s26] =	ssyncset.done $0x0  }
0x9b: {  	[sflag:s26] =	ssyncadd.s32 $0xFFFFFFF0  }
0x9c: {  	v3 =	vld [tilespmem:$0x0];
	_ =	sdelay $0x4  }
0x9d: {  	v4 =	vshrl.u32 v3, $0x3  }
0x9e: {  	v4 =	vmul.u32 $0x30, v4  }
0x9f: {  	v3 =	vand.u32 $0x7, v3  }
0xa0: {  	v3 =	vor.u32 v3, v4  }
0xa1: {  	v4 =	vperm.xlane v3, v0;
	_ =	sdelay $0x1  }
0xa2: {  	v4 =	vadd.s32 v1, v4;
	_ =	sdelay $0x3  }
0xa3: {  	v3 =	vperm.xlane v3, v2  }
0xa4: {  	[tilespmem:s18], [sflag:$0x1] =	stream.indirect_vreg.gather [hbm4b:s23+s19], $0x80, v4, vm0, $0xb8;
	[tilespmem:$0x18100] =	vst v63  }
0xa5: {  	s6 =	simm.s32 $0x900;
	v3 =	vadd.s32 v1, v3  }
0xa6: {  	[tilespmem:s6], [sflag:$0x1] =	stream.indirect_vreg.gather [hbm4b:s28+s19], $0x80, v4, vm0, $0xb8;
	[tilespmem:$0x18100] =	vst v63  }
0xa7: {  	s7 =	simm.s32 $0x1100  }
0xa8: {  	[tilespmem:s7], [sflag:$0x1] =	stream.indirect_vreg.gather [hbm4b:s29+s19], $0x80, v4, vm0, $0xb8;
	[tilespmem:$0x18100] =	vst v63  }
0xa9: {  	s3 =	simm.s32 $0x1900  }
0xaa: {  	[tilespmem:s3], [sflag:$0x1] =	stream.indirect_vreg.gather [hbm4b:s23+s19], $0x80, v3, vm0, $0xb8;
	[tilespmem:$0x18100] =	vst v63  }
0xab: {  	s4 =	simm.s32 $0x2100  }
0xac: {  	[tilespmem:s4], [sflag:$0x1] =	stream.indirect_vreg.gather [hbm4b:s28+s19], $0x80, v3, vm0, $0xb8;
	[tilespmem:$0x18100] =	vst v63  }
0xad: {  	s5 =	simm.s32 $0x2900  }
0xae: {  	[tilespmem:s5], [sflag:$0x1] =	stream.indirect_vreg.gather [hbm4b:s29+s19], $0x80, v3, vm0, $0xb8;
	[tilespmem:$0x18100] =	vst v63  }
0xaf: {  	v3 =	vld [tilespmem:$0x10];
	_ =	sdelay $0x4  }
0xb0: {  	v57 =	vshrl.u32 v3, $0x3  }
0xb1: {  	v4 =	vmul.u32 $0x30, v57  }
0xb2: {  	v3 =	vand.u32 $0x7, v3  }
0xb3: {  	v3 =	vor.u32 v3, v4  }
0xb4: {  	v4 =	vperm.xlane v3, v0;
	_ =	sdelay $0x1  }
0xb5: {  	v4 =	vadd.s32 v1, v4;
	_ =	sdelay $0x3  }
0xb6: {  	s6 =	simm.s32 $0x3100;
	v3 =	vperm.xlane v3, v2  }
0xb7: {  	[tilespmem:s6], [sflag:$0x1] =	stream.indirect_vreg.gather [hbm4b:s23+s19], $0x80, v4, vm0, $0xb8;
	[tilespmem:$0x18100] =	vst v63  }
0xb8: {  	s7 =	simm.s32 $0x3900;
	v3 =	vadd.s32 v1, v3  }
0xb9: {  	[tilespmem:s7], [sflag:$0x1] =	stream.indirect_vreg.gather [hbm4b:s28+s19], $0x80, v4, vm0, $0xb8;
	[tilespmem:$0x18100] =	vst v63  }
0xba: {  	s3 =	simm.s32 $0x4100  }
0xbb: {  	[tilespmem:s3], [sflag:$0x1] =	stream.indirect_vreg.gather [hbm4b:s29+s19], $0x80, v4, vm0, $0xb8;
	[tilespmem:$0x18100] =	vst v63  }
0xbc: {  	s4 =	simm.s32 $0x4900  }
0xbd: {  	[tilespmem:s4], [sflag:$0x1] =	stream.indirect_vreg.gather [hbm4b:s23+s19], $0x80, v3, vm0, $0xb8;
	[tilespmem:$0x18100] =	vst v63  }
0xbe: {  	s5 =	simm.s32 $0x5100  }
0xbf: {  	[tilespmem:s5], [sflag:$0x1] =	stream.indirect_vreg.gather [hbm4b:s28+s19], $0x80, v3, vm0, $0xb8;
	[tilespmem:$0x18100] =	vst v63  }
0xc0: {  	s6 =	simm.s32 $0x5900  }
0xc1: {  	[tilespmem:s6], [sflag:$0x1] =	stream.indirect_vreg.gather [hbm4b:s29+s19], $0x80, v3, vm0, $0xb8;
	[tilespmem:$0x18100] =	vst v63  }
0xc2: {  	v3 =	vld [tilespmem:$0x20];
	_ =	sdelay $0x4  }
0xc3: {  	v58 =	vshrl.u32 v3, $0x3  }
0xc4: {  	v4 =	vmul.u32 $0x30, v58  }
0xc5: {  	v3 =	vand.u32 $0x7, v3  }
0xc6: {  	v3 =	vor.u32 v3, v4  }
0xc7: {  	v4 =	vperm.xlane v3, v0;
	_ =	sdelay $0x1  }
0xc8: {  	v4 =	vadd.s32 v1, v4;
	_ =	sdelay $0x3  }
0xc9: {  	s7 =	simm.s32 $0x6100;
	v3 =	vperm.xlane v3, v2  }
0xca: {  	[tilespmem:s7], [sflag:$0x1] =	stream.indirect_vreg.gather [hbm4b:s23+s19], $0x80, v4, vm0, $0xb8;
	[tilespmem:$0x18100] =	vst v63  }
0xcb: {  	s3 =	simm.s32 $0x6900;
	v3 =	vadd.s32 v1, v3  }
0xcc: {  	[tilespmem:s3], [sflag:$0x1] =	stream.indirect_vreg.gather [hbm4b:s28+s19], $0x80, v4, vm0, $0xb8;
	[tilespmem:$0x18100] =	vst v63  }
0xcd: {  	s4 =	simm.s32 $0x7100  }
0xce: {  	[tilespmem:s4], [sflag:$0x1] =	stream.indirect_vreg.gather [hbm4b:s29+s19], $0x80, v4, vm0, $0xb8;
	[tilespmem:$0x18100] =	vst v63  }
0xcf: {  	s5 =	simm.s32 $0x7900  }
0xd0: {  	[tilespmem:s5], [sflag:$0x1] =	stream.indirect_vreg.gather [hbm4b:s23+s19], $0x80, v3, vm0, $0xb8;
	[tilespmem:$0x18100] =	vst v63  }
0xd1: {  	s6 =	simm.s32 $0x8100  }
0xd2: {  	[tilespmem:s6], [sflag:$0x1] =	stream.indirect_vreg.gather [hbm4b:s28+s19], $0x80, v3, vm0, $0xb8;
	[tilespmem:$0x18100] =	vst v63  }
0xd3: {  	s7 =	simm.s32 $0x8900  }
0xd4: {  	[tilespmem:s7], [sflag:$0x1] =	stream.indirect_vreg.gather [hbm4b:s29+s19], $0x80, v3, vm0, $0xb8;
	[tilespmem:$0x18100] =	vst v63  }
0xd5: {  	v3 =	vld [tilespmem:$0x30];
	_ =	sdelay $0x4  }
0xd6: {  	v59 =	vshrl.u32 v3, $0x3  }
0xd7: {  	v4 =	vmul.u32 $0x30, v59  }
0xd8: {  	v3 =	vand.u32 $0x7, v3  }
0xd9: {  	v3 =	vor.u32 v3, v4  }
0xda: {  	v4 =	vperm.xlane v3, v0;
	_ =	sdelay $0x1  }
0xdb: {  	v4 =	vadd.s32 v1, v4;
	_ =	sdelay $0x3  }
0xdc: {  	s3 =	simm.s32 $0x9100;
	v3 =	vperm.xlane v3, v2  }
0xdd: {  	[tilespmem:s3], [sflag:$0x1] =	stream.indirect_vreg.gather [hbm4b:s23+s19], $0x80, v4, vm0, $0xb8;
	[tilespmem:$0x18100] =	vst v63  }
0xde: {  	s4 =	simm.s32 $0x9900;
	v3 =	vadd.s32 v1, v3  }
0xdf: {  	[tilespmem:s4], [sflag:$0x1] =	stream.indirect_vreg.gather [hbm4b:s28+s19], $0x80, v4, vm0, $0xb8;
	[tilespmem:$0x18100] =	vst v63  }
0xe0: {  	s5 =	simm.s32 $0xA100  }
0xe1: {  	[tilespmem:s5], [sflag:$0x1] =	stream.indirect_vreg.gather [hbm4b:s29+s19], $0x80, v4, vm0, $0xb8;
	[tilespmem:$0x18100] =	vst v63  }
0xe2: {  	s6 =	simm.s32 $0xA900  }
0xe3: {  	[tilespmem:s6], [sflag:$0x1] =	stream.indirect_vreg.gather [hbm4b:s23+s19], $0x80, v3, vm0, $0xb8;
	[tilespmem:$0x18100] =	vst v63  }
0xe4: {  	s7 =	simm.s32 $0xB100  }
0xe5: {  	[tilespmem:s7], [sflag:$0x1] =	stream.indirect_vreg.gather [hbm4b:s28+s19], $0x80, v3, vm0, $0xb8;
	[tilespmem:$0x18100] =	vst v63  }
0xe6: {  	s3 =	simm.s32 $0xB900  }
0xe7: {  	[tilespmem:s3], [sflag:$0x1] =	stream.indirect_vreg.gather [hbm4b:s29+s19], $0x80, v3, vm0, $0xb8;
	[tilespmem:$0x18100] =	vst v63  }
0xe8: {  	_ =	swait.ge [sflag:s26], $0xC000  }
0xe9: {  	[sflag:s26] =	ssyncset.done $0x0  }
0xea: {  	[sflag:s26] =	ssyncadd.s32 $0xFFFF4000  }
0xeb: {  	v3 =	vld [tilespmem:$0x40];
	_ =	sdelay $0x4  }
0xec: {  	v60 =	vshrl.u32 v3, $0x3  }
0xed: {  	v4 =	vmul.u32 $0x30, v60  }
0xee: {  	v3 =	vand.u32 $0x7, v3  }
0xef: {  	v3 =	vor.u32 v3, v4  }
0xf0: {  	v4 =	vperm.xlane v3, v0;
	_ =	sdelay $0x1  }
0xf1: {  	v4 =	vadd.s32 v1, v4;
	_ =	sdelay $0x3  }
0xf2: {  	v3 =	vperm.xlane v3, v2  }
0xf3: {  	[tilespmem:s30], [sflag:$0x1] =	stream.indirect_vreg.gather [hbm4b:s23+s19], $0x80, v4, vm0, $0xb8;
	[tilespmem:$0x18100] =	vst v63  }
0xf4: {  	s4 =	simm.s32 $0xC900;
	v3 =	vadd.s32 v1, v3  }
0xf5: {  	[tilespmem:s4], [sflag:$0x1] =	stream.indirect_vreg.gather [hbm4b:s28+s19], $0x80, v4, vm0, $0xb8;
	[tilespmem:$0x18100] =	vst v63  }
0xf6: {  	s5 =	simm.s32 $0xD100  }
0xf7: {  	[tilespmem:s5], [sflag:$0x1] =	stream.indirect_vreg.gather [hbm4b:s29+s19], $0x80, v4, vm0, $0xb8;
	[tilespmem:$0x18100] =	vst v63  }
0xf8: {  	s6 =	simm.s32 $0xD900  }
0xf9: {  	[tilespmem:s6], [sflag:$0x1] =	stream.indirect_vreg.gather [hbm4b:s23+s19], $0x80, v3, vm0, $0xb8;
	[tilespmem:$0x18100] =	vst v63  }
0xfa: {  	s7 =	simm.s32 $0xE100  }
0xfb: {  	[tilespmem:s7], [sflag:$0x1] =	stream.indirect_vreg.gather [hbm4b:s28+s19], $0x80, v3, vm0, $0xb8;
	[tilespmem:$0x18100] =	vst v63  }
0xfc: {  	s3 =	simm.s32 $0xE900  }
0xfd: {  	[tilespmem:s3], [sflag:$0x1] =	stream.indirect_vreg.gather [hbm4b:s29+s19], $0x80, v3, vm0, $0xb8;
	[tilespmem:$0x18100] =	vst v63  }
0xfe: {  	v3 =	vld [tilespmem:$0x50];
	_ =	sdelay $0x4  }
0xff: {  	v61 =	vshrl.u32 v3, $0x3  }
0x100: {  	v4 =	vmul.u32 $0x30, v61  }
0x101: {  	v3 =	vand.u32 $0x7, v3  }
0x102: {  	v3 =	vor.u32 v3, v4  }
0x103: {  	v4 =	vperm.xlane v3, v0;
	_ =	sdelay $0x1  }
0x104: {  	v4 =	vadd.s32 v1, v4;
	_ =	sdelay $0x3  }
0x105: {  	s4 =	simm.s32 $0xF100;
	v3 =	vperm.xlane v3, v2  }
0x106: {  	[tilespmem:s4], [sflag:$0x1] =	stream.indirect_vreg.gather [hbm4b:s23+s19], $0x80, v4, vm0, $0xb8;
	[tilespmem:$0x18100] =	vst v63  }
0x107: {  	s5 =	simm.s32 $0xF900;
	v3 =	vadd.s32 v1, v3  }
0x108: {  	[tilespmem:s5], [sflag:$0x1] =	stream.indirect_vreg.gather [hbm4b:s28+s19], $0x80, v4, vm0, $0xb8;
	[tilespmem:$0x18100] =	vst v63  }
0x109: {  	s6 =	simm.s32 $0x10100  }
0x10a: {  	[tilespmem:s6], [sflag:$0x1] =	stream.indirect_vreg.gather [hbm4b:s29+s19], $0x80, v4, vm0, $0xb8;
	[tilespmem:$0x18100] =	vst v63  }
0x10b: {  	s7 =	simm.s32 $0x10900  }
0x10c: {  	[tilespmem:s7], [sflag:$0x1] =	stream.indirect_vreg.gather [hbm4b:s23+s19], $0x80, v3, vm0, $0xb8;
	[tilespmem:$0x18100] =	vst v63  }
0x10d: {  	s3 =	simm.s32 $0x11100  }
0x10e: {  	[tilespmem:s3], [sflag:$0x1] =	stream.indirect_vreg.gather [hbm4b:s28+s19], $0x80, v3, vm0, $0xb8;
	[tilespmem:$0x18100] =	vst v63  }
0x10f: {  	s4 =	simm.s32 $0x11900  }
0x110: {  	[tilespmem:s4], [sflag:$0x1] =	stream.indirect_vreg.gather [hbm4b:s29+s19], $0x80, v3, vm0, $0xb8;
	[tilespmem:$0x18100] =	vst v63  }
0x111: {  	v3 =	vld [tilespmem:$0x60];
	_ =	sdelay $0x4  }
0x112: {  	v62 =	vshrl.u32 v3, $0x3  }
0x113: {  	v4 =	vmul.u32 $0x30, v62  }
0x114: {  	v3 =	vand.u32 $0x7, v3  }
0x115: {  	v3 =	vor.u32 v3, v4  }
0x116: {  	v4 =	vperm.xlane v3, v0;
	_ =	sdelay $0x1  }
0x117: {  	v4 =	vadd.s32 v1, v4;
	_ =	sdelay $0x3  }
0x118: {  	s5 =	simm.s32 $0x12100;
	v3 =	vperm.xlane v3, v2  }
0x119: {  	[tilespmem:s5], [sflag:$0x1] =	stream.indirect_vreg.gather [hbm4b:s23+s19], $0x80, v4, vm0, $0xb8;
	[tilespmem:$0x18100] =	vst v63  }
0x11a: {  	s6 =	simm.s32 $0x12900;
	v3 =	vadd.s32 v1, v3  }
0x11b: {  	[tilespmem:s6], [sflag:$0x1] =	stream.indirect_vreg.gather [hbm4b:s28+s19], $0x80, v4, vm0, $0xb8;
	[tilespmem:$0x18100] =	vst v63  }
0x11c: {  	s7 =	simm.s32 $0x13100  }
0x11d: {  	[tilespmem:s7], [sflag:$0x1] =	stream.indirect_vreg.gather [hbm4b:s29+s19], $0x80, v4, vm0, $0xb8;
	[tilespmem:$0x18100] =	vst v63  }
0x11e: {  	s3 =	simm.s32 $0x13900  }
0x11f: {  	[tilespmem:s3], [sflag:$0x1] =	stream.indirect_vreg.gather [hbm4b:s23+s19], $0x80, v3, vm0, $0xb8;
	[tilespmem:$0x18100] =	vst v63  }
0x120: {  	s4 =	simm.s32 $0x14100  }
0x121: {  	[tilespmem:s4], [sflag:$0x1] =	stream.indirect_vreg.gather [hbm4b:s28+s19], $0x80, v3, vm0, $0xb8;
	[tilespmem:$0x18100] =	vst v63  }
0x122: {  	s5 =	simm.s32 $0x14900  }
0x123: {  	[tilespmem:s5], [sflag:$0x1] =	stream.indirect_vreg.gather [hbm4b:s29+s19], $0x80, v3, vm0, $0xb8;
	[tilespmem:$0x18100] =	vst v63  }
0x124: {  	v3 =	vld [tilespmem:$0x70];
	_ =	sdelay $0x4  }
0x125: {  	v63 =	vshrl.u32 v3, $0x3  }
0x126: {  	v4 =	vmul.u32 $0x30, v63  }
0x127: {  	v3 =	vand.u32 $0x7, v3  }
0x128: {  	v3 =	vor.u32 v3, v4  }
0x129: {  	v4 =	vperm.xlane v3, v0;
	_ =	sdelay $0x1  }
0x12a: {  	v4 =	vadd.s32 v1, v4;
	_ =	sdelay $0x3  }
0x12b: {  	s6 =	simm.s32 $0x15100;
	v3 =	vperm.xlane v3, v2  }
0x12c: {  	[tilespmem:s6], [sflag:$0x1] =	stream.indirect_vreg.gather [hbm4b:s23+s19], $0x80, v4, vm0, $0xb8;
	[tilespmem:$0x18100] =	vst v63  }
0x12d: {  	s7 =	simm.s32 $0x15900;
	v3 =	vadd.s32 v1, v3  }
0x12e: {  	[tilespmem:s7], [sflag:$0x1] =	stream.indirect_vreg.gather [hbm4b:s28+s19], $0x80, v4, vm0, $0xb8;
	[tilespmem:$0x18100] =	vst v63  }
0x12f: {  	s3 =	simm.s32 $0x16100  }
0x130: {  	[tilespmem:s3], [sflag:$0x1] =	stream.indirect_vreg.gather [hbm4b:s29+s19], $0x80, v4, vm0, $0xb8;
	[tilespmem:$0x18100] =	vst v63  }
0x131: {  	s4 =	simm.s32 $0x16900  }
0x132: {  	[tilespmem:s4], [sflag:$0x1] =	stream.indirect_vreg.gather [hbm4b:s23+s19], $0x80, v3, vm0, $0xb8;
	[tilespmem:$0x18100] =	vst v63  }
0x133: {  	s5 =	simm.s32 $0x17100  }
0x134: {  	[tilespmem:s5], [sflag:$0x1] =	stream.indirect_vreg.gather [hbm4b:s28+s19], $0x80, v3, vm0, $0xb8;
	[tilespmem:$0x18100] =	vst v63  }
0x135: {  	s6 =	simm.s32 $0x17900  }
0x136: {  	[tilespmem:s6], [sflag:$0x1] =	stream.indirect_vreg.gather [hbm4b:s29+s19], $0x80, v3, vm0, $0xb8;
	[tilespmem:$0x18100] =	vst v63  }
0x137: {  	s7 =	rddreg [dreg:$0xc]  }
0x138: {  	[hbm4b:s7+s19] =	stream.linear.scatter [tilespmem:s18], [sflag:$0x2], $0xC000, $0x38;
	[tilespmem:$0x18100] =	vst v63  }
0x139: {  	s3 =	simm.s32 $0x100  }
0x13a: {  	[hbm4b:s20+s21] =	stream.strided.scatter [tilespmem:s3], [sflag:$0x2], $0x400, s31, s21, $0x38;
	[tilespmem:$0x18100] =	vst v63  }
0x13b: {  	s4 =	simm.s32 $0x500;
	s5 =	sadd.s32 $0x80, s20  }
0x13c: {  	[hbm4b:s5+s21] =	stream.strided.scatter [tilespmem:s4], [sflag:$0x2], $0x400, s31, s21, $0x38;
	[tilespmem:$0x18100] =	vst v63  }
0x13d: {  	s6 =	simm.s32 $0x900;
	s7 =	sadd.s32 $0x100, s20  }
0x13e: {  	[hbm4b:s7+s21] =	stream.strided.scatter [tilespmem:s6], [sflag:$0x2], $0x400, s31, s21, $0x38;
	[tilespmem:$0x18100] =	vst v63  }
0x13f: {  	s2 =	simm.s32 $0x1800;
	s4 =	simm.s32 $0xD00;
	s5 =	sadd.s32 $0x180, s20  }
0x140: {  	[hbm4b:s5+s21] =	stream.strided.scatter [tilespmem:s4], [sflag:$0x2], $0x400, s31, s21, $0x38;
	[tilespmem:$0x18100] =	vst v63  }
0x141: {  	s3 =	sadd.s32 $0xC000, s20;
	s6 =	simm.s32 $0x1100;
	s7 =	sadd.s32 $0x200, s20  }
0x142: {  	[hbm4b:s7+s21] =	stream.strided.scatter [tilespmem:s6], [sflag:$0x2], $0x400, s31, s21, $0x38;
	[tilespmem:$0x18100] =	vst v63  }
0x143: {  	s4 =	simm.s32 $0xC000;
	s5 =	simm.s32 $0x1500;
	s6 =	sadd.s32 $0x280, s20  }
.LBB2_2:
0x144: {  	[hbm4b:s6+s21] =	stream.strided.scatter [tilespmem:s5], [sflag:$0x2], $0x400, s31, s21, $0x38;
	[tilespmem:$0x18100] =	vst v63  }
0x145: {  	s5 =	smov.u32 s2;
	s2 =	smov.u32 s4  }
0x146: {  	s7 =	sadd.s32 $0x6000, s4;
	s2 =	sshra.s32 s2, $0x2;
	s6 =	sadd.s32 $0x100, s5  }
0x147: {  	[hbm4b:s3+s21] =	stream.strided.scatter [tilespmem:s6], [sflag:$0x2], $0x400, s31, s21, $0x38;
	[tilespmem:$0x18100] =	vst v63  }
0x148: {  	p0 =	sne.s32 s4, $0x2A000;
	s4 =	sadd.s32 $0x500, s5;
	s6 =	sadd.s32 $0x80, s3  }
0x149: {  	[hbm4b:s6+s21] =	stream.strided.scatter [tilespmem:s4], [sflag:$0x2], $0x400, s31, s21, $0x38;
	[tilespmem:$0x18100] =	vst v63  }
0x14a: {  	s4 =	sadd.s32 $0x900, s5;
	s6 =	sadd.s32 $0x100, s3  }
0x14b: {  	[hbm4b:s6+s21] =	stream.strided.scatter [tilespmem:s4], [sflag:$0x2], $0x400, s31, s21, $0x38;
	[tilespmem:$0x18100] =	vst v63  }
.Ltmp0:
0x14c: {  	s4 =	sadd.s32 $0xD00, s5;
	s6 =	sadd.s32 $0x180, s3;
	(pc) =	sbr.rel @p0 .LBB2_2-.Ltmp0, $4  }
0x14d: {  	[hbm4b:s6+s21] =	stream.strided.scatter [tilespmem:s4], [sflag:$0x2], $0x400, s31, s21, $0x38;
	[tilespmem:$0x18100] =	vst v63  }
0x14e: {  	s4 =	sadd.s32 $0x1100, s5;
	s6 =	sadd.s32 $0x200, s3;
	s5 =	sadd.s32 $0x1500, s5  }
0x14f: {  	[hbm4b:s6+s21] =	stream.strided.scatter [tilespmem:s4], [sflag:$0x2], $0x400, s31, s21, $0x38;
	[tilespmem:$0x18100] =	vst v63  }
0x150: {  	s6 =	sadd.s32 $0x280, s3;
	s3 =	sadd.s32 $0xC000, s3;
	s4 =	smov.u32 s7  }
0x151: {  	[hbm4b:s6+s21] =	stream.strided.scatter [tilespmem:s5], [sflag:$0x2], $0x400, s31, s21, $0x38;
	[tilespmem:$0x18100] =	vst v63  }
0x152: {  	s4 =	sadd.s32 $0x100, s2  }
0x153: {  	[hbm4b:s3+s21] =	stream.strided.scatter [tilespmem:s4], [sflag:$0x2], $0x400, s31, s21, $0x38;
	[tilespmem:$0x18100] =	vst v63  }
0x154: {  	s6 =	sadd.s32 $0x500, s2;
	s7 =	sadd.s32 $0x80, s3  }
0x155: {  	[hbm4b:s7+s21] =	stream.strided.scatter [tilespmem:s6], [sflag:$0x2], $0x400, s31, s21, $0x38;
	[tilespmem:$0x18100] =	vst v63  }
0x156: {  	s6 =	sadd.s32 $0x900, s2;
	s7 =	sadd.s32 $0x100, s3  }
0x157: {  	[hbm4b:s7+s21] =	stream.strided.scatter [tilespmem:s6], [sflag:$0x2], $0x400, s31, s21, $0x38;
	[tilespmem:$0x18100] =	vst v63  }
0x158: {  	s6 =	sadd.s32 $0xD00, s2;
	s7 =	sadd.s32 $0x180, s3  }
0x159: {  	[hbm4b:s7+s21] =	stream.strided.scatter [tilespmem:s6], [sflag:$0x2], $0x400, s31, s21, $0x38;
	[tilespmem:$0x18100] =	vst v63  }
0x15a: {  	s6 =	sadd.s32 $0x1100, s2;
	s7 =	sadd.s32 $0x200, s3  }
0x15b: {  	[hbm4b:s7+s21] =	stream.strided.scatter [tilespmem:s6], [sflag:$0x2], $0x400, s31, s21, $0x38;
	[tilespmem:$0x18100] =	vst v63  }
0x15c: {  	s6 =	sadd.s32 $0x1500, s2;
	s7 =	sadd.s32 $0x280, s3  }
0x15d: {  	[hbm4b:s7+s21] =	stream.strided.scatter [tilespmem:s6], [sflag:$0x2], $0x400, s31, s21, $0x38;
	[tilespmem:$0x18100] =	vst v63  }
0x15e: {  	_ =	swait.ge [sflag:s26], $0xC000  }
0x15f: {  	[sflag:s26] =	ssyncset.done $0x0  }
0x160: {  	[sflag:s26] =	ssyncadd.s32 $0xFFFF4000  }
0x161: {  	_ =	swait.ge [sflag:s17], $0xC000  }
0x162: {  	[sflag:s17] =	ssyncset.done $0x0  }
0x163: {  	[sflag:s17] =	ssyncadd.s32 $0xFFFF4000  }
0x164: {  	_ =	swait.ge [sflag:s17], $0xC000  }
0x165: {  	[sflag:s17] =	ssyncset.done $0x0  }
0x166: {  	[sflag:s17] =	ssyncadd.s32 $0xFFFF4000  }
0x167: {  	v3 =	vld [tilespmem:$0x80];
	_ =	sdelay $0x4  }
0x168: {  	v4 =	vshrl.u32 v3, $0x3  }
0x169: {  	v4 =	vmul.u32 $0x30, v4  }
0x16a: {  	v3 =	vand.u32 $0x7, v3  }
0x16b: {  	v3 =	vor.u32 v3, v4  }
0x16c: {  	v4 =	vperm.xlane v3, v0;
	_ =	sdelay $0x1  }
0x16d: {  	v4 =	vadd.s32 v1, v4;
	_ =	sdelay $0x3  }
0x16e: {  	s2 =	simm.s32 $0x0;
	v3 =	vperm.xlane v3, v2  }
0x16f: {  	[tilespmem:s18], [sflag:$0x1] =	stream.indirect_vreg.gather [hbm4b:s23+s2], $0x80, v4, vm0, $0xb8;
	[tilespmem:$0x18100] =	vst v63  }
0x170: {  	s4 =	simm.s32 $0x900;
	v3 =	vadd.s32 v1, v3  }
0x171: {  	[tilespmem:s4], [sflag:$0x1] =	stream.indirect_vreg.gather [hbm4b:s28+s2], $0x80, v4, vm0, $0xb8;
	[tilespmem:$0x18100] =	vst v63  }
0x172: {  	s5 =	simm.s32 $0x1100  }
0x173: {  	[tilespmem:s5], [sflag:$0x1] =	stream.indirect_vreg.gather [hbm4b:s29+s2], $0x80, v4, vm0, $0xb8;
	[tilespmem:$0x18100] =	vst v63  }
0x174: {  	s6 =	simm.s32 $0x1900  }
0x175: {  	[tilespmem:s6], [sflag:$0x1] =	stream.indirect_vreg.gather [hbm4b:s23+s2], $0x80, v3, vm0, $0xb8;
	[tilespmem:$0x18100] =	vst v63  }
0x176: {  	s7 =	simm.s32 $0x2100  }
0x177: {  	[tilespmem:s7], [sflag:$0x1] =	stream.indirect_vreg.gather [hbm4b:s28+s2], $0x80, v3, vm0, $0xb8;
	[tilespmem:$0x18100] =	vst v63  }
0x178: {  	s4 =	simm.s32 $0x2900  }
0x179: {  	[tilespmem:s4], [sflag:$0x1] =	stream.indirect_vreg.gather [hbm4b:s29+s2], $0x80, v3, vm0, $0xb8;
	[tilespmem:$0x18100] =	vst v63  }
0x17a: {  	v3 =	vld [tilespmem:$0x90];
	_ =	sdelay $0x4  }
0x17b: {  	v61 =	vshrl.u32 v3, $0x3  }
0x17c: {  	v4 =	vmul.u32 $0x30, v61  }
0x17d: {  	v3 =	vand.u32 $0x7, v3  }
0x17e: {  	v3 =	vor.u32 v3, v4  }
0x17f: {  	v4 =	vperm.xlane v3, v0;
	_ =	sdelay $0x1  }
0x180: {  	v4 =	vadd.s32 v1, v4;
	_ =	sdelay $0x3  }
0x181: {  	s5 =	simm.s32 $0x3100;
	v3 =	vperm.xlane v3, v2  }
0x182: {  	[tilespmem:s5], [sflag:$0x1] =	stream.indirect_vreg.gather [hbm4b:s23+s2], $0x80, v4, vm0, $0xb8;
	[tilespmem:$0x18100] =	vst v63  }
0x183: {  	s6 =	simm.s32 $0x3900;
	v3 =	vadd.s32 v1, v3  }
0x184: {  	[tilespmem:s6], [sflag:$0x1] =	stream.indirect_vreg.gather [hbm4b:s28+s2], $0x80, v4, vm0, $0xb8;
	[tilespmem:$0x18100] =	vst v63  }
0x185: {  	s7 =	simm.s32 $0x4100  }
0x186: {  	[tilespmem:s7], [sflag:$0x1] =	stream.indirect_vreg.gather [hbm4b:s29+s2], $0x80, v4, vm0, $0xb8;
	[tilespmem:$0x18100] =	vst v63  }
0x187: {  	s4 =	simm.s32 $0x4900  }
0x188: {  	[tilespmem:s4], [sflag:$0x1] =	stream.indirect_vreg.gather [hbm4b:s23+s2], $0x80, v3, vm0, $0xb8;
	[tilespmem:$0x18100] =	vst v63  }
0x189: {  	s5 =	simm.s32 $0x5100  }
0x18a: {  	[tilespmem:s5], [sflag:$0x1] =	stream.indirect_vreg.gather [hbm4b:s28+s2], $0x80, v3, vm0, $0xb8;
	[tilespmem:$0x18100] =	vst v63  }
0x18b: {  	s6 =	simm.s32 $0x5900  }
0x18c: {  	[tilespmem:s6], [sflag:$0x1] =	stream.indirect_vreg.gather [hbm4b:s29+s2], $0x80, v3, vm0, $0xb8;
	[tilespmem:$0x18100] =	vst v63  }
0x18d: {  	v3 =	vld [tilespmem:$0xA0];
	_ =	sdelay $0x4  }
0x18e: {  	v62 =	vshrl.u32 v3, $0x3  }
0x18f: {  	v4 =	vmul.u32 $0x30, v62  }
0x190: {  	v3 =	vand.u32 $0x7, v3  }
0x191: {  	v3 =	vor.u32 v3, v4  }
0x192: {  	v4 =	vperm.xlane v3, v0;
	_ =	sdelay $0x1  }
0x193: {  	v4 =	vadd.s32 v1, v4;
	_ =	sdelay $0x3  }
0x194: {  	s7 =	simm.s32 $0x6100;
	v3 =	vperm.xlane v3, v2  }
0x195: {  	[tilespmem:s7], [sflag:$0x1] =	stream.indirect_vreg.gather [hbm4b:s23+s2], $0x80, v4, vm0, $0xb8;
	[tilespmem:$0x18100] =	vst v63  }
0x196: {  	s4 =	simm.s32 $0x6900;
	v3 =	vadd.s32 v1, v3  }
0x197: {  	[tilespmem:s4], [sflag:$0x1] =	stream.indirect_vreg.gather [hbm4b:s28+s2], $0x80, v4, vm0, $0xb8;
	[tilespmem:$0x18100] =	vst v63  }
0x198: {  	s5 =	simm.s32 $0x7100  }
0x199: {  	[tilespmem:s5], [sflag:$0x1] =	stream.indirect_vreg.gather [hbm4b:s29+s2], $0x80, v4, vm0, $0xb8;
	[tilespmem:$0x18100] =	vst v63  }
0x19a: {  	s6 =	simm.s32 $0x7900  }
0x19b: {  	[tilespmem:s6], [sflag:$0x1] =	stream.indirect_vreg.gather [hbm4b:s23+s2], $0x80, v3, vm0, $0xb8;
	[tilespmem:$0x18100] =	vst v63  }
0x19c: {  	s7 =	simm.s32 $0x8100  }
0x19d: {  	[tilespmem:s7], [sflag:$0x1] =	stream.indirect_vreg.gather [hbm4b:s28+s2], $0x80, v3, vm0, $0xb8;
	[tilespmem:$0x18100] =	vst v63  }
0x19e: {  	s4 =	simm.s32 $0x8900  }
0x19f: {  	[tilespmem:s4], [sflag:$0x1] =	stream.indirect_vreg.gather [hbm4b:s29+s2], $0x80, v3, vm0, $0xb8;
	[tilespmem:$0x18100] =	vst v63  }
0x1a0: {  	v3 =	vld [tilespmem:$0xB0];
	_ =	sdelay $0x4  }
0x1a1: {  	v63 =	vshrl.u32 v3, $0x3  }
0x1a2: {  	v4 =	vmul.u32 $0x30, v63  }
0x1a3: {  	v3 =	vand.u32 $0x7, v3  }
0x1a4: {  	v3 =	vor.u32 v3, v4  }
0x1a5: {  	v4 =	vperm.xlane v3, v0;
	_ =	sdelay $0x1  }
0x1a6: {  	v4 =	vadd.s32 v1, v4;
	_ =	sdelay $0x3  }
0x1a7: {  	s5 =	simm.s32 $0x9100;
	v3 =	vperm.xlane v3, v2  }
0x1a8: {  	[tilespmem:s5], [sflag:$0x1] =	stream.indirect_vreg.gather [hbm4b:s23+s2], $0x80, v4, vm0, $0xb8;
	[tilespmem:$0x18100] =	vst v63  }
0x1a9: {  	s6 =	simm.s32 $0x9900;
	v3 =	vadd.s32 v1, v3  }
0x1aa: {  	[tilespmem:s6], [sflag:$0x1] =	stream.indirect_vreg.gather [hbm4b:s28+s2], $0x80, v4, vm0, $0xb8;
	[tilespmem:$0x18100] =	vst v63  }
0x1ab: {  	s7 =	simm.s32 $0xA100  }
0x1ac: {  	[tilespmem:s7], [sflag:$0x1] =	stream.indirect_vreg.gather [hbm4b:s29+s2], $0x80, v4, vm0, $0xb8;
	[tilespmem:$0x18100] =	vst v63  }
0x1ad: {  	s4 =	simm.s32 $0xA900  }
0x1ae: {  	[tilespmem:s4], [sflag:$0x1] =	stream.indirect_vreg.gather [hbm4b:s23+s2], $0x80, v3, vm0, $0xb8;
	[tilespmem:$0x18100] =	vst v63  }
0x1af: {  	s5 =	simm.s32 $0xB100  }
0x1b0: {  	[tilespmem:s5], [sflag:$0x1] =	stream.indirect_vreg.gather [hbm4b:s28+s2], $0x80, v3, vm0, $0xb8;
	[tilespmem:$0x18100] =	vst v63  }
0x1b1: {  	s6 =	simm.s32 $0xB900  }
0x1b2: {  	[tilespmem:s6], [sflag:$0x1] =	stream.indirect_vreg.gather [hbm4b:s29+s2], $0x80, v3, vm0, $0xb8;
	[tilespmem:$0x18100] =	vst v63  }
0x1b3: {  	s7 =	rddreg [dreg:$0xf]  }
0x1b4: {  	[hbm4b:s7+s2] =	stream.linear.scatter [tilespmem:s30], [sflag:$0x2], $0xC000, $0x38;
	[tilespmem:$0x18100] =	vst v63  }
0x1b5: {  	s3 =	simm.s32 $0xC100  }
0x1b6: {  	[hbm4b:s22+s21] =	stream.strided.scatter [tilespmem:s3], [sflag:$0x2], $0x400, s31, s21, $0x38;
	[tilespmem:$0x18100] =	vst v63  }
0x1b7: {  	s4 =	simm.s32 $0xC500;
	s5 =	sadd.s32 $0x80, s22  }
0x1b8: {  	[hbm4b:s5+s21] =	stream.strided.scatter [tilespmem:s4], [sflag:$0x2], $0x400, s31, s21, $0x38;
	[tilespmem:$0x18100] =	vst v63  }
0x1b9: {  	s6 =	simm.s32 $0xC900;
	s7 =	sadd.s32 $0x100, s22  }
0x1ba: {  	[hbm4b:s7+s21] =	stream.strided.scatter [tilespmem:s6], [sflag:$0x2], $0x400, s31, s21, $0x38;
	[tilespmem:$0x18100] =	vst v63  }
0x1bb: {  	s2 =	simm.s32 $0x1800;
	s4 =	simm.s32 $0xCD00;
	s5 =	sadd.s32 $0x180, s22  }
0x1bc: {  	[hbm4b:s5+s21] =	stream.strided.scatter [tilespmem:s4], [sflag:$0x2], $0x400, s31, s21, $0x38;
	[tilespmem:$0x18100] =	vst v63  }
0x1bd: {  	s3 =	sadd.s32 $0xC000, s22;
	s6 =	simm.s32 $0xD100;
	s7 =	sadd.s32 $0x200, s22  }
0x1be: {  	[hbm4b:s7+s21] =	stream.strided.scatter [tilespmem:s6], [sflag:$0x2], $0x400, s31, s21, $0x38;
	[tilespmem:$0x18100] =	vst v63  }
0x1bf: {  	s4 =	simm.s32 $0xC000;
	s5 =	simm.s32 $0xD500;
	s6 =	sadd.s32 $0x280, s22  }
.LBB2_4:
0x1c0: {  	[hbm4b:s6+s21] =	stream.strided.scatter [tilespmem:s5], [sflag:$0x2], $0x400, s31, s21, $0x38;
	[tilespmem:$0x18100] =	vst v63  }
0x1c1: {  	s5 =	smov.u32 s2;
	s2 =	smov.u32 s4  }
0x1c2: {  	s7 =	sadd.s32 $0x6000, s4;
	s2 =	sshra.s32 s2, $0x2;
	s6 =	sadd.s32 $0xC100, s5  }
0x1c3: {  	[hbm4b:s3+s21] =	stream.strided.scatter [tilespmem:s6], [sflag:$0x2], $0x400, s31, s21, $0x38;
	[tilespmem:$0x18100] =	vst v63  }
0x1c4: {  	p0 =	sne.s32 s4, $0x2A000;
	s4 =	sadd.s32 $0xC500, s5;
	s6 =	sadd.s32 $0x80, s3  }
0x1c5: {  	[hbm4b:s6+s21] =	stream.strided.scatter [tilespmem:s4], [sflag:$0x2], $0x400, s31, s21, $0x38;
	[tilespmem:$0x18100] =	vst v63  }
0x1c6: {  	s4 =	sadd.s32 $0xC900, s5;
	s6 =	sadd.s32 $0x100, s3  }
0x1c7: {  	[hbm4b:s6+s21] =	stream.strided.scatter [tilespmem:s4], [sflag:$0x2], $0x400, s31, s21, $0x38;
	[tilespmem:$0x18100] =	vst v63  }
.Ltmp1:
0x1c8: {  	s4 =	sadd.s32 $0xCD00, s5;
	s6 =	sadd.s32 $0x180, s3;
	(pc) =	sbr.rel @p0 .LBB2_4-.Ltmp1, $4  }
0x1c9: {  	[hbm4b:s6+s21] =	stream.strided.scatter [tilespmem:s4], [sflag:$0x2], $0x400, s31, s21, $0x38;
	[tilespmem:$0x18100] =	vst v63  }
0x1ca: {  	s4 =	sadd.s32 $0xD100, s5;
	s6 =	sadd.s32 $0x200, s3;
	s5 =	sadd.s32 $0xD500, s5  }
0x1cb: {  	[hbm4b:s6+s21] =	stream.strided.scatter [tilespmem:s4], [sflag:$0x2], $0x400, s31, s21, $0x38;
	[tilespmem:$0x18100] =	vst v63  }
0x1cc: {  	s6 =	sadd.s32 $0x280, s3;
	s3 =	sadd.s32 $0xC000, s3;
	s4 =	smov.u32 s7  }
0x1cd: {  	[hbm4b:s6+s21] =	stream.strided.scatter [tilespmem:s5], [sflag:$0x2], $0x400, s31, s21, $0x38;
	[tilespmem:$0x18100] =	vst v63  }
0x1ce: {  	s4 =	sadd.s32 $0xC100, s2  }
0x1cf: {  	[hbm4b:s3+s21] =	stream.strided.scatter [tilespmem:s4], [sflag:$0x2], $0x400, s31, s21, $0x38;
	[tilespmem:$0x18100] =	vst v63  }
0x1d0: {  	s6 =	sadd.s32 $0xC500, s2;
	s7 =	sadd.s32 $0x80, s3  }
0x1d1: {  	[hbm4b:s7+s21] =	stream.strided.scatter [tilespmem:s6], [sflag:$0x2], $0x400, s31, s21, $0x38;
	[tilespmem:$0x18100] =	vst v63  }
0x1d2: {  	s6 =	sadd.s32 $0xC900, s2;
	s7 =	sadd.s32 $0x100, s3  }
0x1d3: {  	[hbm4b:s7+s21] =	stream.strided.scatter [tilespmem:s6], [sflag:$0x2], $0x400, s31, s21, $0x38;
	[tilespmem:$0x18100] =	vst v63  }
0x1d4: {  	s6 =	sadd.s32 $0xCD00, s2;
	s7 =	sadd.s32 $0x180, s3  }
0x1d5: {  	[hbm4b:s7+s21] =	stream.strided.scatter [tilespmem:s6], [sflag:$0x2], $0x400, s31, s21, $0x38;
	[tilespmem:$0x18100] =	vst v63  }
0x1d6: {  	s6 =	sadd.s32 $0xD100, s2;
	s7 =	sadd.s32 $0x200, s3  }
0x1d7: {  	[hbm4b:s7+s21] =	stream.strided.scatter [tilespmem:s6], [sflag:$0x2], $0x400, s31, s21, $0x38;
	[tilespmem:$0x18100] =	vst v63  }
0x1d8: {  	s6 =	sadd.s32 $0xD500, s2;
	s7 =	sadd.s32 $0x280, s3  }
0x1d9: {  	[hbm4b:s7+s21] =	stream.strided.scatter [tilespmem:s6], [sflag:$0x2], $0x400, s31, s21, $0x38;
	[tilespmem:$0x18100] =	vst v63  }
0x1da: {  	_ =	swait.ge [sflag:s26], $0xC000  }
0x1db: {  	[sflag:s26] =	ssyncset.done $0x0  }
0x1dc: {  	[sflag:s26] =	ssyncadd.s32 $0xFFFF4000  }
0x1dd: {  	_ =	swait.ge [sflag:s17], $0xC000  }
0x1de: {  	[sflag:s17] =	ssyncset.done $0x0  }
0x1df: {  	[sflag:s17] =	ssyncadd.s32 $0xFFFF4000  }
0x1e0: {  	_ =	swait.ge [sflag:s17], $0xC000  }
0x1e1: {  	[sflag:s17] =	ssyncset.done $0x0  }
0x1e2: {  	[sflag:s17] =	ssyncadd.s32 $0xFFFF4000  }
0x1e3: {  	v3 =	vld [tilespmem:$0xC0];
	_ =	sdelay $0x4  }
0x1e4: {  	v4 =	vshrl.u32 v3, $0x3  }
0x1e5: {  	v4 =	vmul.u32 $0x30, v4  }
0x1e6: {  	v3 =	vand.u32 $0x7, v3  }
0x1e7: {  	v3 =	vor.u32 v3, v4  }
0x1e8: {  	v4 =	vperm.xlane v3, v0;
	_ =	sdelay $0x1  }
0x1e9: {  	v4 =	vadd.s32 v1, v4;
	_ =	sdelay $0x3  }
0x1ea: {  	s2 =	simm.s32 $0x0;
	v3 =	vperm.xlane v3, v2  }
0x1eb: {  	[tilespmem:s30], [sflag:$0x1] =	stream.indirect_vreg.gather [hbm4b:s23+s2], $0x80, v4, vm0, $0xb8;
	[tilespmem:$0x18100] =	vst v63  }
0x1ec: {  	s4 =	simm.s32 $0xC900;
	v3 =	vadd.s32 v1, v3  }
0x1ed: {  	[tilespmem:s4], [sflag:$0x1] =	stream.indirect_vreg.gather [hbm4b:s28+s2], $0x80, v4, vm0, $0xb8;
	[tilespmem:$0x18100] =	vst v63  }
0x1ee: {  	s5 =	simm.s32 $0xD100  }
0x1ef: {  	[tilespmem:s5], [sflag:$0x1] =	stream.indirect_vreg.gather [hbm4b:s29+s2], $0x80, v4, vm0, $0xb8;
	[tilespmem:$0x18100] =	vst v63  }
0x1f0: {  	s6 =	simm.s32 $0xD900  }
0x1f1: {  	[tilespmem:s6], [sflag:$0x1] =	stream.indirect_vreg.gather [hbm4b:s23+s2], $0x80, v3, vm0, $0xb8;
	[tilespmem:$0x18100] =	vst v63  }
0x1f2: {  	s7 =	simm.s32 $0xE100  }
0x1f3: {  	[tilespmem:s7], [sflag:$0x1] =	stream.indirect_vreg.gather [hbm4b:s28+s2], $0x80, v3, vm0, $0xb8;
	[tilespmem:$0x18100] =	vst v63  }
0x1f4: {  	s4 =	simm.s32 $0xE900  }
0x1f5: {  	[tilespmem:s4], [sflag:$0x1] =	stream.indirect_vreg.gather [hbm4b:s29+s2], $0x80, v3, vm0, $0xb8;
	[tilespmem:$0x18100] =	vst v63  }
0x1f6: {  	v3 =	vld [tilespmem:$0xD0];
	_ =	sdelay $0x4  }
0x1f7: {  	v61 =	vshrl.u32 v3, $0x3  }
0x1f8: {  	v4 =	vmul.u32 $0x30, v61  }
0x1f9: {  	v3 =	vand.u32 $0x7, v3  }
0x1fa: {  	v3 =	vor.u32 v3, v4  }
0x1fb: {  	v4 =	vperm.xlane v3, v0;
	_ =	sdelay $0x1  }
0x1fc: {  	v4 =	vadd.s32 v1, v4;
	_ =	sdelay $0x3  }
0x1fd: {  	s5 =	simm.s32 $0xF100;
	v3 =	vperm.xlane v3, v2  }
0x1fe: {  	[tilespmem:s5], [sflag:$0x1] =	stream.indirect_vreg.gather [hbm4b:s23+s2], $0x80, v4, vm0, $0xb8;
	[tilespmem:$0x18100] =	vst v63  }
0x1ff: {  	s6 =	simm.s32 $0xF900;
	v3 =	vadd.s32 v1, v3  }
0x200: {  	[tilespmem:s6], [sflag:$0x1] =	stream.indirect_vreg.gather [hbm4b:s28+s2], $0x80, v4, vm0, $0xb8;
	[tilespmem:$0x18100] =	vst v63  }
0x201: {  	s7 =	simm.s32 $0x10100  }
0x202: {  	[tilespmem:s7], [sflag:$0x1] =	stream.indirect_vreg.gather [hbm4b:s29+s2], $0x80, v4, vm0, $0xb8;
	[tilespmem:$0x18100] =	vst v63  }
0x203: {  	s4 =	simm.s32 $0x10900  }
0x204: {  	[tilespmem:s4], [sflag:$0x1] =	stream.indirect_vreg.gather [hbm4b:s23+s2], $0x80, v3, vm0, $0xb8;
	[tilespmem:$0x18100] =	vst v63  }
0x205: {  	s5 =	simm.s32 $0x11100  }
0x206: {  	[tilespmem:s5], [sflag:$0x1] =	stream.indirect_vreg.gather [hbm4b:s28+s2], $0x80, v3, vm0, $0xb8;
	[tilespmem:$0x18100] =	vst v63  }
0x207: {  	s6 =	simm.s32 $0x11900  }
0x208: {  	[tilespmem:s6], [sflag:$0x1] =	stream.indirect_vreg.gather [hbm4b:s29+s2], $0x80, v3, vm0, $0xb8;
	[tilespmem:$0x18100] =	vst v63  }
0x209: {  	v3 =	vld [tilespmem:$0xE0];
	_ =	sdelay $0x4  }
0x20a: {  	v62 =	vshrl.u32 v3, $0x3  }
0x20b: {  	v4 =	vmul.u32 $0x30, v62  }
0x20c: {  	v3 =	vand.u32 $0x7, v3  }
0x20d: {  	v3 =	vor.u32 v3, v4  }
0x20e: {  	v4 =	vperm.xlane v3, v0;
	_ =	sdelay $0x1  }
0x20f: {  	v4 =	vadd.s32 v1, v4;
	_ =	sdelay $0x3  }
0x210: {  	s7 =	simm.s32 $0x12100;
	v3 =	vperm.xlane v3, v2  }
0x211: {  	[tilespmem:s7], [sflag:$0x1] =	stream.indirect_vreg.gather [hbm4b:s23+s2], $0x80, v4, vm0, $0xb8;
	[tilespmem:$0x18100] =	vst v63  }
0x212: {  	s4 =	simm.s32 $0x12900;
	v3 =	vadd.s32 v1, v3  }
0x213: {  	[tilespmem:s4], [sflag:$0x1] =	stream.indirect_vreg.gather [hbm4b:s28+s2], $0x80, v4, vm0, $0xb8;
	[tilespmem:$0x18100] =	vst v63  }
0x214: {  	s5 =	simm.s32 $0x13100  }
0x215: {  	[tilespmem:s5], [sflag:$0x1] =	stream.indirect_vreg.gather [hbm4b:s29+s2], $0x80, v4, vm0, $0xb8;
	[tilespmem:$0x18100] =	vst v63  }
0x216: {  	s6 =	simm.s32 $0x13900  }
0x217: {  	[tilespmem:s6], [sflag:$0x1] =	stream.indirect_vreg.gather [hbm4b:s23+s2], $0x80, v3, vm0, $0xb8;
	[tilespmem:$0x18100] =	vst v63  }
0x218: {  	s7 =	simm.s32 $0x14100  }
0x219: {  	[tilespmem:s7], [sflag:$0x1] =	stream.indirect_vreg.gather [hbm4b:s28+s2], $0x80, v3, vm0, $0xb8;
	[tilespmem:$0x18100] =	vst v63  }
0x21a: {  	s4 =	simm.s32 $0x14900  }
0x21b: {  	[tilespmem:s4], [sflag:$0x1] =	stream.indirect_vreg.gather [hbm4b:s29+s2], $0x80, v3, vm0, $0xb8;
	[tilespmem:$0x18100] =	vst v63  }
0x21c: {  	v3 =	vld [tilespmem:$0xF0];
	_ =	sdelay $0x4  }
0x21d: {  	v63 =	vshrl.u32 v3, $0x3  }
0x21e: {  	v4 =	vmul.u32 $0x30, v63  }
0x21f: {  	v3 =	vand.u32 $0x7, v3  }
0x220: {  	v3 =	vor.u32 v3, v4  }
0x221: {  	v4 =	vperm.xlane v3, v0;
	_ =	sdelay $0x1  }
0x222: {  	v4 =	vadd.s32 v1, v4;
	_ =	sdelay $0x3  }
0x223: {  	s5 =	simm.s32 $0x15100;
	v3 =	vperm.xlane v3, v2  }
0x224: {  	[tilespmem:s5], [sflag:$0x1] =	stream.indirect_vreg.gather [hbm4b:s23+s2], $0x80, v4, vm0, $0xb8;
	[tilespmem:$0x18100] =	vst v63  }
0x225: {  	s6 =	simm.s32 $0x15900;
	v3 =	vadd.s32 v1, v3  }
0x226: {  	[tilespmem:s6], [sflag:$0x1] =	stream.indirect_vreg.gather [hbm4b:s28+s2], $0x80, v4, vm0, $0xb8;
	[tilespmem:$0x18100] =	vst v63  }
0x227: {  	s7 =	simm.s32 $0x16100  }
0x228: {  	[tilespmem:s7], [sflag:$0x1] =	stream.indirect_vreg.gather [hbm4b:s29+s2], $0x80, v4, vm0, $0xb8;
	[tilespmem:$0x18100] =	vst v63  }
0x229: {  	s4 =	simm.s32 $0x16900  }
0x22a: {  	[tilespmem:s4], [sflag:$0x1] =	stream.indirect_vreg.gather [hbm4b:s23+s2], $0x80, v3, vm0, $0xb8;
	[tilespmem:$0x18100] =	vst v63  }
0x22b: {  	s5 =	simm.s32 $0x17100  }
0x22c: {  	[tilespmem:s5], [sflag:$0x1] =	stream.indirect_vreg.gather [hbm4b:s28+s2], $0x80, v3, vm0, $0xb8;
	[tilespmem:$0x18100] =	vst v63  }
0x22d: {  	s6 =	simm.s32 $0x17900  }
0x22e: {  	[tilespmem:s6], [sflag:$0x1] =	stream.indirect_vreg.gather [hbm4b:s29+s2], $0x80, v3, vm0, $0xb8;
	[tilespmem:$0x18100] =	vst v63  }
0x22f: {  	s7 =	rddreg [dreg:$0xd]  }
0x230: {  	[hbm4b:s7+s2] =	stream.linear.scatter [tilespmem:s18], [sflag:$0x2], $0xC000, $0x38;
	[tilespmem:$0x18100] =	vst v63  }
0x231: {  	s3 =	simm.s32 $0x100  }
0x232: {  	[hbm4b:s24+s21] =	stream.strided.scatter [tilespmem:s3], [sflag:$0x2], $0x400, s31, s21, $0x38;
	[tilespmem:$0x18100] =	vst v63  }
0x233: {  	s4 =	simm.s32 $0x500;
	s5 =	sadd.s32 $0x80, s24  }
0x234: {  	[hbm4b:s5+s21] =	stream.strided.scatter [tilespmem:s4], [sflag:$0x2], $0x400, s31, s21, $0x38;
	[tilespmem:$0x18100] =	vst v63  }
0x235: {  	s6 =	simm.s32 $0x900;
	s7 =	sadd.s32 $0x100, s24  }
0x236: {  	[hbm4b:s7+s21] =	stream.strided.scatter [tilespmem:s6], [sflag:$0x2], $0x400, s31, s21, $0x38;
	[tilespmem:$0x18100] =	vst v63  }
0x237: {  	s2 =	simm.s32 $0x1800;
	s4 =	simm.s32 $0xD00;
	s5 =	sadd.s32 $0x180, s24  }
0x238: {  	[hbm4b:s5+s21] =	stream.strided.scatter [tilespmem:s4], [sflag:$0x2], $0x400, s31, s21, $0x38;
	[tilespmem:$0x18100] =	vst v63  }
0x239: {  	s3 =	sadd.s32 $0xC000, s24;
	s6 =	simm.s32 $0x1100;
	s7 =	sadd.s32 $0x200, s24  }
0x23a: {  	[hbm4b:s7+s21] =	stream.strided.scatter [tilespmem:s6], [sflag:$0x2], $0x400, s31, s21, $0x38;
	[tilespmem:$0x18100] =	vst v63  }
0x23b: {  	s4 =	simm.s32 $0xC000;
	s5 =	simm.s32 $0x1500;
	s6 =	sadd.s32 $0x280, s24  }
.LBB2_6:
0x23c: {  	[hbm4b:s6+s21] =	stream.strided.scatter [tilespmem:s5], [sflag:$0x2], $0x400, s31, s21, $0x38;
	[tilespmem:$0x18100] =	vst v63  }
0x23d: {  	s5 =	smov.u32 s2;
	s2 =	smov.u32 s4  }
0x23e: {  	s7 =	sadd.s32 $0x6000, s4;
	s2 =	sshra.s32 s2, $0x2;
	s6 =	sadd.s32 $0x100, s5  }
0x23f: {  	[hbm4b:s3+s21] =	stream.strided.scatter [tilespmem:s6], [sflag:$0x2], $0x400, s31, s21, $0x38;
	[tilespmem:$0x18100] =	vst v63  }
0x240: {  	p0 =	sne.s32 s4, $0x2A000;
	s4 =	sadd.s32 $0x500, s5;
	s6 =	sadd.s32 $0x80, s3  }
0x241: {  	[hbm4b:s6+s21] =	stream.strided.scatter [tilespmem:s4], [sflag:$0x2], $0x400, s31, s21, $0x38;
	[tilespmem:$0x18100] =	vst v63  }
0x242: {  	s4 =	sadd.s32 $0x900, s5;
	s6 =	sadd.s32 $0x100, s3  }
0x243: {  	[hbm4b:s6+s21] =	stream.strided.scatter [tilespmem:s4], [sflag:$0x2], $0x400, s31, s21, $0x38;
	[tilespmem:$0x18100] =	vst v63  }
.Ltmp2:
0x244: {  	s4 =	sadd.s32 $0xD00, s5;
	s6 =	sadd.s32 $0x180, s3;
	(pc) =	sbr.rel @p0 .LBB2_6-.Ltmp2, $4  }
0x245: {  	[hbm4b:s6+s21] =	stream.strided.scatter [tilespmem:s4], [sflag:$0x2], $0x400, s31, s21, $0x38;
	[tilespmem:$0x18100] =	vst v63  }
0x246: {  	s4 =	sadd.s32 $0x1100, s5;
	s6 =	sadd.s32 $0x200, s3;
	s5 =	sadd.s32 $0x1500, s5  }
0x247: {  	[hbm4b:s6+s21] =	stream.strided.scatter [tilespmem:s4], [sflag:$0x2], $0x400, s31, s21, $0x38;
	[tilespmem:$0x18100] =	vst v63  }
0x248: {  	s6 =	sadd.s32 $0x280, s3;
	s3 =	sadd.s32 $0xC000, s3;
	s4 =	smov.u32 s7  }
0x249: {  	[hbm4b:s6+s21] =	stream.strided.scatter [tilespmem:s5], [sflag:$0x2], $0x400, s31, s21, $0x38;
	[tilespmem:$0x18100] =	vst v63  }
0x24a: {  	s4 =	sadd.s32 $0x100, s2  }
0x24b: {  	[hbm4b:s3+s21] =	stream.strided.scatter [tilespmem:s4], [sflag:$0x2], $0x400, s31, s21, $0x38;
	[tilespmem:$0x18100] =	vst v63  }
0x24c: {  	s6 =	sadd.s32 $0x500, s2;
	s7 =	sadd.s32 $0x80, s3  }
0x24d: {  	[hbm4b:s7+s21] =	stream.strided.scatter [tilespmem:s6], [sflag:$0x2], $0x400, s31, s21, $0x38;
	[tilespmem:$0x18100] =	vst v63  }
0x24e: {  	s6 =	sadd.s32 $0x900, s2;
	s7 =	sadd.s32 $0x100, s3  }
0x24f: {  	[hbm4b:s7+s21] =	stream.strided.scatter [tilespmem:s6], [sflag:$0x2], $0x400, s31, s21, $0x38;
	[tilespmem:$0x18100] =	vst v63  }
0x250: {  	s6 =	sadd.s32 $0xD00, s2;
	s7 =	sadd.s32 $0x180, s3  }
0x251: {  	[hbm4b:s7+s21] =	stream.strided.scatter [tilespmem:s6], [sflag:$0x2], $0x400, s31, s21, $0x38;
	[tilespmem:$0x18100] =	vst v63  }
0x252: {  	s6 =	sadd.s32 $0x1100, s2;
	s7 =	sadd.s32 $0x200, s3  }
0x253: {  	[hbm4b:s7+s21] =	stream.strided.scatter [tilespmem:s6], [sflag:$0x2], $0x400, s31, s21, $0x38;
	[tilespmem:$0x18100] =	vst v63  }
0x254: {  	s5 =	sadd.s32 $0x280, s3;
	s4 =	sadd.s32 $0x1500, s2  }
0x255: {  	[hbm4b:s5+s21] =	stream.strided.scatter [tilespmem:s4], [sflag:$0x2], $0x400, s31, s21, $0x38;
	[tilespmem:$0x18100] =	vst v63  }
0x256: {  	_ =	swait.ge [sflag:s26], $0xC000  }
0x257: {  	[sflag:s26] =	ssyncset.done $0x0  }
0x258: {  	s6 =	simm.s32 $0x0;
	s7 =	rddreg [dreg:$0x10];
	[sflag:s26] =	ssyncadd.s32 $0xFFFF4000  }
0x259: {  	[hbm4b:s7+s6] =	stream.linear.scatter [tilespmem:s30], [sflag:$0x2], $0xC000, $0x38;
	[tilespmem:$0x18100] =	vst v63  }
0x25a: {  	s3 =	simm.s32 $0xC100  }
0x25b: {  	[hbm4b:s25+s21] =	stream.strided.scatter [tilespmem:s3], [sflag:$0x2], $0x400, s31, s21, $0x38;
	[tilespmem:$0x18100] =	vst v63  }
0x25c: {  	s4 =	simm.s32 $0xC500;
	s5 =	sadd.s32 $0x80, s25  }
0x25d: {  	[hbm4b:s5+s21] =	stream.strided.scatter [tilespmem:s4], [sflag:$0x2], $0x400, s31, s21, $0x38;
	[tilespmem:$0x18100] =	vst v63  }
0x25e: {  	s6 =	simm.s32 $0xC900;
	s7 =	sadd.s32 $0x100, s25  }
0x25f: {  	[hbm4b:s7+s21] =	stream.strided.scatter [tilespmem:s6], [sflag:$0x2], $0x400, s31, s21, $0x38;
	[tilespmem:$0x18100] =	vst v63  }
0x260: {  	s2 =	simm.s32 $0x1800;
	s4 =	simm.s32 $0xCD00;
	s5 =	sadd.s32 $0x180, s25  }
0x261: {  	[hbm4b:s5+s21] =	stream.strided.scatter [tilespmem:s4], [sflag:$0x2], $0x400, s31, s21, $0x38;
	[tilespmem:$0x18100] =	vst v63  }
0x262: {  	s3 =	sadd.s32 $0xC000, s25;
	s6 =	simm.s32 $0xD100;
	s7 =	sadd.s32 $0x200, s25  }
0x263: {  	[hbm4b:s7+s21] =	stream.strided.scatter [tilespmem:s6], [sflag:$0x2], $0x400, s31, s21, $0x38;
	[tilespmem:$0x18100] =	vst v63  }
0x264: {  	s4 =	simm.s32 $0xC000;
	s5 =	simm.s32 $0xD500;
	s6 =	sadd.s32 $0x280, s25  }
.LBB2_8:
0x265: {  	[hbm4b:s6+s21] =	stream.strided.scatter [tilespmem:s5], [sflag:$0x2], $0x400, s31, s21, $0x38;
	[tilespmem:$0x18100] =	vst v63  }
0x266: {  	s5 =	smov.u32 s2;
	s2 =	smov.u32 s4  }
0x267: {  	s7 =	sadd.s32 $0x6000, s4;
	s2 =	sshra.s32 s2, $0x2;
	s6 =	sadd.s32 $0xC100, s5  }
0x268: {  	[hbm4b:s3+s21] =	stream.strided.scatter [tilespmem:s6], [sflag:$0x2], $0x400, s31, s21, $0x38;
	[tilespmem:$0x18100] =	vst v63  }
0x269: {  	p0 =	sne.s32 s4, $0x2A000;
	s4 =	sadd.s32 $0xC500, s5;
	s6 =	sadd.s32 $0x80, s3  }
0x26a: {  	[hbm4b:s6+s21] =	stream.strided.scatter [tilespmem:s4], [sflag:$0x2], $0x400, s31, s21, $0x38;
	[tilespmem:$0x18100] =	vst v63  }
0x26b: {  	s4 =	sadd.s32 $0xC900, s5;
	s6 =	sadd.s32 $0x100, s3  }
0x26c: {  	[hbm4b:s6+s21] =	stream.strided.scatter [tilespmem:s4], [sflag:$0x2], $0x400, s31, s21, $0x38;
	[tilespmem:$0x18100] =	vst v63  }
.Ltmp3:
0x26d: {  	s4 =	sadd.s32 $0xCD00, s5;
	s6 =	sadd.s32 $0x180, s3;
	(pc) =	sbr.rel @p0 .LBB2_8-.Ltmp3, $4  }
0x26e: {  	[hbm4b:s6+s21] =	stream.strided.scatter [tilespmem:s4], [sflag:$0x2], $0x400, s31, s21, $0x38;
	[tilespmem:$0x18100] =	vst v63  }
0x26f: {  	s4 =	sadd.s32 $0xD100, s5;
	s6 =	sadd.s32 $0x200, s3;
	s5 =	sadd.s32 $0xD500, s5  }
0x270: {  	[hbm4b:s6+s21] =	stream.strided.scatter [tilespmem:s4], [sflag:$0x2], $0x400, s31, s21, $0x38;
	[tilespmem:$0x18100] =	vst v63  }
0x271: {  	s6 =	sadd.s32 $0x280, s3;
	s3 =	sadd.s32 $0xC000, s3;
	s4 =	smov.u32 s7  }
0x272: {  	[hbm4b:s6+s21] =	stream.strided.scatter [tilespmem:s5], [sflag:$0x2], $0x400, s31, s21, $0x38;
	[tilespmem:$0x18100] =	vst v63  }
0x273: {  	s4 =	sadd.s32 $0xC100, s2  }
0x274: {  	[hbm4b:s3+s21] =	stream.strided.scatter [tilespmem:s4], [sflag:$0x2], $0x400, s31, s21, $0x38;
	[tilespmem:$0x18100] =	vst v63  }
0x275: {  	s6 =	sadd.s32 $0xC500, s2;
	s7 =	sadd.s32 $0x80, s3  }
0x276: {  	[hbm4b:s7+s21] =	stream.strided.scatter [tilespmem:s6], [sflag:$0x2], $0x400, s31, s21, $0x38;
	[tilespmem:$0x18100] =	vst v63  }
0x277: {  	s6 =	sadd.s32 $0xC900, s2;
	s7 =	sadd.s32 $0x100, s3  }
0x278: {  	[hbm4b:s7+s21] =	stream.strided.scatter [tilespmem:s6], [sflag:$0x2], $0x400, s31, s21, $0x38;
	[tilespmem:$0x18100] =	vst v63  }
0x279: {  	s6 =	sadd.s32 $0xCD00, s2;
	s7 =	sadd.s32 $0x180, s3  }
0x27a: {  	[hbm4b:s7+s21] =	stream.strided.scatter [tilespmem:s6], [sflag:$0x2], $0x400, s31, s21, $0x38;
	[tilespmem:$0x18100] =	vst v63  }
0x27b: {  	s6 =	sadd.s32 $0xD100, s2;
	s7 =	sadd.s32 $0x200, s3  }
0x27c: {  	[hbm4b:s7+s21] =	stream.strided.scatter [tilespmem:s6], [sflag:$0x2], $0x400, s31, s21, $0x38;
	[tilespmem:$0x18100] =	vst v63  }
0x27d: {  	s5 =	sadd.s32 $0xD500, s2;
	s6 =	sadd.s32 $0x280, s3  }
0x27e: {  	[hbm4b:s6+s21] =	stream.strided.scatter [tilespmem:s5], [sflag:$0x2], $0x400, s31, s21, $0x38;
	[tilespmem:$0x18100] =	vst v63  }
0x27f: {  	_ =	swait.ge [sflag:s17], $0xC000  }
0x280: {  	[sflag:s17] =	ssyncset.done $0x0  }
0x281: {  	[sflag:s17] =	ssyncadd.s32 $0xFFFF4000  }
0x282: {  	_ =	swait.ge [sflag:s17], $0xC000  }
0x283: {  	[sflag:s17] =	ssyncset.done $0x0  }
0x284: {  	[sflag:s17] =	ssyncadd.s32 $0xFFFF4000  }
0x285: {  	_ =	swait.ge [sflag:s17], $0xC000  }
0x286: {  	[sflag:s17] =	ssyncset.done $0x0  }
0x287: {  	[sflag:s17] =	ssyncadd.s32 $0xFFFF4000  }
0x288: {  	_ =	swait.ge [sflag:s17], $0xC000  }
0x289: {  	s1 =	sadd.s32 $0x1, s1;
	s7 =	rddreg [dreg:$0xe]  }
0x28a: {  	p0 =	sne.s32 s1, s7  }
.Ltmp4:
0x28b: {  	_ = 	snop;
	(pc) =	sbr.rel @p0 .LBB2_1-.Ltmp4, $3  }
0x28c: {  	_ =	sdelay $0x1  }
0x28d: {  	[sflag:s17] =	ssyncset.done $0x0  }
0x28e: {  	[sflag:s17] =	ssyncadd.s32 $0xFFFF4000  }
0x28f: {  	_ =	sfence.sel $0x180000  }
0x290: {  	[bflag:$0x0] =	sbarrier.arrive $0xFFFF  }
0x291: {  	_ =	strace $0x90000047  }
0x292: {  	s0 =	stileid.u32;
	[bflag:$0x2] =	sbarrier.arrive $0xFFFF  }
0x293: {  	p0 =	sne.s32 s0, $0x0;
	s0 =	rddreg [dreg:$0x4]  }
0x294: {  	s0 =	sadd.s32 @!p0 $0x100000, s0  }
0x295: {  	[sflag:s0] =	ssyncadd.tile.s32 @!p0 $0x1;
	_ =	shalt  }
.Lfunc_end2:
_tile_overlayer_lowered:
.L_overlay_start_2:
0x296: {  	(tag) =	ssettag $0x2  }
0x297: {  	s0 =	rddreg [dreg:$0x0];
	s2 =	stileid.u32  }
0x298: {  	s1 =	rddreg [dreg:$0x1];
	p0 =	sne.s32 s2, $0x0  }
0x299: {  	s3 =	rddreg [dreg:$0x2];
	[bflag:$0x3] =	sbarrier.arrive $0xFFFF;
	s2 =	simm.s32 @!p0 $0x1C03  }
0x29a: {  	[timem:s3], [sflag:s2] =	dma.local @!p0 [hbm:s0], s1  }
0x29b: {  	s0 =	simm.s32 @!p0 $0x3  }
0x29c: {  	_ =	swait.ge @!p0 [sflag:s0], s1  }
0x29d: {  	s1 =	ssub.s32 @!p0 $0x0, s1;
	[sflag:s0] =	ssyncset.done @!p0 $0x0  }
0x29e: {  	[sflag:s0] =	ssyncadd.s32 @!p0 s1  }
0x29f: {  	[bflag:$0x3] =	sbarrier.arrive $0xFFFF  }
0x2a0: {  	_ =	shalt  }

</sc_bundles>
